<compile_context>
chip_gen: v7x
topology: tpu7x:2x2x1
jax: 0.10.2.dev20260603
libtpu: 0.0.44.dev20260713+nightly
codegen_flags: <defaults>
</compile_context>

<pallas_src>
import jax
import jax.numpy as jnp
from jax import lax
from jax.experimental import pallas as pl
from jax.experimental.pallas import tpu as pltpu
from jax.experimental.pallas import tpu_sc as plsc

DIM = 64
B = 4096
S = 200
NC = 2
NS = 16
NW = NC * NS
RPW = B // NW
CHUNK = 2
CPW = RPW // CHUNK


def _emb_body(ids_hbm, table_hbm, pos_hbm, out_hbm,
              idx_all, pos_v, rows0, rows1, sem0, sem1):
    cid = lax.axis_index("c")
    sid = lax.axis_index("s")
    wid = sid * NC + cid
    row0 = wid * RPW

    pltpu.sync_copy(ids_hbm.at[pl.ds(row0, RPW)], idx_all)
    pltpu.sync_copy(pos_hbm.at[pl.ds(0, S)], pos_v.at[0])
    pltpu.sync_copy(pos_hbm.at[pl.ds(0, S)], pos_v.at[1])

    def gather_into(i, rows, sem):
        for b in range(CHUNK):
            pltpu.async_copy(
                table_hbm.at[idx_all.at[CHUNK * i + b]],
                rows.at[b],
                sem,
            )

    def wait_gather(rows, sem):
        for b in range(CHUNK):
            pltpu.make_async_copy(
                table_hbm.at[idx_all.at[b]],
                rows.at[b],
                sem,
            ).wait()

    def add_pos_and_flush(i, rows):
        for b in range(CHUNK):
            @pl.loop(0, S, unroll=8)
            def _add_loop(r):
                for c4 in range(DIM // 16):
                    plsc.addupdate(
                        rows.at[b, r, pl.ds(c4 * 16, 16)],
                        pos_v[b, r, pl.ds(c4 * 16, 16)],
                    )
        pltpu.sync_copy(rows, out_hbm.at[pl.ds(row0 + CHUNK * i, CHUNK)])

    gather_into(0, rows0, sem0)

    @pl.loop(0, CPW, step=2)
    def _chunk_loop(i):
        wait_gather(rows0, sem0)
        gather_into(i + 1, rows1, sem1)
        add_pos_and_flush(i, rows0)

        wait_gather(rows1, sem1)

        @pl.when(i + 2 < CPW)
        def _():
            gather_into(i + 2, rows0, sem0)

        add_pos_and_flush(i + 1, rows1)


def kernel(token_ids, token_table, pos_table):
    k = pl.kernel(
        _emb_body,
        out_type=jax.ShapeDtypeStruct((B, S, DIM), jnp.float32),
        mesh=plsc.VectorSubcoreMesh(core_axis_name="c", subcore_axis_name="s"),
        compiler_params=pltpu.CompilerParams(use_tc_tiling_on_sc=False),
        scratch_types=[
            pltpu.VMEM((RPW, S), jnp.int32),
            pltpu.VMEM((CHUNK, S, DIM), jnp.float32),
            pltpu.VMEM((CHUNK, S, DIM), jnp.float32),
            pltpu.VMEM((CHUNK, S, DIM), jnp.float32),
            pltpu.SemaphoreType.DMA,
            pltpu.SemaphoreType.DMA,
        ],
    )
    return k(token_ids.astype(jnp.int32), token_table, pos_table)

# --- scband reference (transcript-rebuilt; emitter-appended) ---
"""Pipeline reference for scband-simple-embedding-35201551958585 (READ-ONLY COPY).

The authoritative reference and input builder live on the scoring server;
editing this copy changes nothing except your own understanding.
"""

import jax, jax.numpy as jnp
import numpy as np

VOCAB = 1000000
CTX = 2048
DIM = 64
B = 4096
S = 200

def setup_inputs(seed: int = 0) -> dict:
    key = jax.random.key(seed)
    k1, k2, k3 = jax.random.split(key, 3)
    token_ids = jax.random.randint(k1, (B, S), 0, VOCAB, dtype=jnp.int64 if jax.config.jax_enable_x64 else jnp.int32)
    token_table = jax.random.normal(k2, (VOCAB, DIM), dtype=jnp.float32)
    pos_table = jax.random.normal(k3, (CTX, DIM), dtype=jnp.float32)
    return {"token_ids": token_ids, "token_table": token_table, "pos_table": pos_table}

def reference(token_ids, token_table, pos_table):
    # positions 0..seq-1 per row (position_ids omitted in forward)
    seq = token_ids.shape[1]
    position_ids = jnp.broadcast_to(jnp.arange(seq, dtype=token_ids.dtype)[None, :], token_ids.shape)
    token_embeddings = jnp.take(token_table, token_ids, axis=0)
    position_embeddings = jnp.take(pos_table, position_ids, axis=0)
    return token_embeddings + position_embeddings

if __name__ == "__main__":
    import jax
    _d = setup_inputs()
    print(jax.jit(kernel)(*tuple(_d.values())))

</pallas_src>

<mosaic_0001>
#map = affine_map<(d0, d1) -> (0, 0)>
#map1 = affine_map<(d0, d1) -> (0, 0, 0)>
module attributes {stable_mosaic.version = 14 : i64} {
  func.func @_emb_body(%arg0: i32, %arg1: i32, %arg2: memref<4096x200xi32, #tpu.memory_space<hbm>>, %arg3: memref<1000000x64xf32, #tpu.memory_space<hbm>>, %arg4: memref<2048x64xf32, #tpu.memory_space<hbm>>, %arg5: memref<4096x200x64xf32, #tpu.memory_space<hbm>>, %arg6: memref<128x200xi32, #tpu.memory_space<vmem>>, %arg7: memref<2x200x64xf32, #tpu.memory_space<vmem>>, %arg8: memref<2x200x64xf32, #tpu.memory_space<vmem>>, %arg9: memref<2x200x64xf32, #tpu.memory_space<vmem>>, %arg10: memref<!tpu.dma_semaphore, #tpu.memory_space<semaphore_mem>>, %arg11: memref<!tpu.dma_semaphore, #tpu.memory_space<semaphore_mem>>) attributes {dimension_semantics = [#tpu.dimension_semantics<core_parallel>, #tpu.dimension_semantics<subcore_parallel>], iteration_bounds = array<i64: 2, 16>, scalar_prefetch = 0 : i64, scratch_operands = 6 : i64, tpu.core_type = #tpu.core_type<sc_vector_subcore>, window_params = [{transform_indices = #map}, {transform_indices = #map}, {transform_indices = #map}, {transform_indices = #map1}]} {
    %mul3A = arith.constant 2 : i32
    %mul3A_0 = arith.muli %arg1, %mul3A : i32
    %add3A = arith.addi %mul3A_0, %arg0 : i32
    %mul3A_1 = arith.constant 128 : i32
    %mul3A_2 = arith.muli %add3A, %mul3A_1 : i32
    "tpu.region"() ({
      %run_scoped3A_31 = tpu.sem_alloc : memref<!tpu.dma_semaphore, #tpu.memory_space<semaphore_mem>>
      %dma_start3A_32 = arith.constant 0 : i32
      %dma_start3A_33 = tpu.memref_slice %arg2[%mul3A_2, %dma_start3A_32] : memref<4096x200xi32, #tpu.memory_space<hbm>> -> memref<128x200xi32, #tpu.memory_space<hbm>>
      %dma_start3A_34 = arith.constant 0 : i32
      %dma_start3A_35 = tpu.memref_slice %arg2[%mul3A_2, %dma_start3A_34] : memref<4096x200xi32, #tpu.memory_space<hbm>> -> memref<128x200xi32, #tpu.memory_space<hbm>>
      tpu.enqueue_dma source(%dma_start3A_35 : memref<128x200xi32, #tpu.memory_space<hbm>>) target(%arg6 : memref<128x200xi32, #tpu.memory_space<vmem>>) target_semaphore(%run_scoped3A_31 : memref<!tpu.dma_semaphore, #tpu.memory_space<semaphore_mem>>)
      %dma_wait3A = arith.constant 0 : i32
      %dma_wait3A_36 = tpu.memref_slice %arg2[%mul3A_2, %dma_wait3A] : memref<4096x200xi32, #tpu.memory_space<hbm>> -> memref<128x200xi32, #tpu.memory_space<hbm>>
      %dma_wait3A_37 = arith.constant 0 : i32
      %dma_wait3A_38 = tpu.memref_slice %arg2[%mul3A_2, %dma_wait3A_37] : memref<4096x200xi32, #tpu.memory_space<hbm>> -> memref<128x200xi32, #tpu.memory_space<hbm>>
      tpu.wait_dma2 semaphore(%run_scoped3A_31 : memref<!tpu.dma_semaphore, #tpu.memory_space<semaphore_mem>>) src(%dma_wait3A_38 : memref<128x200xi32, #tpu.memory_space<hbm>>) dst(%arg6 : memref<128x200xi32, #tpu.memory_space<vmem>>)
      tpu.yield
    }) : () -> ()
    %run_scoped3A = arith.constant 0 : i32
    "tpu.region"() ({
      %run_scoped3A_31 = tpu.sem_alloc : memref<!tpu.dma_semaphore, #tpu.memory_space<semaphore_mem>>
      %dma_start3A_32 = arith.constant 0 : i32
      %dma_start3A_33 = arith.constant 0 : i32
      %dma_start3A_34 = tpu.memref_slice %arg7[%run_scoped3A, %dma_start3A_32, %dma_start3A_33] : memref<2x200x64xf32, #tpu.memory_space<vmem>> -> memref<1x200x64xf32, #tpu.memory_space<vmem>>
      %dma_start3A_35 = tpu.memref_squeeze %dma_start3A_34 : memref<1x200x64xf32, #tpu.memory_space<vmem>> -> memref<200x64xf32, #tpu.memory_space<vmem>>
      %dma_start3A_36 = arith.constant 0 : i32
      %dma_start3A_37 = arith.constant 0 : i32
      %dma_start3A_38 = tpu.memref_slice %arg4[%dma_start3A_36, %dma_start3A_37] : memref<2048x64xf32, #tpu.memory_space<hbm>> -> memref<200x64xf32, #tpu.memory_space<hbm>>
      %dma_start3A_39 = arith.constant 0 : i32
      %dma_start3A_40 = arith.constant 0 : i32
      %dma_start3A_41 = tpu.memref_slice %arg7[%run_scoped3A, %dma_start3A_39, %dma_start3A_40] : memref<2x200x64xf32, #tpu.memory_space<vmem>> -> memref<1x200x64xf32, #tpu.memory_space<vmem>>
      %dma_start3A_42 = tpu.memref_squeeze %dma_start3A_41 : memref<1x200x64xf32, #tpu.memory_space<vmem>> -> memref<200x64xf32, #tpu.memory_space<vmem>>
      %dma_start3A_43 = arith.constant 0 : i32
      %dma_start3A_44 = arith.constant 0 : i32
      %dma_start3A_45 = tpu.memref_slice %arg4[%dma_start3A_43, %dma_start3A_44] : memref<2048x64xf32, #tpu.memory_space<hbm>> -> memref<200x64xf32, #tpu.memory_space<hbm>>
      tpu.enqueue_dma source(%dma_start3A_45 : memref<200x64xf32, #tpu.memory_space<hbm>>) target(%dma_start3A_42 : memref<200x64xf32, #tpu.memory_space<vmem>>) target_semaphore(%run_scoped3A_31 : memref<!tpu.dma_semaphore, #tpu.memory_space<semaphore_mem>>)
      %dma_wait3A = arith.constant 0 : i32
      %dma_wait3A_46 = arith.constant 0 : i32
      %dma_wait3A_47 = tpu.memref_slice %arg7[%run_scoped3A, %dma_wait3A, %dma_wait3A_46] : memref<2x200x64xf32, #tpu.memory_space<vmem>> -> memref<1x200x64xf32, #tpu.memory_space<vmem>>
      %dma_wait3A_48 = tpu.memref_squeeze %dma_wait3A_47 : memref<1x200x64xf32, #tpu.memory_space<vmem>> -> memref<200x64xf32, #tpu.memory_space<vmem>>
      %dma_wait3A_49 = arith.constant 0 : i32
      %dma_wait3A_50 = arith.constant 0 : i32
      %dma_wait3A_51 = tpu.memref_slice %arg4[%dma_wait3A_49, %dma_wait3A_50] : memref<2048x64xf32, #tpu.memory_space<hbm>> -> memref<200x64xf32, #tpu.memory_space<hbm>>
      %dma_wait3A_52 = arith.constant 0 : i32
      %dma_wait3A_53 = arith.constant 0 : i32
      %dma_wait3A_54 = tpu.memref_slice %arg7[%run_scoped3A, %dma_wait3A_52, %dma_wait3A_53] : memref<2x200x64xf32, #tpu.memory_space<vmem>> -> memref<1x200x64xf32, #tpu.memory_space<vmem>>
      %dma_wait3A_55 = tpu.memref_squeeze %dma_wait3A_54 : memref<1x200x64xf32, #tpu.memory_space<vmem>> -> memref<200x64xf32, #tpu.memory_space<vmem>>
      %dma_wait3A_56 = arith.constant 0 : i32
      %dma_wait3A_57 = arith.constant 0 : i32
      %dma_wait3A_58 = tpu.memref_slice %arg4[%dma_wait3A_56, %dma_wait3A_57] : memref<2048x64xf32, #tpu.memory_space<hbm>> -> memref<200x64xf32, #tpu.memory_space<hbm>>
      tpu.wait_dma2 semaphore(%run_scoped3A_31 : memref<!tpu.dma_semaphore, #tpu.memory_space<semaphore_mem>>) src(%dma_wait3A_58 : memref<200x64xf32, #tpu.memory_space<hbm>>) dst(%dma_wait3A_55 : memref<200x64xf32, #tpu.memory_space<vmem>>)
      tpu.yield
    }) : () -> ()
    %run_scoped3A_3 = arith.constant 1 : i32
    "tpu.region"() ({
      %run_scoped3A_31 = tpu.sem_alloc : memref<!tpu.dma_semaphore, #tpu.memory_space<semaphore_mem>>
      %dma_start3A_32 = arith.constant 0 : i32
      %dma_start3A_33 = arith.constant 0 : i32
      %dma_start3A_34 = tpu.memref_slice %arg7[%run_scoped3A_3, %dma_start3A_32, %dma_start3A_33] : memref<2x200x64xf32, #tpu.memory_space<vmem>> -> memref<1x200x64xf32, #tpu.memory_space<vmem>>
      %dma_start3A_35 = tpu.memref_squeeze %dma_start3A_34 : memref<1x200x64xf32, #tpu.memory_space<vmem>> -> memref<200x64xf32, #tpu.memory_space<vmem>>
      %dma_start3A_36 = arith.constant 0 : i32
      %dma_start3A_37 = arith.constant 0 : i32
      %dma_start3A_38 = tpu.memref_slice %arg4[%dma_start3A_36, %dma_start3A_37] : memref<2048x64xf32, #tpu.memory_space<hbm>> -> memref<200x64xf32, #tpu.memory_space<hbm>>
      %dma_start3A_39 = arith.constant 0 : i32
      %dma_start3A_40 = arith.constant 0 : i32
      %dma_start3A_41 = tpu.memref_slice %arg7[%run_scoped3A_3, %dma_start3A_39, %dma_start3A_40] : memref<2x200x64xf32, #tpu.memory_space<vmem>> -> memref<1x200x64xf32, #tpu.memory_space<vmem>>
      %dma_start3A_42 = tpu.memref_squeeze %dma_start3A_41 : memref<1x200x64xf32, #tpu.memory_space<vmem>> -> memref<200x64xf32, #tpu.memory_space<vmem>>
      %dma_start3A_43 = arith.constant 0 : i32
      %dma_start3A_44 = arith.constant 0 : i32
      %dma_start3A_45 = tpu.memref_slice %arg4[%dma_start3A_43, %dma_start3A_44] : memref<2048x64xf32, #tpu.memory_space<hbm>> -> memref<200x64xf32, #tpu.memory_space<hbm>>
      tpu.enqueue_dma source(%dma_start3A_45 : memref<200x64xf32, #tpu.memory_space<hbm>>) target(%dma_start3A_42 : memref<200x64xf32, #tpu.memory_space<vmem>>) target_semaphore(%run_scoped3A_31 : memref<!tpu.dma_semaphore, #tpu.memory_space<semaphore_mem>>)
      %dma_wait3A = arith.constant 0 : i32
      %dma_wait3A_46 = arith.constant 0 : i32
      %dma_wait3A_47 = tpu.memref_slice %arg7[%run_scoped3A_3, %dma_wait3A, %dma_wait3A_46] : memref<2x200x64xf32, #tpu.memory_space<vmem>> -> memref<1x200x64xf32, #tpu.memory_space<vmem>>
      %dma_wait3A_48 = tpu.memref_squeeze %dma_wait3A_47 : memref<1x200x64xf32, #tpu.memory_space<vmem>> -> memref<200x64xf32, #tpu.memory_space<vmem>>
      %dma_wait3A_49 = arith.constant 0 : i32
      %dma_wait3A_50 = arith.constant 0 : i32
      %dma_wait3A_51 = tpu.memref_slice %arg4[%dma_wait3A_49, %dma_wait3A_50] : memref<2048x64xf32, #tpu.memory_space<hbm>> -> memref<200x64xf32, #tpu.memory_space<hbm>>
      %dma_wait3A_52 = arith.constant 0 : i32
      %dma_wait3A_53 = arith.constant 0 : i32
      %dma_wait3A_54 = tpu.memref_slice %arg7[%run_scoped3A_3, %dma_wait3A_52, %dma_wait3A_53] : memref<2x200x64xf32, #tpu.memory_space<vmem>> -> memref<1x200x64xf32, #tpu.memory_space<vmem>>
      %dma_wait3A_55 = tpu.memref_squeeze %dma_wait3A_54 : memref<1x200x64xf32, #tpu.memory_space<vmem>> -> memref<200x64xf32, #tpu.memory_space<vmem>>
      %dma_wait3A_56 = arith.constant 0 : i32
      %dma_wait3A_57 = arith.constant 0 : i32
      %dma_wait3A_58 = tpu.memref_slice %arg4[%dma_wait3A_56, %dma_wait3A_57] : memref<2048x64xf32, #tpu.memory_space<hbm>> -> memref<200x64xf32, #tpu.memory_space<hbm>>
      tpu.wait_dma2 semaphore(%run_scoped3A_31 : memref<!tpu.dma_semaphore, #tpu.memory_space<semaphore_mem>>) src(%dma_wait3A_58 : memref<200x64xf32, #tpu.memory_space<hbm>>) dst(%dma_wait3A_55 : memref<200x64xf32, #tpu.memory_space<vmem>>)
      tpu.yield
    }) : () -> ()
    %dma_start3A = arith.constant 0 : i32
    %dma_start3A_4 = arith.constant 0 : i32
    %dma_start3A_5 = arith.constant 0 : i32
    %dma_start3A_6 = arith.constant 0 : i32
    %dma_start3A_7 = tpu.memref_slice %arg8[%dma_start3A_4, %dma_start3A_5, %dma_start3A_6] : memref<2x200x64xf32, #tpu.memory_space<vmem>> -> memref<1x200x64xf32, #tpu.memory_space<vmem>>
    %dma_start3A_8 = tpu.memref_squeeze %dma_start3A_7 : memref<1x200x64xf32, #tpu.memory_space<vmem>> -> memref<200x64xf32, #tpu.memory_space<vmem>>
    %dma_start3A_9 = arith.constant 0 : i32
    %dma_start3A_10 = tpu.memref_slice %arg6[%dma_start3A, %dma_start3A_9] : memref<128x200xi32, #tpu.memory_space<vmem>> -> memref<1x200xi32, #tpu.memory_space<vmem>>
    %dma_start3A_11 = tpu.memref_squeeze %dma_start3A_10 : memref<1x200xi32, #tpu.memory_space<vmem>> -> memref<200xi32, #tpu.memory_space<vmem>>
    %dma_start3A_12 = arith.constant 0 : i32
    %dma_start3A_13 = arith.constant 0 : i32
    %dma_start3A_14 = tpu.memref_slice %arg3[%dma_start3A_12, %dma_start3A_13] : memref<1000000x64xf32, #tpu.memory_space<hbm>> -> memref<1000000x64xf32, #tpu.memory_space<hbm>>
    tpu.enqueue_indirect_dma source(%dma_start3A_14 : memref<1000000x64xf32, #tpu.memory_space<hbm>>) target(%dma_start3A_8 : memref<200x64xf32, #tpu.memory_space<vmem>>) offsets(%dma_start3A_11 : memref<200xi32, #tpu.memory_space<vmem>>) semaphore(%arg10 : memref<!tpu.dma_semaphore, #tpu.memory_space<semaphore_mem>>)
    %dma_start3A_15 = arith.constant 1 : i32
    %dma_start3A_16 = arith.constant 1 : i32
    %dma_start3A_17 = arith.constant 0 : i32
    %dma_start3A_18 = arith.constant 0 : i32
    %dma_start3A_19 = tpu.memref_slice %arg8[%dma_start3A_16, %dma_start3A_17, %dma_start3A_18] : memref<2x200x64xf32, #tpu.memory_space<vmem>> -> memref<1x200x64xf32, #tpu.memory_space<vmem>>
    %dma_start3A_20 = tpu.memref_squeeze %dma_start3A_19 : memref<1x200x64xf32, #tpu.memory_space<vmem>> -> memref<200x64xf32, #tpu.memory_space<vmem>>
    %dma_start3A_21 = arith.constant 0 : i32
    %dma_start3A_22 = tpu.memref_slice %arg6[%dma_start3A_15, %dma_start3A_21] : memref<128x200xi32, #tpu.memory_space<vmem>> -> memref<1x200xi32, #tpu.memory_space<vmem>>
    %dma_start3A_23 = tpu.memref_squeeze %dma_start3A_22 : memref<1x200xi32, #tpu.memory_space<vmem>> -> memref<200xi32, #tpu.memory_space<vmem>>
    %dma_start3A_24 = arith.constant 0 : i32
    %dma_start3A_25 = arith.constant 0 : i32
    %dma_start3A_26 = tpu.memref_slice %arg3[%dma_start3A_24, %dma_start3A_25] : memref<1000000x64xf32, #tpu.memory_space<hbm>> -> memref<1000000x64xf32, #tpu.memory_space<hbm>>
    tpu.enqueue_indirect_dma source(%dma_start3A_26 : memref<1000000x64xf32, #tpu.memory_space<hbm>>) target(%dma_start3A_20 : memref<200x64xf32, #tpu.memory_space<vmem>>) offsets(%dma_start3A_23 : memref<200xi32, #tpu.memory_space<vmem>>) semaphore(%arg10 : memref<!tpu.dma_semaphore, #tpu.memory_space<semaphore_mem>>)
    %scan3A = arith.constant 0 : i32
    %scan3A_27 = arith.constant 32 : i32
    %scan3A_28 = arith.addi %scan3A, %scan3A_27 : i32
    %scan3A_29 = arith.constant 1 : i32
    scf.for %scan3A_31 = %scan3A to %scan3A_28 step %scan3A_29  : i32 {
      %mul3A_32 = arith.constant 2 : i32
      %mul3A_33 = arith.muli %scan3A_31, %mul3A_32 : i32
      %add3A_34 = arith.constant 0 : i32
      %add3A_35 = arith.addi %add3A_34, %mul3A_33 : i32
      %dma_wait3A = arith.constant 0 : i32
      %dma_wait3A_36 = arith.constant 0 : i32
      %dma_wait3A_37 = arith.constant 0 : i32
      %dma_wait3A_38 = arith.constant 0 : i32
      %dma_wait3A_39 = tpu.memref_slice %arg8[%dma_wait3A_36, %dma_wait3A_37, %dma_wait3A_38] : memref<2x200x64xf32, #tpu.memory_space<vmem>> -> memref<1x200x64xf32, #tpu.memory_space<vmem>>
      %dma_wait3A_40 = tpu.memref_squeeze %dma_wait3A_39 : memref<1x200x64xf32, #tpu.memory_space<vmem>> -> memref<200x64xf32, #tpu.memory_space<vmem>>
      %dma_wait3A_41 = arith.constant 0 : i32
      %dma_wait3A_42 = tpu.memref_slice %arg6[%dma_wait3A, %dma_wait3A_41] : memref<128x200xi32, #tpu.memory_space<vmem>> -> memref<1x200xi32, #tpu.memory_space<vmem>>
      %dma_wait3A_43 = tpu.memref_squeeze %dma_wait3A_42 : memref<1x200xi32, #tpu.memory_space<vmem>> -> memref<200xi32, #tpu.memory_space<vmem>>
      %dma_wait3A_44 = arith.constant 0 : i32
      %dma_wait3A_45 = arith.constant 0 : i32
      %dma_wait3A_46 = tpu.memref_slice %arg3[%dma_wait3A_44, %dma_wait3A_45] : memref<1000000x64xf32, #tpu.memory_space<hbm>> -> memref<1000000x64xf32, #tpu.memory_space<hbm>>
      tpu.wait_indirect_dma semaphore(%arg10 : memref<!tpu.dma_semaphore, #tpu.memory_space<semaphore_mem>>) src(%dma_wait3A_46 : memref<1000000x64xf32, #tpu.memory_space<hbm>>) dst(%dma_wait3A_40 : memref<200x64xf32, #tpu.memory_space<vmem>>)
      %dma_wait3A_47 = arith.constant 1 : i32
      %dma_wait3A_48 = arith.constant 1 : i32
      %dma_wait3A_49 = arith.constant 0 : i32
      %dma_wait3A_50 = arith.constant 0 : i32
      %dma_wait3A_51 = tpu.memref_slice %arg8[%dma_wait3A_48, %dma_wait3A_49, %dma_wait3A_50] : memref<2x200x64xf32, #tpu.memory_space<vmem>> -> memref<1x200x64xf32, #tpu.memory_space<vmem>>
      %dma_wait3A_52 = tpu.memref_squeeze %dma_wait3A_51 : memref<1x200x64xf32, #tpu.memory_space<vmem>> -> memref<200x64xf32, #tpu.memory_space<vmem>>
      %dma_wait3A_53 = arith.constant 0 : i32
      %dma_wait3A_54 = tpu.memref_slice %arg6[%dma_wait3A_47, %dma_wait3A_53] : memref<128x200xi32, #tpu.memory_space<vmem>> -> memref<1x200xi32, #tpu.memory_space<vmem>>
      %dma_wait3A_55 = tpu.memref_squeeze %dma_wait3A_54 : memref<1x200xi32, #tpu.memory_space<vmem>> -> memref<200xi32, #tpu.memory_space<vmem>>
      %dma_wait3A_56 = arith.constant 0 : i32
      %dma_wait3A_57 = arith.constant 0 : i32
      %dma_wait3A_58 = tpu.memref_slice %arg3[%dma_wait3A_56, %dma_wait3A_57] : memref<1000000x64xf32, #tpu.memory_space<hbm>> -> memref<1000000x64xf32, #tpu.memory_space<hbm>>
      tpu.wait_indirect_dma semaphore(%arg10 : memref<!tpu.dma_semaphore, #tpu.memory_space<semaphore_mem>>) src(%dma_wait3A_58 : memref<1000000x64xf32, #tpu.memory_space<hbm>>) dst(%dma_wait3A_52 : memref<200x64xf32, #tpu.memory_space<vmem>>)
      %add3A_59 = arith.constant 1 : i32
      %add3A_60 = arith.addi %add3A_35, %add3A_59 : i32
      %mul3A_61 = arith.constant 2 : i32
      %mul3A_62 = arith.muli %mul3A_61, %add3A_60 : i32
      %add3A_63 = arith.constant 0 : i32
      %add3A_64 = arith.addi %mul3A_62, %add3A_63 : i32
      %dma_start3A_65 = arith.constant 0 : i32
      %dma_start3A_66 = arith.constant 0 : i32
      %dma_start3A_67 = arith.constant 0 : i32
      %dma_start3A_68 = tpu.memref_slice %arg9[%dma_start3A_65, %dma_start3A_66, %dma_start3A_67] : memref<2x200x64xf32, #tpu.memory_space<vmem>> -> memref<1x200x64xf32, #tpu.memory_space<vmem>>
      %dma_start3A_69 = tpu.memref_squeeze %dma_start3A_68 : memref<1x200x64xf32, #tpu.memory_space<vmem>> -> memref<200x64xf32, #tpu.memory_space<vmem>>
      %dma_start3A_70 = arith.constant 0 : i32
      %dma_start3A_71 = tpu.memref_slice %arg6[%add3A_64, %dma_start3A_70] : memref<128x200xi32, #tpu.memory_space<vmem>> -> memref<1x200xi32, #tpu.memory_space<vmem>>
      %dma_start3A_72 = tpu.memref_squeeze %dma_start3A_71 : memref<1x200xi32, #tpu.memory_space<vmem>> -> memref<200xi32, #tpu.memory_space<vmem>>
      %dma_start3A_73 = arith.constant 0 : i32
      %dma_start3A_74 = arith.constant 0 : i32
      %dma_start3A_75 = tpu.memref_slice %arg3[%dma_start3A_73, %dma_start3A_74] : memref<1000000x64xf32, #tpu.memory_space<hbm>> -> memref<1000000x64xf32, #tpu.memory_space<hbm>>
      tpu.enqueue_indirect_dma source(%dma_start3A_75 : memref<1000000x64xf32, #tpu.memory_space<hbm>>) target(%dma_start3A_69 : memref<200x64xf32, #tpu.memory_space<vmem>>) offsets(%dma_start3A_72 : memref<200xi32, #tpu.memory_space<vmem>>) semaphore(%arg11 : memref<!tpu.dma_semaphore, #tpu.memory_space<semaphore_mem>>)
      %mul3A_76 = arith.constant 2 : i32
      %mul3A_77 = arith.muli %mul3A_76, %add3A_60 : i32
      %add3A_78 = arith.constant 1 : i32
      %add3A_79 = arith.addi %mul3A_77, %add3A_78 : i32
      %dma_start3A_80 = arith.constant 1 : i32
      %dma_start3A_81 = arith.constant 0 : i32
      %dma_start3A_82 = arith.constant 0 : i32
      %dma_start3A_83 = tpu.memref_slice %arg9[%dma_start3A_80, %dma_start3A_81, %dma_start3A_82] : memref<2x200x64xf32, #tpu.memory_space<vmem>> -> memref<1x200x64xf32, #tpu.memory_space<vmem>>
      %dma_start3A_84 = tpu.memref_squeeze %dma_start3A_83 : memref<1x200x64xf32, #tpu.memory_space<vmem>> -> memref<200x64xf32, #tpu.memory_space<vmem>>
      %dma_start3A_85 = arith.constant 0 : i32
      %dma_start3A_86 = tpu.memref_slice %arg6[%add3A_79, %dma_start3A_85] : memref<128x200xi32, #tpu.memory_space<vmem>> -> memref<1x200xi32, #tpu.memory_space<vmem>>
      %dma_start3A_87 = tpu.memref_squeeze %dma_start3A_86 : memref<1x200xi32, #tpu.memory_space<vmem>> -> memref<200xi32, #tpu.memory_space<vmem>>
      %dma_start3A_88 = arith.constant 0 : i32
      %dma_start3A_89 = arith.constant 0 : i32
      %dma_start3A_90 = tpu.memref_slice %arg3[%dma_start3A_88, %dma_start3A_89] : memref<1000000x64xf32, #tpu.memory_space<hbm>> -> memref<1000000x64xf32, #tpu.memory_space<hbm>>
      tpu.enqueue_indirect_dma source(%dma_start3A_90 : memref<1000000x64xf32, #tpu.memory_space<hbm>>) target(%dma_start3A_84 : memref<200x64xf32, #tpu.memory_space<vmem>>) offsets(%dma_start3A_87 : memref<200xi32, #tpu.memory_space<vmem>>) semaphore(%arg11 : memref<!tpu.dma_semaphore, #tpu.memory_space<semaphore_mem>>)
      %scan3A_91 = arith.constant 0 : i32
      %scan3A_92 = arith.constant 200 : i32
      %scan3A_93 = arith.addi %scan3A_91, %scan3A_92 : i32
      %scan3A_94 = arith.constant 8 : i32
      scf.for %scan3A_147 = %scan3A_91 to %scan3A_93 step %scan3A_94  : i32 {
        %mul3A_148 = arith.constant 1 : i32
        %mul3A_149 = arith.muli %scan3A_147, %mul3A_148 : i32
        %add3A_150 = arith.constant 0 : i32
        %add3A_151 = arith.addi %add3A_150, %mul3A_149 : i32
        %get3A = arith.constant 0 : i32
        %get3A_152 = arith.index_cast %get3A : i32 to index
        %get3A_153 = arith.index_cast %add3A_151 : i32 to index
        %get3A_154 = arith.constant 0 : index
        %get3A_155 = tpu.vector_load %arg7[%get3A_152, %get3A_153, %get3A_154] {strides = array<i32>} : memref<2x200x64xf32, #tpu.memory_space<vmem>>, vector<1x1x16xf32>,
        %get3A_156 = vector.shape_cast %get3A_155 : vector<1x1x16xf32> to vector<16xf32>
        %swap3A = arith.constant 0 : i32
        %swap3A_157 = arith.index_cast %swap3A : i32 to index
        %swap3A_158 = arith.index_cast %add3A_151 : i32 to index
        %swap3A_159 = arith.constant 0 : index
        %swap3A_160 = tpu.vector_load %arg8[%swap3A_157, %swap3A_158, %swap3A_159] {strides = array<i32>} : memref<2x200x64xf32, #tpu.memory_space<vmem>>, vector<1x1x16xf32>,
        %swap3A_161 = vector.shape_cast %swap3A_160 : vector<1x1x16xf32> to vector<16xf32>
        %swap3A_162 = vector.shape_cast %get3A_156 : vector<16xf32> to vector<1x1x16xf32>
        tpu.vector_store %arg8[%swap3A_157, %swap3A_158, %swap3A_159], %swap3A_162 {add = true, strides = array<i32>} : memref<2x200x64xf32, #tpu.memory_space<vmem>>, vector<1x1x16xf32>,
        %get3A_163 = arith.constant 0 : i32
        %get3A_164 = arith.index_cast %get3A_163 : i32 to index
        %get3A_165 = arith.index_cast %add3A_151 : i32 to index
        %get3A_166 = arith.constant 16 : index
        %get3A_167 = tpu.vector_load %arg7[%get3A_164, %get3A_165, %get3A_166] {strides = array<i32>} : memref<2x200x64xf32, #tpu.memory_space<vmem>>, vector<1x1x16xf32>,
        %get3A_168 = vector.shape_cast %get3A_167 : vector<1x1x16xf32> to vector<16xf32>
        %swap3A_169 = arith.constant 0 : i32
        %swap3A_170 = arith.index_cast %swap3A_169 : i32 to index
        %swap3A_171 = arith.index_cast %add3A_151 : i32 to index
        %swap3A_172 = arith.constant 16 : index
        %swap3A_173 = tpu.vector_load %arg8[%swap3A_170, %swap3A_171, %swap3A_172] {strides = array<i32>} : memref<2x200x64xf32, #tpu.memory_space<vmem>>, vector<1x1x16xf32>,
        %swap3A_174 = vector.shape_cast %swap3A_173 : vector<1x1x16xf32> to vector<16xf32>
        %swap3A_175 = vector.shape_cast %get3A_168 : vector<16xf32> to vector<1x1x16xf32>
        tpu.vector_store %arg8[%swap3A_170, %swap3A_171, %swap3A_172], %swap3A_175 {add = true, strides = array<i32>} : memref<2x200x64xf32, #tpu.memory_space<vmem>>, vector<1x1x16xf32>,
        %get3A_176 = arith.constant 0 : i32
        %get3A_177 = arith.index_cast %get3A_176 : i32 to index
        %get3A_178 = arith.index_cast %add3A_151 : i32 to index
        %get3A_179 = arith.constant 32 : index
        %get3A_180 = tpu.vector_load %arg7[%get3A_177, %get3A_178, %get3A_179] {strides = array<i32>} : memref<2x200x64xf32, #tpu.memory_space<vmem>>, vector<1x1x16xf32>,
        %get3A_181 = vector.shape_cast %get3A_180 : vector<1x1x16xf32> to vector<16xf32>
        %swap3A_182 = arith.constant 0 : i32
        %swap3A_183 = arith.index_cast %swap3A_182 : i32 to index
        %swap3A_184 = arith.index_cast %add3A_151 : i32 to index
        %swap3A_185 = arith.constant 32 : index
        %swap3A_186 = tpu.vector_load %arg8[%swap3A_183, %swap3A_184, %swap3A_185] {strides = array<i32>} : memref<2x200x64xf32, #tpu.memory_space<vmem>>, vector<1x1x16xf32>,
        %swap3A_187 = vector.shape_cast %swap3A_186 : vector<1x1x16xf32> to vector<16xf32>
        %swap3A_188 = vector.shape_cast %get3A_181 : vector<16xf32> to vector<1x1x16xf32>
        tpu.vector_store %arg8[%swap3A_183, %swap3A_184, %swap3A_185], %swap3A_188 {add = true, strides = array<i32>} : memref<2x200x64xf32, #tpu.memory_space<vmem>>, vector<1x1x16xf32>,
        %get3A_189 = arith.constant 0 : i32
        %get3A_190 = arith.index_cast %get3A_189 : i32 to index
        %get3A_191 = arith.index_cast %add3A_151 : i32 to index
        %get3A_192 = arith.constant 48 : index
        %get3A_193 = tpu.vector_load %arg7[%get3A_190, %get3A_191, %get3A_192] {strides = array<i32>} : memref<2x200x64xf32, #tpu.memory_space<vmem>>, vector<1x1x16xf32>,
        %get3A_194 = vector.shape_cast %get3A_193 : vector<1x1x16xf32> to vector<16xf32>
        %swap3A_195 = arith.constant 0 : i32
        %swap3A_196 = arith.index_cast %swap3A_195 : i32 to index
        %swap3A_197 = arith.index_cast %add3A_151 : i32 to index
        %swap3A_198 = arith.constant 48 : index
        %swap3A_199 = tpu.vector_load %arg8[%swap3A_196, %swap3A_197, %swap3A_198] {strides = array<i32>} : memref<2x200x64xf32, #tpu.memory_space<vmem>>, vector<1x1x16xf32>,
        %swap3A_200 = vector.shape_cast %swap3A_199 : vector<1x1x16xf32> to vector<16xf32>
        %swap3A_201 = vector.shape_cast %get3A_194 : vector<16xf32> to vector<1x1x16xf32>
        tpu.vector_store %arg8[%swap3A_196, %swap3A_197, %swap3A_198], %swap3A_201 {add = true, strides = array<i32>} : memref<2x200x64xf32, #tpu.memory_space<vmem>>, vector<1x1x16xf32>,
        %scan3A_202 = arith.constant 1 : i32
        %scan3A_203 = arith.addi %scan3A_147, %scan3A_202 : i32
        %mul3A_204 = arith.constant 1 : i32
        %mul3A_205 = arith.muli %scan3A_203, %mul3A_204 : i32
        %add3A_206 = arith.constant 0 : i32
        %add3A_207 = arith.addi %add3A_206, %mul3A_205 : i32
        %get3A_208 = arith.constant 0 : i32
        %get3A_209 = arith.index_cast %get3A_208 : i32 to index
        %get3A_210 = arith.index_cast %add3A_207 : i32 to index
        %get3A_211 = arith.constant 0 : index
        %get3A_212 = tpu.vector_load %arg7[%get3A_209, %get3A_210, %get3A_211] {strides = array<i32>} : memref<2x200x64xf32, #tpu.memory_space<vmem>>, vector<1x1x16xf32>,
        %get3A_213 = vector.shape_cast %get3A_212 : vector<1x1x16xf32> to vector<16xf32>
        %swap3A_214 = arith.constant 0 : i32
        %swap3A_215 = arith.index_cast %swap3A_214 : i32 to index
        %swap3A_216 = arith.index_cast %add3A_207 : i32 to index
        %swap3A_217 = arith.constant 0 : index
        %swap3A_218 = tpu.vector_load %arg8[%swap3A_215, %swap3A_216, %swap3A_217] {strides = array<i32>} : memref<2x200x64xf32, #tpu.memory_space<vmem>>, vector<1x1x16xf32>,
        %swap3A_219 = vector.shape_cast %swap3A_218 : vector<1x1x16xf32> to vector<16xf32>
        %swap3A_220 = vector.shape_cast %get3A_213 : vector<16xf32> to vector<1x1x16xf32>
        tpu.vector_store %arg8[%swap3A_215, %swap3A_216, %swap3A_217], %swap3A_220 {add = true, strides = array<i32>} : memref<2x200x64xf32, #tpu.memory_space<vmem>>, vector<1x1x16xf32>,
        %get3A_221 = arith.constant 0 : i32
        %get3A_222 = arith.index_cast %get3A_221 : i32 to index
        %get3A_223 = arith.index_cast %add3A_207 : i32 to index
        %get3A_224 = arith.constant 16 : index
        %get3A_225 = tpu.vector_load %arg7[%get3A_222, %get3A_223, %get3A_224] {strides = array<i32>} : memref<2x200x64xf32, #tpu.memory_space<vmem>>, vector<1x1x16xf32>,
        %get3A_226 = vector.shape_cast %get3A_225 : vector<1x1x16xf32> to vector<16xf32>
        %swap3A_227 = arith.constant 0 : i32
        %swap3A_228 = arith.index_cast %swap3A_227 : i32 to index
        %swap3A_229 = arith.index_cast %add3A_207 : i32 to index
        %swap3A_230 = arith.constant 16 : index
        %swap3A_231 = tpu.vector_load %arg8[%swap3A_228, %swap3A_229, %swap3A_230] {strides = array<i32>} : memref<2x200x64xf32, #tpu.memory_space<vmem>>, vector<1x1x16xf32>,
        %swap3A_232 = vector.shape_cast %swap3A_231 : vector<1x1x16xf32> to vector<16xf32>
        %swap3A_233 = vector.shape_cast %get3A_226 : vector<16xf32> to vector<1x1x16xf32>
        tpu.vector_store %arg8[%swap3A_228, %swap3A_229, %swap3A_230], %swap3A_233 {add = true, strides = array<i32>} : memref<2x200x64xf32, #tpu.memory_space<vmem>>, vector<1x1x16xf32>,
        %get3A_234 = arith.constant 0 : i32
        %get3A_235 = arith.index_cast %get3A_234 : i32 to index
        %get3A_236 = arith.index_cast %add3A_207 : i32 to index
        %get3A_237 = arith.constant 32 : index
        %get3A_238 = tpu.vector_load %arg7[%get3A_235, %get3A_236, %get3A_237] {strides = array<i32>} : memref<2x200x64xf32, #tpu.memory_space<vmem>>, vector<1x1x16xf32>,
        %get3A_239 = vector.shape_cast %get3A_238 : vector<1x1x16xf32> to vector<16xf32>
        %swap3A_240 = arith.constant 0 : i32
        %swap3A_241 = arith.index_cast %swap3A_240 : i32 to index
        %swap3A_242 = arith.index_cast %add3A_207 : i32 to index
        %swap3A_243 = arith.constant 32 : index
        %swap3A_244 = tpu.vector_load %arg8[%swap3A_241, %swap3A_242, %swap3A_243] {strides = array<i32>} : memref<2x200x64xf32, #tpu.memory_space<vmem>>, vector<1x1x16xf32>,
        %swap3A_245 = vector.shape_cast %swap3A_244 : vector<1x1x16xf32> to vector<16xf32>
        %swap3A_246 = vector.shape_cast %get3A_239 : vector<16xf32> to vector<1x1x16xf32>
        tpu.vector_store %arg8[%swap3A_241, %swap3A_242, %swap3A_243], %swap3A_246 {add = true, strides = array<i32>} : memref<2x200x64xf32, #tpu.memory_space<vmem>>, vector<1x1x16xf32>,
        %get3A_247 = arith.constant 0 : i32
        %get3A_248 = arith.index_cast %get3A_247 : i32 to index
        %get3A_249 = arith.index_cast %add3A_207 : i32 to index
        %get3A_250 = arith.constant 48 : index
        %get3A_251 = tpu.vector_load %arg7[%get3A_248, %get3A_249, %get3A_250] {strides = array<i32>} : memref<2x200x64xf32, #tpu.memory_space<vmem>>, vector<1x1x16xf32>,
        %get3A_252 = vector.shape_cast %get3A_251 : vector<1x1x16xf32> to vector<16xf32>
        %swap3A_253 = arith.constant 0 : i32
        %swap3A_254 = arith.index_cast %swap3A_253 : i32 to index
        %swap3A_255 = arith.index_cast %add3A_207 : i32 to index
        %swap3A_256 = arith.constant 48 : index
        %swap3A_257 = tpu.vector_load %arg8[%swap3A_254, %swap3A_255, %swap3A_256] {strides = array<i32>} : memref<2x200x64xf32, #tpu.memory_space<vmem>>, vector<1x1x16xf32>,
        %swap3A_258 = vector.shape_cast %swap3A_257 : vector<1x1x16xf32> to vector<16xf32>
        %swap3A_259 = vector.shape_cast %get3A_252 : vector<16xf32> to vector<1x1x16xf32>
        tpu.vector_store %arg8[%swap3A_254, %swap3A_255, %swap3A_256], %swap3A_259 {add = true, strides = array<i32>} : memref<2x200x64xf32, #tpu.memory_space<vmem>>, vector<1x1x16xf32>,
        %scan3A_260 = arith.constant 2 : i32
        %scan3A_261 = arith.addi %scan3A_147, %scan3A_260 : i32
        %mul3A_262 = arith.constant 1 : i32
        %mul3A_263 = arith.muli %scan3A_261, %mul3A_262 : i32
        %add3A_264 = arith.constant 0 : i32
        %add3A_265 = arith.addi %add3A_264, %mul3A_263 : i32
        %get3A_266 = arith.constant 0 : i32
        %get3A_267 = arith.index_cast %get3A_266 : i32 to index
        %get3A_268 = arith.index_cast %add3A_265 : i32 to index
        %get3A_269 = arith.constant 0 : index
        %get3A_270 = tpu.vector_load %arg7[%get3A_267, %get3A_268, %get3A_269] {strides = array<i32>} : memref<2x200x64xf32, #tpu.memory_space<vmem>>, vector<1x1x16xf32>,
        %get3A_271 = vector.shape_cast %get3A_270 : vector<1x1x16xf32> to vector<16xf32>
        %swap3A_272 = arith.constant 0 : i32
        %swap3A_273 = arith.index_cast %swap3A_272 : i32 to index
        %swap3A_274 = arith.index_cast %add3A_265 : i32 to index
        %swap3A_275 = arith.constant 0 : index
        %swap3A_276 = tpu.vector_load %arg8[%swap3A_273, %swap3A_274, %swap3A_275] {strides = array<i32>} : memref<2x200x64xf32, #tpu.memory_space<vmem>>, vector<1x1x16xf32>,
        %swap3A_277 = vector.shape_cast %swap3A_276 : vector<1x1x16xf32> to vector<16xf32>
        %swap3A_278 = vector.shape_cast %get3A_271 : vector<16xf32> to vector<1x1x16xf32>
        tpu.vector_store %arg8[%swap3A_273, %swap3A_274, %swap3A_275], %swap3A_278 {add = true, strides = array<i32>} : memref<2x200x64xf32, #tpu.memory_space<vmem>>, vector<1x1x16xf32>,
        %get3A_279 = arith.constant 0 : i32
        %get3A_280 = arith.index_cast %get3A_279 : i32 to index
        %get3A_281 = arith.index_cast %add3A_265 : i32 to index
        %get3A_282 = arith.constant 16 : index
        %get3A_283 = tpu.vector_load %arg7[%get3A_280, %get3A_281, %get3A_282] {strides = array<i32>} : memref<2x200x64xf32, #tpu.memory_space<vmem>>, vector<1x1x16xf32>,
        %get3A_284 = vector.shape_cast %get3A_283 : vector<1x1x16xf32> to vector<16xf32>
        %swap3A_285 = arith.constant 0 : i32
        %swap3A_286 = arith.index_cast %swap3A_285 : i32 to index
        %swap3A_287 = arith.index_cast %add3A_265 : i32 to index
        %swap3A_288 = arith.constant 16 : index
        %swap3A_289 = tpu.vector_load %arg8[%swap3A_286, %swap3A_287, %swap3A_288] {strides = array<i32>} : memref<2x200x64xf32, #tpu.memory_space<vmem>>, vector<1x1x16xf32>,
        %swap3A_290 = vector.shape_cast %swap3A_289 : vector<1x1x16xf32> to vector<16xf32>
        %swap3A_291 = vector.shape_cast %get3A_284 : vector<16xf32> to vector<1x1x16xf32>
        tpu.vector_store %arg8[%swap3A_286, %swap3A_287, %swap3A_288], %swap3A_291 {add = true, strides = array<i32>} : memref<2x200x64xf32, #tpu.memory_space<vmem>>, vector<1x1x16xf32>,
        %get3A_292 = arith.constant 0 : i32
        %get3A_293 = arith.index_cast %get3A_292 : i32 to index
        %get3A_294 = arith.index_cast %add3A_265 : i32 to index
        %get3A_295 = arith.constant 32 : index
        %get3A_296 = tpu.vector_load %arg7[%get3A_293, %get3A_294, %get3A_295] {strides = array<i32>} : memref<2x200x64xf32, #tpu.memory_space<vmem>>, vector<1x1x16xf32>,
        %get3A_297 = vector.shape_cast %get3A_296 : vector<1x1x16xf32> to vector<16xf32>
        %swap3A_298 = arith.constant 0 : i32
        %swap3A_299 = arith.index_cast %swap3A_298 : i32 to index
        %swap3A_300 = arith.index_cast %add3A_265 : i32 to index
        %swap3A_301 = arith.constant 32 : index
        %swap3A_302 = tpu.vector_load %arg8[%swap3A_299, %swap3A_300, %swap3A_301] {strides = array<i32>} : memref<2x200x64xf32, #tpu.memory_space<vmem>>, vector<1x1x16xf32>,
        %swap3A_303 = vector.shape_cast %swap3A_302 : vector<1x1x16xf32> to vector<16xf32>
        %swap3A_304 = vector.shape_cast %get3A_297 : vector<16xf32> to vector<1x1x16xf32>
        tpu.vector_store %arg8[%swap3A_299, %swap3A_300, %swap3A_301], %swap3A_304 {add = true, strides = array<i32>} : memref<2x200x64xf32, #tpu.memory_space<vmem>>, vector<1x1x16xf32>,
        %get3A_305 = arith.constant 0 : i32
        %get3A_306 = arith.index_cast %get3A_305 : i32 to index
        %get3A_307 = arith.index_cast %add3A_265 : i32 to index
        %get3A_308 = arith.constant 48 : index
        %get3A_309 = tpu.vector_load %arg7[%get3A_306, %get3A_307, %get3A_308] {strides = array<i32>} : memref<2x200x64xf32, #tpu.memory_space<vmem>>, vector<1x1x16xf32>,
        %get3A_310 = vector.shape_cast %get3A_309 : vector<1x1x16xf32> to vector<16xf32>
        %swap3A_311 = arith.constant 0 : i32
        %swap3A_312 = arith.index_cast %swap3A_311 : i32 to index
        %swap3A_313 = arith.index_cast %add3A_265 : i32 to index
        %swap3A_314 = arith.constant 48 : index
        %swap3A_315 = tpu.vector_load %arg8[%swap3A_312, %swap3A_313, %swap3A_314] {strides = array<i32>} : memref<2x200x64xf32, #tpu.memory_space<vmem>>, vector<1x1x16xf32>,
        %swap3A_316 = vector.shape_cast %swap3A_315 : vector<1x1x16xf32> to vector<16xf32>
        %swap3A_317 = vector.shape_cast %get3A_310 : vector<16xf32> to vector<1x1x16xf32>
        tpu.vector_store %arg8[%swap3A_312, %swap3A_313, %swap3A_314], %swap3A_317 {add = true, strides = array<i32>} : memref<2x200x64xf32, #tpu.memory_space<vmem>>, vector<1x1x16xf32>,
        %scan3A_318 = arith.constant 3 : i32
        %scan3A_319 = arith.addi %scan3A_147, %scan3A_318 : i32
        %mul3A_320 = arith.constant 1 : i32
        %mul3A_321 = arith.muli %scan3A_319, %mul3A_320 : i32
        %add3A_322 = arith.constant 0 : i32
        %add3A_323 = arith.addi %add3A_322, %mul3A_321 : i32
        %get3A_324 = arith.constant 0 : i32
        %get3A_325 = arith.index_cast %get3A_324 : i32 to index
        %get3A_326 = arith.index_cast %add3A_323 : i32 to index
        %get3A_327 = arith.constant 0 : index
        %get3A_328 = tpu.vector_load %arg7[%get3A_325, %get3A_326, %get3A_327] {strides = array<i32>} : memref<2x200x64xf32, #tpu.memory_space<vmem>>, vector<1x1x16xf32>,
        %get3A_329 = vector.shape_cast %get3A_328 : vector<1x1x16xf32> to vector<16xf32>
        %swap3A_330 = arith.constant 0 : i32
        %swap3A_331 = arith.index_cast %swap3A_330 : i32 to index
        %swap3A_332 = arith.index_cast %add3A_323 : i32 to index
        %swap3A_333 = arith.constant 0 : index
        %swap3A_334 = tpu.vector_load %arg8[%swap3A_331, %swap3A_332, %swap3A_333] {strides = array<i32>} : memref<2x200x64xf32, #tpu.memory_space<vmem>>, vector<1x1x16xf32>,
        %swap3A_335 = vector.shape_cast %swap3A_334 : vector<1x1x16xf32> to vector<16xf32>
        %swap3A_336 = vector.shape_cast %get3A_329 : vector<16xf32> to vector<1x1x16xf32>
        tpu.vector_store %arg8[%swap3A_331, %swap3A_332, %swap3A_333], %swap3A_336 {add = true, strides = array<i32>} : memref<2x200x64xf32, #tpu.memory_space<vmem>>, vector<1x1x16xf32>,
        %get3A_337 = arith.constant 0 : i32
        %get3A_338 = arith.index_cast %get3A_337 : i32 to index
        %get3A_339 = arith.index_cast %add3A_323 : i32 to index
        %get3A_340 = arith.constant 16 : index
        %get3A_341 = tpu.vector_load %arg7[%get3A_338, %get3A_339, %get3A_340] {strides = array<i32>} : memref<2x200x64xf32, #tpu.memory_space<vmem>>, vector<1x1x16xf32>,
        %get3A_342 = vector.shape_cast %get3A_341 : vector<1x1x16xf32> to vector<16xf32>
        %swap3A_343 = arith.constant 0 : i32
        %swap3A_344 = arith.index_cast %swap3A_343 : i32 to index
        %swap3A_345 = arith.index_cast %add3A_323 : i32 to index
        %swap3A_346 = arith.constant 16 : index
        %swap3A_347 = tpu.vector_load %arg8[%swap3A_344, %swap3A_345, %swap3A_346] {strides = array<i32>} : memref<2x200x64xf32, #tpu.memory_space<vmem>>, vector<1x1x16xf32>,
        %swap3A_348 = vector.shape_cast %swap3A_347 : vector<1x1x16xf32> to vector<16xf32>
        %swap3A_349 = vector.shape_cast %get3A_342 : vector<16xf32> to vector<1x1x16xf32>
        tpu.vector_store %arg8[%swap3A_344, %swap3A_345, %swap3A_346], %swap3A_349 {add = true, strides = array<i32>} : memref<2x200x64xf32, #tpu.memory_space<vmem>>, vector<1x1x16xf32>,
        %get3A_350 = arith.constant 0 : i32
        %get3A_351 = arith.index_cast %get3A_350 : i32 to index
        %get3A_352 = arith.index_cast %add3A_323 : i32 to index
        %get3A_353 = arith.constant 32 : index
        %get3A_354 = tpu.vector_load %arg7[%get3A_351, %get3A_352, %get3A_353] {strides = array<i32>} : memref<2x200x64xf32, #tpu.memory_space<vmem>>, vector<1x1x16xf32>,
        %get3A_355 = vector.shape_cast %get3A_354 : vector<1x1x16xf32> to vector<16xf32>
        %swap3A_356 = arith.constant 0 : i32
        %swap3A_357 = arith.index_cast %swap3A_356 : i32 to index
        %swap3A_358 = arith.index_cast %add3A_323 : i32 to index
        %swap3A_359 = arith.constant 32 : index
        %swap3A_360 = tpu.vector_load %arg8[%swap3A_357, %swap3A_358, %swap3A_359] {strides = array<i32>} : memref<2x200x64xf32, #tpu.memory_space<vmem>>, vector<1x1x16xf32>,
        %swap3A_361 = vector.shape_cast %swap3A_360 : vector<1x1x16xf32> to vector<16xf32>
        %swap3A_362 = vector.shape_cast %get3A_355 : vector<16xf32> to vector<1x1x16xf32>
        tpu.vector_store %arg8[%swap3A_357, %swap3A_358, %swap3A_359], %swap3A_362 {add = true, strides = array<i32>} : memref<2x200x64xf32, #tpu.memory_space<vmem>>, vector<1x1x16xf32>,
        %get3A_363 = arith.constant 0 : i32
        %get3A_364 = arith.index_cast %get3A_363 : i32 to index
        %get3A_365 = arith.index_cast %add3A_323 : i32 to index
        %get3A_366 = arith.constant 48 : index
        %get3A_367 = tpu.vector_load %arg7[%get3A_364, %get3A_365, %get3A_366] {strides = array<i32>} : memref<2x200x64xf32, #tpu.memory_space<vmem>>, vector<1x1x16xf32>,
        %get3A_368 = vector.shape_cast %get3A_367 : vector<1x1x16xf32> to vector<16xf32>
        %swap3A_369 = arith.constant 0 : i32
        %swap3A_370 = arith.index_cast %swap3A_369 : i32 to index
        %swap3A_371 = arith.index_cast %add3A_323 : i32 to index
        %swap3A_372 = arith.constant 48 : index
        %swap3A_373 = tpu.vector_load %arg8[%swap3A_370, %swap3A_371, %swap3A_372] {strides = array<i32>} : memref<2x200x64xf32, #tpu.memory_space<vmem>>, vector<1x1x16xf32>,
        %swap3A_374 = vector.shape_cast %swap3A_373 : vector<1x1x16xf32> to vector<16xf32>
        %swap3A_375 = vector.shape_cast %get3A_368 : vector<16xf32> to vector<1x1x16xf32>
        tpu.vector_store %arg8[%swap3A_370, %swap3A_371, %swap3A_372], %swap3A_375 {add = true, strides = array<i32>} : memref<2x200x64xf32, #tpu.memory_space<vmem>>, vector<1x1x16xf32>,
        %scan3A_376 = arith.constant 4 : i32
        %scan3A_377 = arith.addi %scan3A_147, %scan3A_376 : i32
        %mul3A_378 = arith.constant 1 : i32
        %mul3A_379 = arith.muli %scan3A_377, %mul3A_378 : i32
        %add3A_380 = arith.constant 0 : i32
        %add3A_381 = arith.addi %add3A_380, %mul3A_379 : i32
        %get3A_382 = arith.constant 0 : i32
        %get3A_383 = arith.index_cast %get3A_382 : i32 to index
        %get3A_384 = arith.index_cast %add3A_381 : i32 to index
        %get3A_385 = arith.constant 0 : index
        %get3A_386 = tpu.vector_load %arg7[%get3A_383, %get3A_384, %get3A_385] {strides = array<i32>} : memref<2x200x64xf32, #tpu.memory_space<vmem>>, vector<1x1x16xf32>,
        %get3A_387 = vector.shape_cast %get3A_386 : vector<1x1x16xf32> to vector<16xf32>
        %swap3A_388 = arith.constant 0 : i32
        %swap3A_389 = arith.index_cast %swap3A_388 : i32 to index
        %swap3A_390 = arith.index_cast %add3A_381 : i32 to index
        %swap3A_391 = arith.constant 0 : index
        %swap3A_392 = tpu.vector_load %arg8[%swap3A_389, %swap3A_390, %swap3A_391] {strides = array<i32>} : memref<2x200x64xf32, #tpu.memory_space<vmem>>, vector<1x1x16xf32>,
        %swap3A_393 = vector.shape_cast %swap3A_392 : vector<1x1x16xf32> to vector<16xf32>
        %swap3A_394 = vector.shape_cast %get3A_387 : vector<16xf32> to vector<1x1x16xf32>
        tpu.vector_store %arg8[%swap3A_389, %swap3A_390, %swap3A_391], %swap3A_394 {add = true, strides = array<i32>} : memref<2x200x64xf32, #tpu.memory_space<vmem>>, vector<1x1x16xf32>,
        %get3A_395 = arith.constant 0 : i32
        %get3A_396 = arith.index_cast %get3A_395 : i32 to index
        %get3A_397 = arith.index_cast %add3A_381 : i32 to index
        %get3A_398 = arith.constant 16 : index
        %get3A_399 = tpu.vector_load %arg7[%get3A_396, %get3A_397, %get3A_398] {strides = array<i32>} : memref<2x200x64xf32, #tpu.memory_space<vmem>>, vector<1x1x16xf32>,
        %get3A_400 = vector.shape_cast %get3A_399 : vector<1x1x16xf32> to vector<16xf32>
        %swap3A_401 = arith.constant 0 : i32
        %swap3A_402 = arith.index_cast %swap3A_401 : i32 to index
        %swap3A_403 = arith.index_cast %add3A_381 : i32 to index
        %swap3A_404 = arith.constant 16 : index
        %swap3A_405 = tpu.vector_load %arg8[%swap3A_402, %swap3A_403, %swap3A_404] {strides = array<i32>} : memref<2x200x64xf32, #tpu.memory_space<vmem>>, vector<1x1x16xf32>,
        %swap3A_406 = vector.shape_cast %swap3A_405 : vector<1x1x16xf32> to vector<16xf32>
        %swap3A_407 = vector.shape_cast %get3A_400 : vector<16xf32> to vector<1x1x16xf32>
        tpu.vector_store %arg8[%swap3A_402, %swap3A_403, %swap3A_404], %swap3A_407 {add = true, strides = array<i32>} : memref<2x200x64xf32, #tpu.memory_space<vmem>>, vector<1x1x16xf32>,
        %get3A_408 = arith.constant 0 : i32
        %get3A_409 = arith.index_cast %get3A_408 : i32 to index
        %get3A_410 = arith.index_cast %add3A_381 : i32 to index
        %get3A_411 = arith.constant 32 : index
        %get3A_412 = tpu.vector_load %arg7[%get3A_409, %get3A_410, %get3A_411] {strides = array<i32>} : memref<2x200x64xf32, #tpu.memory_space<vmem>>, vector<1x1x16xf32>,
        %get3A_413 = vector.shape_cast %get3A_412 : vector<1x1x16xf32> to vector<16xf32>
        %swap3A_414 = arith.constant 0 : i32
        %swap3A_415 = arith.index_cast %swap3A_414 : i32 to index
        %swap3A_416 = arith.index_cast %add3A_381 : i32 to index
        %swap3A_417 = arith.constant 32 : index
        %swap3A_418 = tpu.vector_load %arg8[%swap3A_415, %swap3A_416, %swap3A_417] {strides = array<i32>} : memref<2x200x64xf32, #tpu.memory_space<vmem>>, vector<1x1x16xf32>,
        %swap3A_419 = vector.shape_cast %swap3A_418 : vector<1x1x16xf32> to vector<16xf32>
        %swap3A_420 = vector.shape_cast %get3A_413 : vector<16xf32> to vector<1x1x16xf32>
        tpu.vector_store %arg8[%swap3A_415, %swap3A_416, %swap3A_417], %swap3A_420 {add = true, strides = array<i32>} : memref<2x200x64xf32, #tpu.memory_space<vmem>>, vector<1x1x16xf32>,
        %get3A_421 = arith.constant 0 : i32
        %get3A_422 = arith.index_cast %get3A_421 : i32 to index
        %get3A_423 = arith.index_cast %add3A_381 : i32 to index
        %get3A_424 = arith.constant 48 : index
        %get3A_425 = tpu.vector_load %arg7[%get3A_422, %get3A_423, %get3A_424] {strides = array<i32>} : memref<2x200x64xf32, #tpu.memory_space<vmem>>, vector<1x1x16xf32>,
        %get3A_426 = vector.shape_cast %get3A_425 : vector<1x1x16xf32> to vector<16xf32>
        %swap3A_427 = arith.constant 0 : i32
        %swap3A_428 = arith.index_cast %swap3A_427 : i32 to index
        %swap3A_429 = arith.index_cast %add3A_381 : i32 to index
        %swap3A_430 = arith.constant 48 : index
        %swap3A_431 = tpu.vector_load %arg8[%swap3A_428, %swap3A_429, %swap3A_430] {strides = array<i32>} : memref<2x200x64xf32, #tpu.memory_space<vmem>>, vector<1x1x16xf32>,
        %swap3A_432 = vector.shape_cast %swap3A_431 : vector<1x1x16xf32> to vector<16xf32>
        %swap3A_433 = vector.shape_cast %get3A_426 : vector<16xf32> to vector<1x1x16xf32>
        tpu.vector_store %arg8[%swap3A_428, %swap3A_429, %swap3A_430], %swap3A_433 {add = true, strides = array<i32>} : memref<2x200x64xf32, #tpu.memory_space<vmem>>, vector<1x1x16xf32>,
        %scan3A_434 = arith.constant 5 : i32
        %scan3A_435 = arith.addi %scan3A_147, %scan3A_434 : i32
        %mul3A_436 = arith.constant 1 : i32
        %mul3A_437 = arith.muli %scan3A_435, %mul3A_436 : i32
        %add3A_438 = arith.constant 0 : i32
        %add3A_439 = arith.addi %add3A_438, %mul3A_437 : i32
        %get3A_440 = arith.constant 0 : i32
        %get3A_441 = arith.index_cast %get3A_440 : i32 to index
        %get3A_442 = arith.index_cast %add3A_439 : i32 to index
        %get3A_443 = arith.constant 0 : index
        %get3A_444 = tpu.vector_load %arg7[%get3A_441, %get3A_442, %get3A_443] {strides = array<i32>} : memref<2x200x64xf32, #tpu.memory_space<vmem>>, vector<1x1x16xf32>,
        %get3A_445 = vector.shape_cast %get3A_444 : vector<1x1x16xf32> to vector<16xf32>
        %swap3A_446 = arith.constant 0 : i32
        %swap3A_447 = arith.index_cast %swap3A_446 : i32 to index
        %swap3A_448 = arith.index_cast %add3A_439 : i32 to index
        %swap3A_449 = arith.constant 0 : index
        %swap3A_450 = tpu.vector_load %arg8[%swap3A_447, %swap3A_448, %swap3A_449] {strides = array<i32>} : memref<2x200x64xf32, #tpu.memory_space<vmem>>, vector<1x1x16xf32>,
        %swap3A_451 = vector.shape_cast %swap3A_450 : vector<1x1x16xf32> to vector<16xf32>
        %swap3A_452 = vector.shape_cast %get3A_445 : vector<16xf32> to vector<1x1x16xf32>
        tpu.vector_store %arg8[%swap3A_447, %swap3A_448, %swap3A_449], %swap3A_452 {add = true, strides = array<i32>} : memref<2x200x64xf32, #tpu.memory_space<vmem>>, vector<1x1x16xf32>,
        %get3A_453 = arith.constant 0 : i32
        %get3A_454 = arith.index_cast %get3A_453 : i32 to index
        %get3A_455 = arith.index_cast %add3A_439 : i32 to index
        %get3A_456 = arith.constant 16 : index
        %get3A_457 = tpu.vector_load %arg7[%get3A_454, %get3A_455, %get3A_456] {strides = array<i32>} : memref<2x200x64xf32, #tpu.memory_space<vmem>>, vector<1x1x16xf32>,
        %get3A_458 = vector.shape_cast %get3A_457 : vector<1x1x16xf32> to vector<16xf32>
        %swap3A_459 = arith.constant 0 : i32
        %swap3A_460 = arith.index_cast %swap3A_459 : i32 to index
        %swap3A_461 = arith.index_cast %add3A_439 : i32 to index
        %swap3A_462 = arith.constant 16 : index
        %swap3A_463 = tpu.vector_load %arg8[%swap3A_460, %swap3A_461, %swap3A_462] {strides = array<i32>} : memref<2x200x64xf32, #tpu.memory_space<vmem>>, vector<1x1x16xf32>,
        %swap3A_464 = vector.shape_cast %swap3A_463 : vector<1x1x16xf32> to vector<16xf32>
        %swap3A_465 = vector.shape_cast %get3A_458 : vector<16xf32> to vector<1x1x16xf32>
        tpu.vector_store %arg8[%swap3A_460, %swap3A_461, %swap3A_462], %swap3A_465 {add = true, strides = array<i32>} : memref<2x200x64xf32, #tpu.memory_space<vmem>>, vector<1x1x16xf32>,
        %get3A_466 = arith.constant 0 : i32
        %get3A_467 = arith.index_cast %get3A_466 : i32 to index
        %get3A_468 = arith.index_cast %add3A_439 : i32 to index
        %get3A_469 = arith.constant 32 : index
        %get3A_470 = tpu.vector_load %arg7[%get3A_467, %get3A_468, %get3A_469] {strides = array<i32>} : memref<2x200x64xf32, #tpu.memory_space<vmem>>, vector<1x1x16xf32>,
        %get3A_471 = vector.shape_cast %get3A_470 : vector<1x1x16xf32> to vector<16xf32>
        %swap3A_472 = arith.constant 0 : i32
        %swap3A_473 = arith.index_cast %swap3A_472 : i32 to index
        %swap3A_474 = arith.index_cast %add3A_439 : i32 to index
        %swap3A_475 = arith.constant 32 : index
        %swap3A_476 = tpu.vector_load %arg8[%swap3A_473, %swap3A_474, %swap3A_475] {strides = array<i32>} : memref<2x200x64xf32, #tpu.memory_space<vmem>>, vector<1x1x16xf32>,
        %swap3A_477 = vector.shape_cast %swap3A_476 : vector<1x1x16xf32> to vector<16xf32>
        %swap3A_478 = vector.shape_cast %get3A_471 : vector<16xf32> to vector<1x1x16xf32>
        tpu.vector_store %arg8[%swap3A_473, %swap3A_474, %swap3A_475], %swap3A_478 {add = true, strides = array<i32>} : memref<2x200x64xf32, #tpu.memory_space<vmem>>, vector<1x1x16xf32>,
        %get3A_479 = arith.constant 0 : i32
        %get3A_480 = arith.index_cast %get3A_479 : i32 to index
        %get3A_481 = arith.index_cast %add3A_439 : i32 to index
        %get3A_482 = arith.constant 48 : index
        %get3A_483 = tpu.vector_load %arg7[%get3A_480, %get3A_481, %get3A_482] {strides = array<i32>} : memref<2x200x64xf32, #tpu.memory_space<vmem>>, vector<1x1x16xf32>,
        %get3A_484 = vector.shape_cast %get3A_483 : vector<1x1x16xf32> to vector<16xf32>
        %swap3A_485 = arith.constant 0 : i32
        %swap3A_486 = arith.index_cast %swap3A_485 : i32 to index
        %swap3A_487 = arith.index_cast %add3A_439 : i32 to index
        %swap3A_488 = arith.constant 48 : index
        %swap3A_489 = tpu.vector_load %arg8[%swap3A_486, %swap3A_487, %swap3A_488] {strides = array<i32>} : memref<2x200x64xf32, #tpu.memory_space<vmem>>, vector<1x1x16xf32>,
        %swap3A_490 = vector.shape_cast %swap3A_489 : vector<1x1x16xf32> to vector<16xf32>
        %swap3A_491 = vector.shape_cast %get3A_484 : vector<16xf32> to vector<1x1x16xf32>
        tpu.vector_store %arg8[%swap3A_486, %swap3A_487, %swap3A_488], %swap3A_491 {add = true, strides = array<i32>} : memref<2x200x64xf32, #tpu.memory_space<vmem>>, vector<1x1x16xf32>,
        %scan3A_492 = arith.constant 6 : i32
        %scan3A_493 = arith.addi %scan3A_147, %scan3A_492 : i32
        %mul3A_494 = arith.constant 1 : i32
        %mul3A_495 = arith.muli %scan3A_493, %mul3A_494 : i32
        %add3A_496 = arith.constant 0 : i32
        %add3A_497 = arith.addi %add3A_496, %mul3A_495 : i32
        %get3A_498 = arith.constant 0 : i32
        %get3A_499 = arith.index_cast %get3A_498 : i32 to index
        %get3A_500 = arith.index_cast %add3A_497 : i32 to index
        %get3A_501 = arith.constant 0 : index
        %get3A_502 = tpu.vector_load %arg7[%get3A_499, %get3A_500, %get3A_501] {strides = array<i32>} : memref<2x200x64xf32, #tpu.memory_space<vmem>>, vector<1x1x16xf32>,
        %get3A_503 = vector.shape_cast %get3A_502 : vector<1x1x16xf32> to vector<16xf32>
        %swap3A_504 = arith.constant 0 : i32
        %swap3A_505 = arith.index_cast %swap3A_504 : i32 to index
        %swap3A_506 = arith.index_cast %add3A_497 : i32 to index
        %swap3A_507 = arith.constant 0 : index
        %swap3A_508 = tpu.vector_load %arg8[%swap3A_505, %swap3A_506, %swap3A_507] {strides = array<i32>} : memref<2x200x64xf32, #tpu.memory_space<vmem>>, vector<1x1x16xf32>,
        %swap3A_509 = vector.shape_cast %swap3A_508 : vector<1x1x16xf32> to vector<16xf32>
        %swap3A_510 = vector.shape_cast %get3A_503 : vector<16xf32> to vector<1x1x16xf32>
        tpu.vector_store %arg8[%swap3A_505, %swap3A_506, %swap3A_507], %swap3A_510 {add = true, strides = array<i32>} : memref<2x200x64xf32, #tpu.memory_space<vmem>>, vector<1x1x16xf32>,
        %get3A_511 = arith.constant 0 : i32
        %get3A_512 = arith.index_cast %get3A_511 : i32 to index
        %get3A_513 = arith.index_cast %add3A_497 : i32 to index
        %get3A_514 = arith.constant 16 : index
        %get3A_515 = tpu.vector_load %arg7[%get3A_512, %get3A_513, %get3A_514] {strides = array<i32>} : memref<2x200x64xf32, #tpu.memory_space<vmem>>, vector<1x1x16xf32>,
        %get3A_516 = vector.shape_cast %get3A_515 : vector<1x1x16xf32> to vector<16xf32>
        %swap3A_517 = arith.constant 0 : i32
        %swap3A_518 = arith.index_cast %swap3A_517 : i32 to index
        %swap3A_519 = arith.index_cast %add3A_497 : i32 to index
        %swap3A_520 = arith.constant 16 : index
        %swap3A_521 = tpu.vector_load %arg8[%swap3A_518, %swap3A_519, %swap3A_520] {strides = array<i32>} : memref<2x200x64xf32, #tpu.memory_space<vmem>>, vector<1x1x16xf32>,
        %swap3A_522 = vector.shape_cast %swap3A_521 : vector<1x1x16xf32> to vector<16xf32>
        %swap3A_523 = vector.shape_cast %get3A_516 : vector<16xf32> to vector<1x1x16xf32>
        tpu.vector_store %arg8[%swap3A_518, %swap3A_519, %swap3A_520], %swap3A_523 {add = true, strides = array<i32>} : memref<2x200x64xf32, #tpu.memory_space<vmem>>, vector<1x1x16xf32>,
        %get3A_524 = arith.constant 0 : i32
        %get3A_525 = arith.index_cast %get3A_524 : i32 to index
        %get3A_526 = arith.index_cast %add3A_497 : i32 to index
        %get3A_527 = arith.constant 32 : index
        %get3A_528 = tpu.vector_load %arg7[%get3A_525, %get3A_526, %get3A_527] {strides = array<i32>} : memref<2x200x64xf32, #tpu.memory_space<vmem>>, vector<1x1x16xf32>,
        %get3A_529 = vector.shape_cast %get3A_528 : vector<1x1x16xf32> to vector<16xf32>
        %swap3A_530 = arith.constant 0 : i32
        %swap3A_531 = arith.index_cast %swap3A_530 : i32 to index
        %swap3A_532 = arith.index_cast %add3A_497 : i32 to index
        %swap3A_533 = arith.constant 32 : index
        %swap3A_534 = tpu.vector_load %arg8[%swap3A_531, %swap3A_532, %swap3A_533] {strides = array<i32>} : memref<2x200x64xf32, #tpu.memory_space<vmem>>, vector<1x1x16xf32>,
        %swap3A_535 = vector.shape_cast %swap3A_534 : vector<1x1x16xf32> to vector<16xf32>
        %swap3A_536 = vector.shape_cast %get3A_529 : vector<16xf32> to vector<1x1x16xf32>
        tpu.vector_store %arg8[%swap3A_531, %swap3A_532, %swap3A_533], %swap3A_536 {add = true, strides = array<i32>} : memref<2x200x64xf32, #tpu.memory_space<vmem>>, vector<1x1x16xf32>,
        %get3A_537 = arith.constant 0 : i32
        %get3A_538 = arith.index_cast %get3A_537 : i32 to index
        %get3A_539 = arith.index_cast %add3A_497 : i32 to index
        %get3A_540 = arith.constant 48 : index
        %get3A_541 = tpu.vector_load %arg7[%get3A_538, %get3A_539, %get3A_540] {strides = array<i32>} : memref<2x200x64xf32, #tpu.memory_space<vmem>>, vector<1x1x16xf32>,
        %get3A_542 = vector.shape_cast %get3A_541 : vector<1x1x16xf32> to vector<16xf32>
        %swap3A_543 = arith.constant 0 : i32
        %swap3A_544 = arith.index_cast %swap3A_543 : i32 to index
        %swap3A_545 = arith.index_cast %add3A_497 : i32 to index
        %swap3A_546 = arith.constant 48 : index
        %swap3A_547 = tpu.vector_load %arg8[%swap3A_544, %swap3A_545, %swap3A_546] {strides = array<i32>} : memref<2x200x64xf32, #tpu.memory_space<vmem>>, vector<1x1x16xf32>,
        %swap3A_548 = vector.shape_cast %swap3A_547 : vector<1x1x16xf32> to vector<16xf32>
        %swap3A_549 = vector.shape_cast %get3A_542 : vector<16xf32> to vector<1x1x16xf32>
        tpu.vector_store %arg8[%swap3A_544, %swap3A_545, %swap3A_546], %swap3A_549 {add = true, strides = array<i32>} : memref<2x200x64xf32, #tpu.memory_space<vmem>>, vector<1x1x16xf32>,
        %scan3A_550 = arith.constant 7 : i32
        %scan3A_551 = arith.addi %scan3A_147, %scan3A_550 : i32
        %mul3A_552 = arith.constant 1 : i32
        %mul3A_553 = arith.muli %scan3A_551, %mul3A_552 : i32
        %add3A_554 = arith.constant 0 : i32
        %add3A_555 = arith.addi %add3A_554, %mul3A_553 : i32
        %get3A_556 = arith.constant 0 : i32
        %get3A_557 = arith.index_cast %get3A_556 : i32 to index
        %get3A_558 = arith.index_cast %add3A_555 : i32 to index
        %get3A_559 = arith.constant 0 : index
        %get3A_560 = tpu.vector_load %arg7[%get3A_557, %get3A_558, %get3A_559] {strides = array<i32>} : memref<2x200x64xf32, #tpu.memory_space<vmem>>, vector<1x1x16xf32>,
        %get3A_561 = vector.shape_cast %get3A_560 : vector<1x1x16xf32> to vector<16xf32>
        %swap3A_562 = arith.constant 0 : i32
        %swap3A_563 = arith.index_cast %swap3A_562 : i32 to index
        %swap3A_564 = arith.index_cast %add3A_555 : i32 to index
        %swap3A_565 = arith.constant 0 : index
        %swap3A_566 = tpu.vector_load %arg8[%swap3A_563, %swap3A_564, %swap3A_565] {strides = array<i32>} : memref<2x200x64xf32, #tpu.memory_space<vmem>>, vector<1x1x16xf32>,
        %swap3A_567 = vector.shape_cast %swap3A_566 : vector<1x1x16xf32> to vector<16xf32>
        %swap3A_568 = vector.shape_cast %get3A_561 : vector<16xf32> to vector<1x1x16xf32>
        tpu.vector_store %arg8[%swap3A_563, %swap3A_564, %swap3A_565], %swap3A_568 {add = true, strides = array<i32>} : memref<2x200x64xf32, #tpu.memory_space<vmem>>, vector<1x1x16xf32>,
        %get3A_569 = arith.constant 0 : i32
        %get3A_570 = arith.index_cast %get3A_569 : i32 to index
        %get3A_571 = arith.index_cast %add3A_555 : i32 to index
        %get3A_572 = arith.constant 16 : index
        %get3A_573 = tpu.vector_load %arg7[%get3A_570, %get3A_571, %get3A_572] {strides = array<i32>} : memref<2x200x64xf32, #tpu.memory_space<vmem>>, vector<1x1x16xf32>,
        %get3A_574 = vector.shape_cast %get3A_573 : vector<1x1x16xf32> to vector<16xf32>
        %swap3A_575 = arith.constant 0 : i32
        %swap3A_576 = arith.index_cast %swap3A_575 : i32 to index
        %swap3A_577 = arith.index_cast %add3A_555 : i32 to index
        %swap3A_578 = arith.constant 16 : index
        %swap3A_579 = tpu.vector_load %arg8[%swap3A_576, %swap3A_577, %swap3A_578] {strides = array<i32>} : memref<2x200x64xf32, #tpu.memory_space<vmem>>, vector<1x1x16xf32>,
        %swap3A_580 = vector.shape_cast %swap3A_579 : vector<1x1x16xf32> to vector<16xf32>
        %swap3A_581 = vector.shape_cast %get3A_574 : vector<16xf32> to vector<1x1x16xf32>
        tpu.vector_store %arg8[%swap3A_576, %swap3A_577, %swap3A_578], %swap3A_581 {add = true, strides = array<i32>} : memref<2x200x64xf32, #tpu.memory_space<vmem>>, vector<1x1x16xf32>,
        %get3A_582 = arith.constant 0 : i32
        %get3A_583 = arith.index_cast %get3A_582 : i32 to index
        %get3A_584 = arith.index_cast %add3A_555 : i32 to index
        %get3A_585 = arith.constant 32 : index
        %get3A_586 = tpu.vector_load %arg7[%get3A_583, %get3A_584, %get3A_585] {strides = array<i32>} : memref<2x200x64xf32, #tpu.memory_space<vmem>>, vector<1x1x16xf32>,
        %get3A_587 = vector.shape_cast %get3A_586 : vector<1x1x16xf32> to vector<16xf32>
        %swap3A_588 = arith.constant 0 : i32
        %swap3A_589 = arith.index_cast %swap3A_588 : i32 to index
        %swap3A_590 = arith.index_cast %add3A_555 : i32 to index
        %swap3A_591 = arith.constant 32 : index
        %swap3A_592 = tpu.vector_load %arg8[%swap3A_589, %swap3A_590, %swap3A_591] {strides = array<i32>} : memref<2x200x64xf32, #tpu.memory_space<vmem>>, vector<1x1x16xf32>,
        %swap3A_593 = vector.shape_cast %swap3A_592 : vector<1x1x16xf32> to vector<16xf32>
        %swap3A_594 = vector.shape_cast %get3A_587 : vector<16xf32> to vector<1x1x16xf32>
        tpu.vector_store %arg8[%swap3A_589, %swap3A_590, %swap3A_591], %swap3A_594 {add = true, strides = array<i32>} : memref<2x200x64xf32, #tpu.memory_space<vmem>>, vector<1x1x16xf32>,
        %get3A_595 = arith.constant 0 : i32
        %get3A_596 = arith.index_cast %get3A_595 : i32 to index
        %get3A_597 = arith.index_cast %add3A_555 : i32 to index
        %get3A_598 = arith.constant 48 : index
        %get3A_599 = tpu.vector_load %arg7[%get3A_596, %get3A_597, %get3A_598] {strides = array<i32>} : memref<2x200x64xf32, #tpu.memory_space<vmem>>, vector<1x1x16xf32>,
        %get3A_600 = vector.shape_cast %get3A_599 : vector<1x1x16xf32> to vector<16xf32>
        %swap3A_601 = arith.constant 0 : i32
        %swap3A_602 = arith.index_cast %swap3A_601 : i32 to index
        %swap3A_603 = arith.index_cast %add3A_555 : i32 to index
        %swap3A_604 = arith.constant 48 : index
        %swap3A_605 = tpu.vector_load %arg8[%swap3A_602, %swap3A_603, %swap3A_604] {strides = array<i32>} : memref<2x200x64xf32, #tpu.memory_space<vmem>>, vector<1x1x16xf32>,
        %swap3A_606 = vector.shape_cast %swap3A_605 : vector<1x1x16xf32> to vector<16xf32>
        %swap3A_607 = vector.shape_cast %get3A_600 : vector<16xf32> to vector<1x1x16xf32>
        tpu.vector_store %arg8[%swap3A_602, %swap3A_603, %swap3A_604], %swap3A_607 {add = true, strides = array<i32>} : memref<2x200x64xf32, #tpu.memory_space<vmem>>, vector<1x1x16xf32>,
      }
      %scan3A_95 = arith.constant 200 : i32
      %scan3A_96 = arith.constant 0 : i32
      %scan3A_97 = arith.constant 200 : i32
      %scan3A_98 = arith.addi %scan3A_96, %scan3A_97 : i32
      %scan3A_99 = arith.constant 8 : i32
      scf.for %scan3A_147 = %scan3A_96 to %scan3A_98 step %scan3A_99  : i32 {
        %mul3A_148 = arith.constant 1 : i32
        %mul3A_149 = arith.muli %scan3A_147, %mul3A_148 : i32
        %add3A_150 = arith.constant 0 : i32
        %add3A_151 = arith.addi %add3A_150, %mul3A_149 : i32
        %get3A = arith.constant 1 : i32
        %get3A_152 = arith.index_cast %get3A : i32 to index
        %get3A_153 = arith.index_cast %add3A_151 : i32 to index
        %get3A_154 = arith.constant 0 : index
        %get3A_155 = tpu.vector_load %arg7[%get3A_152, %get3A_153, %get3A_154] {strides = array<i32>} : memref<2x200x64xf32, #tpu.memory_space<vmem>>, vector<1x1x16xf32>,
        %get3A_156 = vector.shape_cast %get3A_155 : vector<1x1x16xf32> to vector<16xf32>
        %swap3A = arith.constant 1 : i32
        %swap3A_157 = arith.index_cast %swap3A : i32 to index
        %swap3A_158 = arith.index_cast %add3A_151 : i32 to index
        %swap3A_159 = arith.constant 0 : index
        %swap3A_160 = tpu.vector_load %arg8[%swap3A_157, %swap3A_158, %swap3A_159] {strides = array<i32>} : memref<2x200x64xf32, #tpu.memory_space<vmem>>, vector<1x1x16xf32>,
        %swap3A_161 = vector.shape_cast %swap3A_160 : vector<1x1x16xf32> to vector<16xf32>
        %swap3A_162 = vector.shape_cast %get3A_156 : vector<16xf32> to vector<1x1x16xf32>
        tpu.vector_store %arg8[%swap3A_157, %swap3A_158, %swap3A_159], %swap3A_162 {add = true, strides = array<i32>} : memref<2x200x64xf32, #tpu.memory_space<vmem>>, vector<1x1x16xf32>,
        %get3A_163 = arith.constant 1 : i32
        %get3A_164 = arith.index_cast %get3A_163 : i32 to index
        %get3A_165 = arith.index_cast %add3A_151 : i32 to index
        %get3A_166 = arith.constant 16 : index
        %get3A_167 = tpu.vector_load %arg7[%get3A_164, %get3A_165, %get3A_166] {strides = array<i32>} : memref<2x200x64xf32, #tpu.memory_space<vmem>>, vector<1x1x16xf32>,
        %get3A_168 = vector.shape_cast %get3A_167 : vector<1x1x16xf32> to vector<16xf32>
        %swap3A_169 = arith.constant 1 : i32
        %swap3A_170 = arith.index_cast %swap3A_169 : i32 to index
        %swap3A_171 = arith.index_cast %add3A_151 : i32 to index
        %swap3A_172 = arith.constant 16 : index
        %swap3A_173 = tpu.vector_load %arg8[%swap3A_170, %swap3A_171, %swap3A_172] {strides = array<i32>} : memref<2x200x64xf32, #tpu.memory_space<vmem>>, vector<1x1x16xf32>,
        %swap3A_174 = vector.shape_cast %swap3A_173 : vector<1x1x16xf32> to vector<16xf32>
        %swap3A_175 = vector.shape_cast %get3A_168 : vector<16xf32> to vector<1x1x16xf32>
        tpu.vector_store %arg8[%swap3A_170, %swap3A_171, %swap3A_172], %swap3A_175 {add = true, strides = array<i32>} : memref<2x200x64xf32, #tpu.memory_space<vmem>>, vector<1x1x16xf32>,
        %get3A_176 = arith.constant 1 : i32
        %get3A_177 = arith.index_cast %get3A_176 : i32 to index
        %get3A_178 = arith.index_cast %add3A_151 : i32 to index
        %get3A_179 = arith.constant 32 : index
        %get3A_180 = tpu.vector_load %arg7[%get3A_177, %get3A_178, %get3A_179] {strides = array<i32>} : memref<2x200x64xf32, #tpu.memory_space<vmem>>, vector<1x1x16xf32>,
        %get3A_181 = vector.shape_cast %get3A_180 : vector<1x1x16xf32> to vector<16xf32>
        %swap3A_182 = arith.constant 1 : i32
        %swap3A_183 = arith.index_cast %swap3A_182 : i32 to index
        %swap3A_184 = arith.index_cast %add3A_151 : i32 to index
        %swap3A_185 = arith.constant 32 : index
        %swap3A_186 = tpu.vector_load %arg8[%swap3A_183, %swap3A_184, %swap3A_185] {strides = array<i32>} : memref<2x200x64xf32, #tpu.memory_space<vmem>>, vector<1x1x16xf32>,
        %swap3A_187 = vector.shape_cast %swap3A_186 : vector<1x1x16xf32> to vector<16xf32>
        %swap3A_188 = vector.shape_cast %get3A_181 : vector<16xf32> to vector<1x1x16xf32>
        tpu.vector_store %arg8[%swap3A_183, %swap3A_184, %swap3A_185], %swap3A_188 {add = true, strides = array<i32>} : memref<2x200x64xf32, #tpu.memory_space<vmem>>, vector<1x1x16xf32>,
        %get3A_189 = arith.constant 1 : i32
        %get3A_190 = arith.index_cast %get3A_189 : i32 to index
        %get3A_191 = arith.index_cast %add3A_151 : i32 to index
        %get3A_192 = arith.constant 48 : index
        %get3A_193 = tpu.vector_load %arg7[%get3A_190, %get3A_191, %get3A_192] {strides = array<i32>} : memref<2x200x64xf32, #tpu.memory_space<vmem>>, vector<1x1x16xf32>,
        %get3A_194 = vector.shape_cast %get3A_193 : vector<1x1x16xf32> to vector<16xf32>
        %swap3A_195 = arith.constant 1 : i32
        %swap3A_196 = arith.index_cast %swap3A_195 : i32 to index
        %swap3A_197 = arith.index_cast %add3A_151 : i32 to index
        %swap3A_198 = arith.constant 48 : index
        %swap3A_199 = tpu.vector_load %arg8[%swap3A_196, %swap3A_197, %swap3A_198] {strides = array<i32>} : memref<2x200x64xf32, #tpu.memory_space<vmem>>, vector<1x1x16xf32>,
        %swap3A_200 = vector.shape_cast %swap3A_199 : vector<1x1x16xf32> to vector<16xf32>
        %swap3A_201 = vector.shape_cast %get3A_194 : vector<16xf32> to vector<1x1x16xf32>
        tpu.vector_store %arg8[%swap3A_196, %swap3A_197, %swap3A_198], %swap3A_201 {add = true, strides = array<i32>} : memref<2x200x64xf32, #tpu.memory_space<vmem>>, vector<1x1x16xf32>,
        %scan3A_202 = arith.constant 1 : i32
        %scan3A_203 = arith.addi %scan3A_147, %scan3A_202 : i32
        %mul3A_204 = arith.constant 1 : i32
        %mul3A_205 = arith.muli %scan3A_203, %mul3A_204 : i32
        %add3A_206 = arith.constant 0 : i32
        %add3A_207 = arith.addi %add3A_206, %mul3A_205 : i32
        %get3A_208 = arith.constant 1 : i32
        %get3A_209 = arith.index_cast %get3A_208 : i32 to index
        %get3A_210 = arith.index_cast %add3A_207 : i32 to index
        %get3A_211 = arith.constant 0 : index
        %get3A_212 = tpu.vector_load %arg7[%get3A_209, %get3A_210, %get3A_211] {strides = array<i32>} : memref<2x200x64xf32, #tpu.memory_space<vmem>>, vector<1x1x16xf32>,
        %get3A_213 = vector.shape_cast %get3A_212 : vector<1x1x16xf32> to vector<16xf32>
        %swap3A_214 = arith.constant 1 : i32
        %swap3A_215 = arith.index_cast %swap3A_214 : i32 to index
        %swap3A_216 = arith.index_cast %add3A_207 : i32 to index
        %swap3A_217 = arith.constant 0 : index
        %swap3A_218 = tpu.vector_load %arg8[%swap3A_215, %swap3A_216, %swap3A_217] {strides = array<i32>} : memref<2x200x64xf32, #tpu.memory_space<vmem>>, vector<1x1x16xf32>,
        %swap3A_219 = vector.shape_cast %swap3A_218 : vector<1x1x16xf32> to vector<16xf32>
        %swap3A_220 = vector.shape_cast %get3A_213 : vector<16xf32> to vector<1x1x16xf32>
        tpu.vector_store %arg8[%swap3A_215, %swap3A_216, %swap3A_217], %swap3A_220 {add = true, strides = array<i32>} : memref<2x200x64xf32, #tpu.memory_space<vmem>>, vector<1x1x16xf32>,
        %get3A_221 = arith.constant 1 : i32
        %get3A_222 = arith.index_cast %get3A_221 : i32 to index
        %get3A_223 = arith.index_cast %add3A_207 : i32 to index
        %get3A_224 = arith.constant 16 : index
        %get3A_225 = tpu.vector_load %arg7[%get3A_222, %get3A_223, %get3A_224] {strides = array<i32>} : memref<2x200x64xf32, #tpu.memory_space<vmem>>, vector<1x1x16xf32>,
        %get3A_226 = vector.shape_cast %get3A_225 : vector<1x1x16xf32> to vector<16xf32>
        %swap3A_227 = arith.constant 1 : i32
        %swap3A_228 = arith.index_cast %swap3A_227 : i32 to index
        %swap3A_229 = arith.index_cast %add3A_207 : i32 to index
        %swap3A_230 = arith.constant 16 : index
        %swap3A_231 = tpu.vector_load %arg8[%swap3A_228, %swap3A_229, %swap3A_230] {strides = array<i32>} : memref<2x200x64xf32, #tpu.memory_space<vmem>>, vector<1x1x16xf32>,
        %swap3A_232 = vector.shape_cast %swap3A_231 : vector<1x1x16xf32> to vector<16xf32>
        %swap3A_233 = vector.shape_cast %get3A_226 : vector<16xf32> to vector<1x1x16xf32>
        tpu.vector_store %arg8[%swap3A_228, %swap3A_229, %swap3A_230], %swap3A_233 {add = true, strides = array<i32>} : memref<2x200x64xf32, #tpu.memory_space<vmem>>, vector<1x1x16xf32>,
        %get3A_234 = arith.constant 1 : i32
        %get3A_235 = arith.index_cast %get3A_234 : i32 to index
        %get3A_236 = arith.index_cast %add3A_207 : i32 to index
        %get3A_237 = arith.constant 32 : index
        %get3A_238 = tpu.vector_load %arg7[%get3A_235, %get3A_236, %get3A_237] {strides = array<i32>} : memref<2x200x64xf32, #tpu.memory_space<vmem>>, vector<1x1x16xf32>,
        %get3A_239 = vector.shape_cast %get3A_238 : vector<1x1x16xf32> to vector<16xf32>
        %swap3A_240 = arith.constant 1 : i32
        %swap3A_241 = arith.index_cast %swap3A_240 : i32 to index
        %swap3A_242 = arith.index_cast %add3A_207 : i32 to index
        %swap3A_243 = arith.constant 32 : index
        %swap3A_244 = tpu.vector_load %arg8[%swap3A_241, %swap3A_242, %swap3A_243] {strides = array<i32>} : memref<2x200x64xf32, #tpu.memory_space<vmem>>, vector<1x1x16xf32>,
        %swap3A_245 = vector.shape_cast %swap3A_244 : vector<1x1x16xf32> to vector<16xf32>
        %swap3A_246 = vector.shape_cast %get3A_239 : vector<16xf32> to vector<1x1x16xf32>
        tpu.vector_store %arg8[%swap3A_241, %swap3A_242, %swap3A_243], %swap3A_246 {add = true, strides = array<i32>} : memref<2x200x64xf32, #tpu.memory_space<vmem>>, vector<1x1x16xf32>,
        %get3A_247 = arith.constant 1 : i32
        %get3A_248 = arith.index_cast %get3A_247 : i32 to index
        %get3A_249 = arith.index_cast %add3A_207 : i32 to index
        %get3A_250 = arith.constant 48 : index
        %get3A_251 = tpu.vector_load %arg7[%get3A_248, %get3A_249, %get3A_250] {strides = array<i32>} : memref<2x200x64xf32, #tpu.memory_space<vmem>>, vector<1x1x16xf32>,
        %get3A_252 = vector.shape_cast %get3A_251 : vector<1x1x16xf32> to vector<16xf32>
        %swap3A_253 = arith.constant 1 : i32
        %swap3A_254 = arith.index_cast %swap3A_253 : i32 to index
        %swap3A_255 = arith.index_cast %add3A_207 : i32 to index
        %swap3A_256 = arith.constant 48 : index
        %swap3A_257 = tpu.vector_load %arg8[%swap3A_254, %swap3A_255, %swap3A_256] {strides = array<i32>} : memref<2x200x64xf32, #tpu.memory_space<vmem>>, vector<1x1x16xf32>,
        %swap3A_258 = vector.shape_cast %swap3A_257 : vector<1x1x16xf32> to vector<16xf32>
        %swap3A_259 = vector.shape_cast %get3A_252 : vector<16xf32> to vector<1x1x16xf32>
        tpu.vector_store %arg8[%swap3A_254, %swap3A_255, %swap3A_256], %swap3A_259 {add = true, strides = array<i32>} : memref<2x200x64xf32, #tpu.memory_space<vmem>>, vector<1x1x16xf32>,
        %scan3A_260 = arith.constant 2 : i32
        %scan3A_261 = arith.addi %scan3A_147, %scan3A_260 : i32
        %mul3A_262 = arith.constant 1 : i32
        %mul3A_263 = arith.muli %scan3A_261, %mul3A_262 : i32
        %add3A_264 = arith.constant 0 : i32
        %add3A_265 = arith.addi %add3A_264, %mul3A_263 : i32
        %get3A_266 = arith.constant 1 : i32
        %get3A_267 = arith.index_cast %get3A_266 : i32 to index
        %get3A_268 = arith.index_cast %add3A_265 : i32 to index
        %get3A_269 = arith.constant 0 : index
        %get3A_270 = tpu.vector_load %arg7[%get3A_267, %get3A_268, %get3A_269] {strides = array<i32>} : memref<2x200x64xf32, #tpu.memory_space<vmem>>, vector<1x1x16xf32>,
        %get3A_271 = vector.shape_cast %get3A_270 : vector<1x1x16xf32> to vector<16xf32>
        %swap3A_272 = arith.constant 1 : i32
        %swap3A_273 = arith.index_cast %swap3A_272 : i32 to index
        %swap3A_274 = arith.index_cast %add3A_265 : i32 to index
        %swap3A_275 = arith.constant 0 : index
        %swap3A_276 = tpu.vector_load %arg8[%swap3A_273, %swap3A_274, %swap3A_275] {strides = array<i32>} : memref<2x200x64xf32, #tpu.memory_space<vmem>>, vector<1x1x16xf32>,
        %swap3A_277 = vector.shape_cast %swap3A_276 : vector<1x1x16xf32> to vector<16xf32>
        %swap3A_278 = vector.shape_cast %get3A_271 : vector<16xf32> to vector<1x1x16xf32>
        tpu.vector_store %arg8[%swap3A_273, %swap3A_274, %swap3A_275], %swap3A_278 {add = true, strides = array<i32>} : memref<2x200x64xf32, #tpu.memory_space<vmem>>, vector<1x1x16xf32>,
        %get3A_279 = arith.constant 1 : i32
        %get3A_280 = arith.index_cast %get3A_279 : i32 to index
        %get3A_281 = arith.index_cast %add3A_265 : i32 to index
        %get3A_282 = arith.constant 16 : index
        %get3A_283 = tpu.vector_load %arg7[%get3A_280, %get3A_281, %get3A_282] {strides = array<i32>} : memref<2x200x64xf32, #tpu.memory_space<vmem>>, vector<1x1x16xf32>,
        %get3A_284 = vector.shape_cast %get3A_283 : vector<1x1x16xf32> to vector<16xf32>
        %swap3A_285 = arith.constant 1 : i32
        %swap3A_286 = arith.index_cast %swap3A_285 : i32 to index
        %swap3A_287 = arith.index_cast %add3A_265 : i32 to index
        %swap3A_288 = arith.constant 16 : index
        %swap3A_289 = tpu.vector_load %arg8[%swap3A_286, %swap3A_287, %swap3A_288] {strides = array<i32>} : memref<2x200x64xf32, #tpu.memory_space<vmem>>, vector<1x1x16xf32>,
        %swap3A_290 = vector.shape_cast %swap3A_289 : vector<1x1x16xf32> to vector<16xf32>
        %swap3A_291 = vector.shape_cast %get3A_284 : vector<16xf32> to vector<1x1x16xf32>
        tpu.vector_store %arg8[%swap3A_286, %swap3A_287, %swap3A_288], %swap3A_291 {add = true, strides = array<i32>} : memref<2x200x64xf32, #tpu.memory_space<vmem>>, vector<1x1x16xf32>,
        %get3A_292 = arith.constant 1 : i32
        %get3A_293 = arith.index_cast %get3A_292 : i32 to index
        %get3A_294 = arith.index_cast %add3A_265 : i32 to index
        %get3A_295 = arith.constant 32 : index
        %get3A_296 = tpu.vector_load %arg7[%get3A_293, %get3A_294, %get3A_295] {strides = array<i32>} : memref<2x200x64xf32, #tpu.memory_space<vmem>>, vector<1x1x16xf32>,
        %get3A_297 = vector.shape_cast %get3A_296 : vector<1x1x16xf32> to vector<16xf32>
        %swap3A_298 = arith.constant 1 : i32
        %swap3A_299 = arith.index_cast %swap3A_298 : i32 to index
        %swap3A_300 = arith.index_cast %add3A_265 : i32 to index
        %swap3A_301 = arith.constant 32 : index
        %swap3A_302 = tpu.vector_load %arg8[%swap3A_299, %swap3A_300, %swap3A_301] {strides = array<i32>} : memref<2x200x64xf32, #tpu.memory_space<vmem>>, vector<1x1x16xf32>,
        %swap3A_303 = vector.shape_cast %swap3A_302 : vector<1x1x16xf32> to vector<16xf32>
        %swap3A_304 = vector.shape_cast %get3A_297 : vector<16xf32> to vector<1x1x16xf32>
        tpu.vector_store %arg8[%swap3A_299, %swap3A_300, %swap3A_301], %swap3A_304 {add = true, strides = array<i32>} : memref<2x200x64xf32, #tpu.memory_space<vmem>>, vector<1x1x16xf32>,
        %get3A_305 = arith.constant 1 : i32
        %get3A_306 = arith.index_cast %get3A_305 : i32 to index
        %get3A_307 = arith.index_cast %add3A_265 : i32 to index
        %get3A_308 = arith.constant 48 : index
        %get3A_309 = tpu.vector_load %arg7[%get3A_306, %get3A_307, %get3A_308] {strides = array<i32>} : memref<2x200x64xf32, #tpu.memory_space<vmem>>, vector<1x1x16xf32>,
        %get3A_310 = vector.shape_cast %get3A_309 : vector<1x1x16xf32> to vector<16xf32>
        %swap3A_311 = arith.constant 1 : i32
        %swap3A_312 = arith.index_cast %swap3A_311 : i32 to index
        %swap3A_313 = arith.index_cast %add3A_265 : i32 to index
        %swap3A_314 = arith.constant 48 : index
        %swap3A_315 = tpu.vector_load %arg8[%swap3A_312, %swap3A_313, %swap3A_314] {strides = array<i32>} : memref<2x200x64xf32, #tpu.memory_space<vmem>>, vector<1x1x16xf32>,
        %swap3A_316 = vector.shape_cast %swap3A_315 : vector<1x1x16xf32> to vector<16xf32>
        %swap3A_317 = vector.shape_cast %get3A_310 : vector<16xf32> to vector<1x1x16xf32>
        tpu.vector_store %arg8[%swap3A_312, %swap3A_313, %swap3A_314], %swap3A_317 {add = true, strides = array<i32>} : memref<2x200x64xf32, #tpu.memory_space<vmem>>, vector<1x1x16xf32>,
        %scan3A_318 = arith.constant 3 : i32
        %scan3A_319 = arith.addi %scan3A_147, %scan3A_318 : i32
        %mul3A_320 = arith.constant 1 : i32
        %mul3A_321 = arith.muli %scan3A_319, %mul3A_320 : i32
        %add3A_322 = arith.constant 0 : i32
        %add3A_323 = arith.addi %add3A_322, %mul3A_321 : i32
        %get3A_324 = arith.constant 1 : i32
        %get3A_325 = arith.index_cast %get3A_324 : i32 to index
        %get3A_326 = arith.index_cast %add3A_323 : i32 to index
        %get3A_327 = arith.constant 0 : index
        %get3A_328 = tpu.vector_load %arg7[%get3A_325, %get3A_326, %get3A_327] {strides = array<i32>} : memref<2x200x64xf32, #tpu.memory_space<vmem>>, vector<1x1x16xf32>,
        %get3A_329 = vector.shape_cast %get3A_328 : vector<1x1x16xf32> to vector<16xf32>
        %swap3A_330 = arith.constant 1 : i32
        %swap3A_331 = arith.index_cast %swap3A_330 : i32 to index
        %swap3A_332 = arith.index_cast %add3A_323 : i32 to index
        %swap3A_333 = arith.constant 0 : index
        %swap3A_334 = tpu.vector_load %arg8[%swap3A_331, %swap3A_332, %swap3A_333] {strides = array<i32>} : memref<2x200x64xf32, #tpu.memory_space<vmem>>, vector<1x1x16xf32>,
        %swap3A_335 = vector.shape_cast %swap3A_334 : vector<1x1x16xf32> to vector<16xf32>
        %swap3A_336 = vector.shape_cast %get3A_329 : vector<16xf32> to vector<1x1x16xf32>
        tpu.vector_store %arg8[%swap3A_331, %swap3A_332, %swap3A_333], %swap3A_336 {add = true, strides = array<i32>} : memref<2x200x64xf32, #tpu.memory_space<vmem>>, vector<1x1x16xf32>,
        %get3A_337 = arith.constant 1 : i32
        %get3A_338 = arith.index_cast %get3A_337 : i32 to index
        %get3A_339 = arith.index_cast %add3A_323 : i32 to index
        %get3A_340 = arith.constant 16 : index
        %get3A_341 = tpu.vector_load %arg7[%get3A_338, %get3A_339, %get3A_340] {strides = array<i32>} : memref<2x200x64xf32, #tpu.memory_space<vmem>>, vector<1x1x16xf32>,
        %get3A_342 = vector.shape_cast %get3A_341 : vector<1x1x16xf32> to vector<16xf32>
        %swap3A_343 = arith.constant 1 : i32
        %swap3A_344 = arith.index_cast %swap3A_343 : i32 to index
        %swap3A_345 = arith.index_cast %add3A_323 : i32 to index
        %swap3A_346 = arith.constant 16 : index
        %swap3A_347 = tpu.vector_load %arg8[%swap3A_344, %swap3A_345, %swap3A_346] {strides = array<i32>} : memref<2x200x64xf32, #tpu.memory_space<vmem>>, vector<1x1x16xf32>,
        %swap3A_348 = vector.shape_cast %swap3A_347 : vector<1x1x16xf32> to vector<16xf32>
        %swap3A_349 = vector.shape_cast %get3A_342 : vector<16xf32> to vector<1x1x16xf32>
        tpu.vector_store %arg8[%swap3A_344, %swap3A_345, %swap3A_346], %swap3A_349 {add = true, strides = array<i32>} : memref<2x200x64xf32, #tpu.memory_space<vmem>>, vector<1x1x16xf32>,
        %get3A_350 = arith.constant 1 : i32
        %get3A_351 = arith.index_cast %get3A_350 : i32 to index
        %get3A_352 = arith.index_cast %add3A_323 : i32 to index
        %get3A_353 = arith.constant 32 : index
        %get3A_354 = tpu.vector_load %arg7[%get3A_351, %get3A_352, %get3A_353] {strides = array<i32>} : memref<2x200x64xf32, #tpu.memory_space<vmem>>, vector<1x1x16xf32>,
        %get3A_355 = vector.shape_cast %get3A_354 : vector<1x1x16xf32> to vector<16xf32>
        %swap3A_356 = arith.constant 1 : i32
        %swap3A_357 = arith.index_cast %swap3A_356 : i32 to index
        %swap3A_358 = arith.index_cast %add3A_323 : i32 to index
        %swap3A_359 = arith.constant 32 : index
        %swap3A_360 = tpu.vector_load %arg8[%swap3A_357, %swap3A_358, %swap3A_359] {strides = array<i32>} : memref<2x200x64xf32, #tpu.memory_space<vmem>>, vector<1x1x16xf32>,
        %swap3A_361 = vector.shape_cast %swap3A_360 : vector<1x1x16xf32> to vector<16xf32>
        %swap3A_362 = vector.shape_cast %get3A_355 : vector<16xf32> to vector<1x1x16xf32>
        tpu.vector_store %arg8[%swap3A_357, %swap3A_358, %swap3A_359], %swap3A_362 {add = true, strides = array<i32>} : memref<2x200x64xf32, #tpu.memory_space<vmem>>, vector<1x1x16xf32>,
        %get3A_363 = arith.constant 1 : i32
        %get3A_364 = arith.index_cast %get3A_363 : i32 to index
        %get3A_365 = arith.index_cast %add3A_323 : i32 to index
        %get3A_366 = arith.constant 48 : index
        %get3A_367 = tpu.vector_load %arg7[%get3A_364, %get3A_365, %get3A_366] {strides = array<i32>} : memref<2x200x64xf32, #tpu.memory_space<vmem>>, vector<1x1x16xf32>,
        %get3A_368 = vector.shape_cast %get3A_367 : vector<1x1x16xf32> to vector<16xf32>
        %swap3A_369 = arith.constant 1 : i32
        %swap3A_370 = arith.index_cast %swap3A_369 : i32 to index
        %swap3A_371 = arith.index_cast %add3A_323 : i32 to index
        %swap3A_372 = arith.constant 48 : index
        %swap3A_373 = tpu.vector_load %arg8[%swap3A_370, %swap3A_371, %swap3A_372] {strides = array<i32>} : memref<2x200x64xf32, #tpu.memory_space<vmem>>, vector<1x1x16xf32>,
        %swap3A_374 = vector.shape_cast %swap3A_373 : vector<1x1x16xf32> to vector<16xf32>
        %swap3A_375 = vector.shape_cast %get3A_368 : vector<16xf32> to vector<1x1x16xf32>
        tpu.vector_store %arg8[%swap3A_370, %swap3A_371, %swap3A_372], %swap3A_375 {add = true, strides = array<i32>} : memref<2x200x64xf32, #tpu.memory_space<vmem>>, vector<1x1x16xf32>,
        %scan3A_376 = arith.constant 4 : i32
        %scan3A_377 = arith.addi %scan3A_147, %scan3A_376 : i32
        %mul3A_378 = arith.constant 1 : i32
        %mul3A_379 = arith.muli %scan3A_377, %mul3A_378 : i32
        %add3A_380 = arith.constant 0 : i32
        %add3A_381 = arith.addi %add3A_380, %mul3A_379 : i32
        %get3A_382 = arith.constant 1 : i32
        %get3A_383 = arith.index_cast %get3A_382 : i32 to index
        %get3A_384 = arith.index_cast %add3A_381 : i32 to index
        %get3A_385 = arith.constant 0 : index
        %get3A_386 = tpu.vector_load %arg7[%get3A_383, %get3A_384, %get3A_385] {strides = array<i32>} : memref<2x200x64xf32, #tpu.memory_space<vmem>>, vector<1x1x16xf32>,
        %get3A_387 = vector.shape_cast %get3A_386 : vector<1x1x16xf32> to vector<16xf32>
        %swap3A_388 = arith.constant 1 : i32
        %swap3A_389 = arith.index_cast %swap3A_388 : i32 to index
        %swap3A_390 = arith.index_cast %add3A_381 : i32 to index
        %swap3A_391 = arith.constant 0 : index
        %swap3A_392 = tpu.vector_load %arg8[%swap3A_389, %swap3A_390, %swap3A_391] {strides = array<i32>} : memref<2x200x64xf32, #tpu.memory_space<vmem>>, vector<1x1x16xf32>,
        %swap3A_393 = vector.shape_cast %swap3A_392 : vector<1x1x16xf32> to vector<16xf32>
        %swap3A_394 = vector.shape_cast %get3A_387 : vector<16xf32> to vector<1x1x16xf32>
        tpu.vector_store %arg8[%swap3A_389, %swap3A_390, %swap3A_391], %swap3A_394 {add = true, strides = array<i32>} : memref<2x200x64xf32, #tpu.memory_space<vmem>>, vector<1x1x16xf32>,
        %get3A_395 = arith.constant 1 : i32
        %get3A_396 = arith.index_cast %get3A_395 : i32 to index
        %get3A_397 = arith.index_cast %add3A_381 : i32 to index
        %get3A_398 = arith.constant 16 : index
        %get3A_399 = tpu.vector_load %arg7[%get3A_396, %get3A_397, %get3A_398] {strides = array<i32>} : memref<2x200x64xf32, #tpu.memory_space<vmem>>, vector<1x1x16xf32>,
        %get3A_400 = vector.shape_cast %get3A_399 : vector<1x1x16xf32> to vector<16xf32>
        %swap3A_401 = arith.constant 1 : i32
        %swap3A_402 = arith.index_cast %swap3A_401 : i32 to index
        %swap3A_403 = arith.index_cast %add3A_381 : i32 to index
        %swap3A_404 = arith.constant 16 : index
        %swap3A_405 = tpu.vector_load %arg8[%swap3A_402, %swap3A_403, %swap3A_404] {strides = array<i32>} : memref<2x200x64xf32, #tpu.memory_space<vmem>>, vector<1x1x16xf32>,
        %swap3A_406 = vector.shape_cast %swap3A_405 : vector<1x1x16xf32> to vector<16xf32>
        %swap3A_407 = vector.shape_cast %get3A_400 : vector<16xf32> to vector<1x1x16xf32>
        tpu.vector_store %arg8[%swap3A_402, %swap3A_403, %swap3A_404], %swap3A_407 {add = true, strides = array<i32>} : memref<2x200x64xf32, #tpu.memory_space<vmem>>, vector<1x1x16xf32>,
        %get3A_408 = arith.constant 1 : i32
        %get3A_409 = arith.index_cast %get3A_408 : i32 to index
        %get3A_410 = arith.index_cast %add3A_381 : i32 to index
        %get3A_411 = arith.constant 32 : index
        %get3A_412 = tpu.vector_load %arg7[%get3A_409, %get3A_410, %get3A_411] {strides = array<i32>} : memref<2x200x64xf32, #tpu.memory_space<vmem>>, vector<1x1x16xf32>,
        %get3A_413 = vector.shape_cast %get3A_412 : vector<1x1x16xf32> to vector<16xf32>
        %swap3A_414 = arith.constant 1 : i32
        %swap3A_415 = arith.index_cast %swap3A_414 : i32 to index
        %swap3A_416 = arith.index_cast %add3A_381 : i32 to index
        %swap3A_417 = arith.constant 32 : index
        %swap3A_418 = tpu.vector_load %arg8[%swap3A_415, %swap3A_416, %swap3A_417] {strides = array<i32>} : memref<2x200x64xf32, #tpu.memory_space<vmem>>, vector<1x1x16xf32>,
        %swap3A_419 = vector.shape_cast %swap3A_418 : vector<1x1x16xf32> to vector<16xf32>
        %swap3A_420 = vector.shape_cast %get3A_413 : vector<16xf32> to vector<1x1x16xf32>
        tpu.vector_store %arg8[%swap3A_415, %swap3A_416, %swap3A_417], %swap3A_420 {add = true, strides = array<i32>} : memref<2x200x64xf32, #tpu.memory_space<vmem>>, vector<1x1x16xf32>,
        %get3A_421 = arith.constant 1 : i32
        %get3A_422 = arith.index_cast %get3A_421 : i32 to index
        %get3A_423 = arith.index_cast %add3A_381 : i32 to index
        %get3A_424 = arith.constant 48 : index
        %get3A_425 = tpu.vector_load %arg7[%get3A_422, %get3A_423, %get3A_424] {strides = array<i32>} : memref<2x200x64xf32, #tpu.memory_space<vmem>>, vector<1x1x16xf32>,
        %get3A_426 = vector.shape_cast %get3A_425 : vector<1x1x16xf32> to vector<16xf32>
        %swap3A_427 = arith.constant 1 : i32
        %swap3A_428 = arith.index_cast %swap3A_427 : i32 to index
        %swap3A_429 = arith.index_cast %add3A_381 : i32 to index
        %swap3A_430 = arith.constant 48 : index
        %swap3A_431 = tpu.vector_load %arg8[%swap3A_428, %swap3A_429, %swap3A_430] {strides = array<i32>} : memref<2x200x64xf32, #tpu.memory_space<vmem>>, vector<1x1x16xf32>,
        %swap3A_432 = vector.shape_cast %swap3A_431 : vector<1x1x16xf32> to vector<16xf32>
        %swap3A_433 = vector.shape_cast %get3A_426 : vector<16xf32> to vector<1x1x16xf32>
        tpu.vector_store %arg8[%swap3A_428, %swap3A_429, %swap3A_430], %swap3A_433 {add = true, strides = array<i32>} : memref<2x200x64xf32, #tpu.memory_space<vmem>>, vector<1x1x16xf32>,
        %scan3A_434 = arith.constant 5 : i32
        %scan3A_435 = arith.addi %scan3A_147, %scan3A_434 : i32
        %mul3A_436 = arith.constant 1 : i32
        %mul3A_437 = arith.muli %scan3A_435, %mul3A_436 : i32
        %add3A_438 = arith.constant 0 : i32
        %add3A_439 = arith.addi %add3A_438, %mul3A_437 : i32
        %get3A_440 = arith.constant 1 : i32
        %get3A_441 = arith.index_cast %get3A_440 : i32 to index
        %get3A_442 = arith.index_cast %add3A_439 : i32 to index
        %get3A_443 = arith.constant 0 : index
        %get3A_444 = tpu.vector_load %arg7[%get3A_441, %get3A_442, %get3A_443] {strides = array<i32>} : memref<2x200x64xf32, #tpu.memory_space<vmem>>, vector<1x1x16xf32>,
        %get3A_445 = vector.shape_cast %get3A_444 : vector<1x1x16xf32> to vector<16xf32>
        %swap3A_446 = arith.constant 1 : i32
        %swap3A_447 = arith.index_cast %swap3A_446 : i32 to index
        %swap3A_448 = arith.index_cast %add3A_439 : i32 to index
        %swap3A_449 = arith.constant 0 : index
        %swap3A_450 = tpu.vector_load %arg8[%swap3A_447, %swap3A_448, %swap3A_449] {strides = array<i32>} : memref<2x200x64xf32, #tpu.memory_space<vmem>>, vector<1x1x16xf32>,
        %swap3A_451 = vector.shape_cast %swap3A_450 : vector<1x1x16xf32> to vector<16xf32>
        %swap3A_452 = vector.shape_cast %get3A_445 : vector<16xf32> to vector<1x1x16xf32>
        tpu.vector_store %arg8[%swap3A_447, %swap3A_448, %swap3A_449], %swap3A_452 {add = true, strides = array<i32>} : memref<2x200x64xf32, #tpu.memory_space<vmem>>, vector<1x1x16xf32>,
        %get3A_453 = arith.constant 1 : i32
        %get3A_454 = arith.index_cast %get3A_453 : i32 to index
        %get3A_455 = arith.index_cast %add3A_439 : i32 to index
        %get3A_456 = arith.constant 16 : index
        %get3A_457 = tpu.vector_load %arg7[%get3A_454, %get3A_455, %get3A_456] {strides = array<i32>} : memref<2x200x64xf32, #tpu.memory_space<vmem>>, vector<1x1x16xf32>,
        %get3A_458 = vector.shape_cast %get3A_457 : vector<1x1x16xf32> to vector<16xf32>
        %swap3A_459 = arith.constant 1 : i32
        %swap3A_460 = arith.index_cast %swap3A_459 : i32 to index
        %swap3A_461 = arith.index_cast %add3A_439 : i32 to index
        %swap3A_462 = arith.constant 16 : index
        %swap3A_463 = tpu.vector_load %arg8[%swap3A_460, %swap3A_461, %swap3A_462] {strides = array<i32>} : memref<2x200x64xf32, #tpu.memory_space<vmem>>, vector<1x1x16xf32>,
        %swap3A_464 = vector.shape_cast %swap3A_463 : vector<1x1x16xf32> to vector<16xf32>
        %swap3A_465 = vector.shape_cast %get3A_458 : vector<16xf32> to vector<1x1x16xf32>
        tpu.vector_store %arg8[%swap3A_460, %swap3A_461, %swap3A_462], %swap3A_465 {add = true, strides = array<i32>} : memref<2x200x64xf32, #tpu.memory_space<vmem>>, vector<1x1x16xf32>,
        %get3A_466 = arith.constant 1 : i32
        %get3A_467 = arith.index_cast %get3A_466 : i32 to index
        %get3A_468 = arith.index_cast %add3A_439 : i32 to index
        %get3A_469 = arith.constant 32 : index
        %get3A_470 = tpu.vector_load %arg7[%get3A_467, %get3A_468, %get3A_469] {strides = array<i32>} : memref<2x200x64xf32, #tpu.memory_space<vmem>>, vector<1x1x16xf32>,
        %get3A_471 = vector.shape_cast %get3A_470 : vector<1x1x16xf32> to vector<16xf32>
        %swap3A_472 = arith.constant 1 : i32
        %swap3A_473 = arith.index_cast %swap3A_472 : i32 to index
        %swap3A_474 = arith.index_cast %add3A_439 : i32 to index
        %swap3A_475 = arith.constant 32 : index
        %swap3A_476 = tpu.vector_load %arg8[%swap3A_473, %swap3A_474, %swap3A_475] {strides = array<i32>} : memref<2x200x64xf32, #tpu.memory_space<vmem>>, vector<1x1x16xf32>,
        %swap3A_477 = vector.shape_cast %swap3A_476 : vector<1x1x16xf32> to vector<16xf32>
        %swap3A_478 = vector.shape_cast %get3A_471 : vector<16xf32> to vector<1x1x16xf32>
        tpu.vector_store %arg8[%swap3A_473, %swap3A_474, %swap3A_475], %swap3A_478 {add = true, strides = array<i32>} : memref<2x200x64xf32, #tpu.memory_space<vmem>>, vector<1x1x16xf32>,
        %get3A_479 = arith.constant 1 : i32
        %get3A_480 = arith.index_cast %get3A_479 : i32 to index
        %get3A_481 = arith.index_cast %add3A_439 : i32 to index
        %get3A_482 = arith.constant 48 : index
        %get3A_483 = tpu.vector_load %arg7[%get3A_480, %get3A_481, %get3A_482] {strides = array<i32>} : memref<2x200x64xf32, #tpu.memory_space<vmem>>, vector<1x1x16xf32>,
        %get3A_484 = vector.shape_cast %get3A_483 : vector<1x1x16xf32> to vector<16xf32>
        %swap3A_485 = arith.constant 1 : i32
        %swap3A_486 = arith.index_cast %swap3A_485 : i32 to index
        %swap3A_487 = arith.index_cast %add3A_439 : i32 to index
        %swap3A_488 = arith.constant 48 : index
        %swap3A_489 = tpu.vector_load %arg8[%swap3A_486, %swap3A_487, %swap3A_488] {strides = array<i32>} : memref<2x200x64xf32, #tpu.memory_space<vmem>>, vector<1x1x16xf32>,
        %swap3A_490 = vector.shape_cast %swap3A_489 : vector<1x1x16xf32> to vector<16xf32>
        %swap3A_491 = vector.shape_cast %get3A_484 : vector<16xf32> to vector<1x1x16xf32>
        tpu.vector_store %arg8[%swap3A_486, %swap3A_487, %swap3A_488], %swap3A_491 {add = true, strides = array<i32>} : memref<2x200x64xf32, #tpu.memory_space<vmem>>, vector<1x1x16xf32>,
        %scan3A_492 = arith.constant 6 : i32
        %scan3A_493 = arith.addi %scan3A_147, %scan3A_492 : i32
        %mul3A_494 = arith.constant 1 : i32
        %mul3A_495 = arith.muli %scan3A_493, %mul3A_494 : i32
        %add3A_496 = arith.constant 0 : i32
        %add3A_497 = arith.addi %add3A_496, %mul3A_495 : i32
        %get3A_498 = arith.constant 1 : i32
        %get3A_499 = arith.index_cast %get3A_498 : i32 to index
        %get3A_500 = arith.index_cast %add3A_497 : i32 to index
        %get3A_501 = arith.constant 0 : index
        %get3A_502 = tpu.vector_load %arg7[%get3A_499, %get3A_500, %get3A_501] {strides = array<i32>} : memref<2x200x64xf32, #tpu.memory_space<vmem>>, vector<1x1x16xf32>,
        %get3A_503 = vector.shape_cast %get3A_502 : vector<1x1x16xf32> to vector<16xf32>
        %swap3A_504 = arith.constant 1 : i32
        %swap3A_505 = arith.index_cast %swap3A_504 : i32 to index
        %swap3A_506 = arith.index_cast %add3A_497 : i32 to index
        %swap3A_507 = arith.constant 0 : index
        %swap3A_508 = tpu.vector_load %arg8[%swap3A_505, %swap3A_506, %swap3A_507] {strides = array<i32>} : memref<2x200x64xf32, #tpu.memory_space<vmem>>, vector<1x1x16xf32>,
        %swap3A_509 = vector.shape_cast %swap3A_508 : vector<1x1x16xf32> to vector<16xf32>
        %swap3A_510 = vector.shape_cast %get3A_503 : vector<16xf32> to vector<1x1x16xf32>
        tpu.vector_store %arg8[%swap3A_505, %swap3A_506, %swap3A_507], %swap3A_510 {add = true, strides = array<i32>} : memref<2x200x64xf32, #tpu.memory_space<vmem>>, vector<1x1x16xf32>,
        %get3A_511 = arith.constant 1 : i32
        %get3A_512 = arith.index_cast %get3A_511 : i32 to index
        %get3A_513 = arith.index_cast %add3A_497 : i32 to index
        %get3A_514 = arith.constant 16 : index
        %get3A_515 = tpu.vector_load %arg7[%get3A_512, %get3A_513, %get3A_514] {strides = array<i32>} : memref<2x200x64xf32, #tpu.memory_space<vmem>>, vector<1x1x16xf32>,
        %get3A_516 = vector.shape_cast %get3A_515 : vector<1x1x16xf32> to vector<16xf32>
        %swap3A_517 = arith.constant 1 : i32
        %swap3A_518 = arith.index_cast %swap3A_517 : i32 to index
        %swap3A_519 = arith.index_cast %add3A_497 : i32 to index
        %swap3A_520 = arith.constant 16 : index
        %swap3A_521 = tpu.vector_load %arg8[%swap3A_518, %swap3A_519, %swap3A_520] {strides = array<i32>} : memref<2x200x64xf32, #tpu.memory_space<vmem>>, vector<1x1x16xf32>,
        %swap3A_522 = vector.shape_cast %swap3A_521 : vector<1x1x16xf32> to vector<16xf32>
        %swap3A_523 = vector.shape_cast %get3A_516 : vector<16xf32> to vector<1x1x16xf32>
        tpu.vector_store %arg8[%swap3A_518, %swap3A_519, %swap3A_520], %swap3A_523 {add = true, strides = array<i32>} : memref<2x200x64xf32, #tpu.memory_space<vmem>>, vector<1x1x16xf32>,
        %get3A_524 = arith.constant 1 : i32
        %get3A_525 = arith.index_cast %get3A_524 : i32 to index
        %get3A_526 = arith.index_cast %add3A_497 : i32 to index
        %get3A_527 = arith.constant 32 : index
        %get3A_528 = tpu.vector_load %arg7[%get3A_525, %get3A_526, %get3A_527] {strides = array<i32>} : memref<2x200x64xf32, #tpu.memory_space<vmem>>, vector<1x1x16xf32>,
        %get3A_529 = vector.shape_cast %get3A_528 : vector<1x1x16xf32> to vector<16xf32>
        %swap3A_530 = arith.constant 1 : i32
        %swap3A_531 = arith.index_cast %swap3A_530 : i32 to index
        %swap3A_532 = arith.index_cast %add3A_497 : i32 to index
        %swap3A_533 = arith.constant 32 : index
        %swap3A_534 = tpu.vector_load %arg8[%swap3A_531, %swap3A_532, %swap3A_533] {strides = array<i32>} : memref<2x200x64xf32, #tpu.memory_space<vmem>>, vector<1x1x16xf32>,
        %swap3A_535 = vector.shape_cast %swap3A_534 : vector<1x1x16xf32> to vector<16xf32>
        %swap3A_536 = vector.shape_cast %get3A_529 : vector<16xf32> to vector<1x1x16xf32>
        tpu.vector_store %arg8[%swap3A_531, %swap3A_532, %swap3A_533], %swap3A_536 {add = true, strides = array<i32>} : memref<2x200x64xf32, #tpu.memory_space<vmem>>, vector<1x1x16xf32>,
        %get3A_537 = arith.constant 1 : i32
        %get3A_538 = arith.index_cast %get3A_537 : i32 to index
        %get3A_539 = arith.index_cast %add3A_497 : i32 to index
        %get3A_540 = arith.constant 48 : index
        %get3A_541 = tpu.vector_load %arg7[%get3A_538, %get3A_539, %get3A_540] {strides = array<i32>} : memref<2x200x64xf32, #tpu.memory_space<vmem>>, vector<1x1x16xf32>,
        %get3A_542 = vector.shape_cast %get3A_541 : vector<1x1x16xf32> to vector<16xf32>
        %swap3A_543 = arith.constant 1 : i32
        %swap3A_544 = arith.index_cast %swap3A_543 : i32 to index
        %swap3A_545 = arith.index_cast %add3A_497 : i32 to index
        %swap3A_546 = arith.constant 48 : index
        %swap3A_547 = tpu.vector_load %arg8[%swap3A_544, %swap3A_545, %swap3A_546] {strides = array<i32>} : memref<2x200x64xf32, #tpu.memory_space<vmem>>, vector<1x1x16xf32>,
        %swap3A_548 = vector.shape_cast %swap3A_547 : vector<1x1x16xf32> to vector<16xf32>
        %swap3A_549 = vector.shape_cast %get3A_542 : vector<16xf32> to vector<1x1x16xf32>
        tpu.vector_store %arg8[%swap3A_544, %swap3A_545, %swap3A_546], %swap3A_549 {add = true, strides = array<i32>} : memref<2x200x64xf32, #tpu.memory_space<vmem>>, vector<1x1x16xf32>,
        %scan3A_550 = arith.constant 7 : i32
        %scan3A_551 = arith.addi %scan3A_147, %scan3A_550 : i32
        %mul3A_552 = arith.constant 1 : i32
        %mul3A_553 = arith.muli %scan3A_551, %mul3A_552 : i32
        %add3A_554 = arith.constant 0 : i32
        %add3A_555 = arith.addi %add3A_554, %mul3A_553 : i32
        %get3A_556 = arith.constant 1 : i32
        %get3A_557 = arith.index_cast %get3A_556 : i32 to index
        %get3A_558 = arith.index_cast %add3A_555 : i32 to index
        %get3A_559 = arith.constant 0 : index
        %get3A_560 = tpu.vector_load %arg7[%get3A_557, %get3A_558, %get3A_559] {strides = array<i32>} : memref<2x200x64xf32, #tpu.memory_space<vmem>>, vector<1x1x16xf32>,
        %get3A_561 = vector.shape_cast %get3A_560 : vector<1x1x16xf32> to vector<16xf32>
        %swap3A_562 = arith.constant 1 : i32
        %swap3A_563 = arith.index_cast %swap3A_562 : i32 to index
        %swap3A_564 = arith.index_cast %add3A_555 : i32 to index
        %swap3A_565 = arith.constant 0 : index
        %swap3A_566 = tpu.vector_load %arg8[%swap3A_563, %swap3A_564, %swap3A_565] {strides = array<i32>} : memref<2x200x64xf32, #tpu.memory_space<vmem>>, vector<1x1x16xf32>,
        %swap3A_567 = vector.shape_cast %swap3A_566 : vector<1x1x16xf32> to vector<16xf32>
        %swap3A_568 = vector.shape_cast %get3A_561 : vector<16xf32> to vector<1x1x16xf32>
        tpu.vector_store %arg8[%swap3A_563, %swap3A_564, %swap3A_565], %swap3A_568 {add = true, strides = array<i32>} : memref<2x200x64xf32, #tpu.memory_space<vmem>>, vector<1x1x16xf32>,
        %get3A_569 = arith.constant 1 : i32
        %get3A_570 = arith.index_cast %get3A_569 : i32 to index
        %get3A_571 = arith.index_cast %add3A_555 : i32 to index
        %get3A_572 = arith.constant 16 : index
        %get3A_573 = tpu.vector_load %arg7[%get3A_570, %get3A_571, %get3A_572] {strides = array<i32>} : memref<2x200x64xf32, #tpu.memory_space<vmem>>, vector<1x1x16xf32>,
        %get3A_574 = vector.shape_cast %get3A_573 : vector<1x1x16xf32> to vector<16xf32>
        %swap3A_575 = arith.constant 1 : i32
        %swap3A_576 = arith.index_cast %swap3A_575 : i32 to index
        %swap3A_577 = arith.index_cast %add3A_555 : i32 to index
        %swap3A_578 = arith.constant 16 : index
        %swap3A_579 = tpu.vector_load %arg8[%swap3A_576, %swap3A_577, %swap3A_578] {strides = array<i32>} : memref<2x200x64xf32, #tpu.memory_space<vmem>>, vector<1x1x16xf32>,
        %swap3A_580 = vector.shape_cast %swap3A_579 : vector<1x1x16xf32> to vector<16xf32>
        %swap3A_581 = vector.shape_cast %get3A_574 : vector<16xf32> to vector<1x1x16xf32>
        tpu.vector_store %arg8[%swap3A_576, %swap3A_577, %swap3A_578], %swap3A_581 {add = true, strides = array<i32>} : memref<2x200x64xf32, #tpu.memory_space<vmem>>, vector<1x1x16xf32>,
        %get3A_582 = arith.constant 1 : i32
        %get3A_583 = arith.index_cast %get3A_582 : i32 to index
        %get3A_584 = arith.index_cast %add3A_555 : i32 to index
        %get3A_585 = arith.constant 32 : index
        %get3A_586 = tpu.vector_load %arg7[%get3A_583, %get3A_584, %get3A_585] {strides = array<i32>} : memref<2x200x64xf32, #tpu.memory_space<vmem>>, vector<1x1x16xf32>,
        %get3A_587 = vector.shape_cast %get3A_586 : vector<1x1x16xf32> to vector<16xf32>
        %swap3A_588 = arith.constant 1 : i32
        %swap3A_589 = arith.index_cast %swap3A_588 : i32 to index
        %swap3A_590 = arith.index_cast %add3A_555 : i32 to index
        %swap3A_591 = arith.constant 32 : index
        %swap3A_592 = tpu.vector_load %arg8[%swap3A_589, %swap3A_590, %swap3A_591] {strides = array<i32>} : memref<2x200x64xf32, #tpu.memory_space<vmem>>, vector<1x1x16xf32>,
        %swap3A_593 = vector.shape_cast %swap3A_592 : vector<1x1x16xf32> to vector<16xf32>
        %swap3A_594 = vector.shape_cast %get3A_587 : vector<16xf32> to vector<1x1x16xf32>
        tpu.vector_store %arg8[%swap3A_589, %swap3A_590, %swap3A_591], %swap3A_594 {add = true, strides = array<i32>} : memref<2x200x64xf32, #tpu.memory_space<vmem>>, vector<1x1x16xf32>,
        %get3A_595 = arith.constant 1 : i32
        %get3A_596 = arith.index_cast %get3A_595 : i32 to index
        %get3A_597 = arith.index_cast %add3A_555 : i32 to index
        %get3A_598 = arith.constant 48 : index
        %get3A_599 = tpu.vector_load %arg7[%get3A_596, %get3A_597, %get3A_598] {strides = array<i32>} : memref<2x200x64xf32, #tpu.memory_space<vmem>>, vector<1x1x16xf32>,
        %get3A_600 = vector.shape_cast %get3A_599 : vector<1x1x16xf32> to vector<16xf32>
        %swap3A_601 = arith.constant 1 : i32
        %swap3A_602 = arith.index_cast %swap3A_601 : i32 to index
        %swap3A_603 = arith.index_cast %add3A_555 : i32 to index
        %swap3A_604 = arith.constant 48 : index
        %swap3A_605 = tpu.vector_load %arg8[%swap3A_602, %swap3A_603, %swap3A_604] {strides = array<i32>} : memref<2x200x64xf32, #tpu.memory_space<vmem>>, vector<1x1x16xf32>,
        %swap3A_606 = vector.shape_cast %swap3A_605 : vector<1x1x16xf32> to vector<16xf32>
        %swap3A_607 = vector.shape_cast %get3A_600 : vector<16xf32> to vector<1x1x16xf32>
        tpu.vector_store %arg8[%swap3A_602, %swap3A_603, %swap3A_604], %swap3A_607 {add = true, strides = array<i32>} : memref<2x200x64xf32, #tpu.memory_space<vmem>>, vector<1x1x16xf32>,
      }
      %scan3A_100 = arith.constant 200 : i32
      %mul3A_101 = arith.constant 2 : i32
      %mul3A_102 = arith.muli %mul3A_101, %add3A_35 : i32
      %add3A_103 = arith.addi %mul3A_2, %mul3A_102 : i32
      "tpu.region"() ({
        %run_scoped3A_147 = tpu.sem_alloc : memref<!tpu.dma_semaphore, #tpu.memory_space<semaphore_mem>>
        %dma_start3A_148 = arith.constant 0 : i32
        %dma_start3A_149 = arith.constant 0 : i32
        %dma_start3A_150 = tpu.memref_slice %arg5[%add3A_103, %dma_start3A_148, %dma_start3A_149] : memref<4096x200x64xf32, #tpu.memory_space<hbm>> -> memref<2x200x64xf32, #tpu.memory_space<hbm>>
        %dma_start3A_151 = arith.constant 0 : i32
        %dma_start3A_152 = arith.constant 0 : i32
        %dma_start3A_153 = tpu.memref_slice %arg5[%add3A_103, %dma_start3A_151, %dma_start3A_152] : memref<4096x200x64xf32, #tpu.memory_space<hbm>> -> memref<2x200x64xf32, #tpu.memory_space<hbm>>
        tpu.enqueue_dma source(%arg8 : memref<2x200x64xf32, #tpu.memory_space<vmem>>) target(%dma_start3A_153 : memref<2x200x64xf32, #tpu.memory_space<hbm>>) target_semaphore(%run_scoped3A_147 : memref<!tpu.dma_semaphore, #tpu.memory_space<semaphore_mem>>)
        %dma_wait3A_154 = arith.constant 0 : i32
        %dma_wait3A_155 = arith.constant 0 : i32
        %dma_wait3A_156 = tpu.memref_slice %arg5[%add3A_103, %dma_wait3A_154, %dma_wait3A_155] : memref<4096x200x64xf32, #tpu.memory_space<hbm>> -> memref<2x200x64xf32, #tpu.memory_space<hbm>>
        %dma_wait3A_157 = arith.constant 0 : i32
        %dma_wait3A_158 = arith.constant 0 : i32
        %dma_wait3A_159 = tpu.memref_slice %arg5[%add3A_103, %dma_wait3A_157, %dma_wait3A_158] : memref<4096x200x64xf32, #tpu.memory_space<hbm>> -> memref<2x200x64xf32, #tpu.memory_space<hbm>>
        tpu.wait_dma2 semaphore(%run_scoped3A_147 : memref<!tpu.dma_semaphore, #tpu.memory_space<semaphore_mem>>) src(%arg8 : memref<2x200x64xf32, #tpu.memory_space<vmem>>) dst(%dma_wait3A_159 : memref<2x200x64xf32, #tpu.memory_space<hbm>>)
        tpu.yield
      }) : () -> ()
      %dma_wait3A_104 = arith.constant 0 : i32
      %dma_wait3A_105 = arith.constant 0 : i32
      %dma_wait3A_106 = arith.constant 0 : i32
      %dma_wait3A_107 = arith.constant 0 : i32
      %dma_wait3A_108 = tpu.memref_slice %arg9[%dma_wait3A_105, %dma_wait3A_106, %dma_wait3A_107] : memref<2x200x64xf32, #tpu.memory_space<vmem>> -> memref<1x200x64xf32, #tpu.memory_space<vmem>>
      %dma_wait3A_109 = tpu.memref_squeeze %dma_wait3A_108 : memref<1x200x64xf32, #tpu.memory_space<vmem>> -> memref<200x64xf32, #tpu.memory_space<vmem>>
      %dma_wait3A_110 = arith.constant 0 : i32
      %dma_wait3A_111 = tpu.memref_slice %arg6[%dma_wait3A_104, %dma_wait3A_110] : memref<128x200xi32, #tpu.memory_space<vmem>> -> memref<1x200xi32, #tpu.memory_space<vmem>>
      %dma_wait3A_112 = tpu.memref_squeeze %dma_wait3A_111 : memref<1x200xi32, #tpu.memory_space<vmem>> -> memref<200xi32, #tpu.memory_space<vmem>>
      %dma_wait3A_113 = arith.constant 0 : i32
      %dma_wait3A_114 = arith.constant 0 : i32
      %dma_wait3A_115 = tpu.memref_slice %arg3[%dma_wait3A_113, %dma_wait3A_114] : memref<1000000x64xf32, #tpu.memory_space<hbm>> -> memref<1000000x64xf32, #tpu.memory_space<hbm>>
      tpu.wait_indirect_dma semaphore(%arg11 : memref<!tpu.dma_semaphore, #tpu.memory_space<semaphore_mem>>) src(%dma_wait3A_115 : memref<1000000x64xf32, #tpu.memory_space<hbm>>) dst(%dma_wait3A_109 : memref<200x64xf32, #tpu.memory_space<vmem>>)
      %dma_wait3A_116 = arith.constant 1 : i32
      %dma_wait3A_117 = arith.constant 1 : i32
      %dma_wait3A_118 = arith.constant 0 : i32
      %dma_wait3A_119 = arith.constant 0 : i32
      %dma_wait3A_120 = tpu.memref_slice %arg9[%dma_wait3A_117, %dma_wait3A_118, %dma_wait3A_119] : memref<2x200x64xf32, #tpu.memory_space<vmem>> -> memref<1x200x64xf32, #tpu.memory_space<vmem>>
      %dma_wait3A_121 = tpu.memref_squeeze %dma_wait3A_120 : memref<1x200x64xf32, #tpu.memory_space<vmem>> -> memref<200x64xf32, #tpu.memory_space<vmem>>
      %dma_wait3A_122 = arith.constant 0 : i32
      %dma_wait3A_123 = tpu.memref_slice %arg6[%dma_wait3A_116, %dma_wait3A_122] : memref<128x200xi32, #tpu.memory_space<vmem>> -> memref<1x200xi32, #tpu.memory_space<vmem>>
      %dma_wait3A_124 = tpu.memref_squeeze %dma_wait3A_123 : memref<1x200xi32, #tpu.memory_space<vmem>> -> memref<200xi32, #tpu.memory_space<vmem>>
      %dma_wait3A_125 = arith.constant 0 : i32
      %dma_wait3A_126 = arith.constant 0 : i32
      %dma_wait3A_127 = tpu.memref_slice %arg3[%dma_wait3A_125, %dma_wait3A_126] : memref<1000000x64xf32, #tpu.memory_space<hbm>> -> memref<1000000x64xf32, #tpu.memory_space<hbm>>
      tpu.wait_indirect_dma semaphore(%arg11 : memref<!tpu.dma_semaphore, #tpu.memory_space<semaphore_mem>>) src(%dma_wait3A_127 : memref<1000000x64xf32, #tpu.memory_space<hbm>>) dst(%dma_wait3A_121 : memref<200x64xf32, #tpu.memory_space<vmem>>)
      %add3A_128 = arith.constant 2 : i32
      %add3A_129 = arith.addi %add3A_35, %add3A_128 : i32
      %lt3A = arith.constant 64 : i32
      %lt3A_130 = arith.cmpi slt, %add3A_129, %lt3A : i32
      %convert_element_type3A = arith.extui %lt3A_130 : i1 to i32
      %cond3A = arith.constant 0 : i32
      %cond3A_131 = arith.cmpi ne, %convert_element_type3A, %cond3A : i32
      scf.if %cond3A_131 {
        %add3A_147 = arith.constant 2 : i32
        %add3A_148 = arith.addi %add3A_35, %add3A_147 : i32
        %mul3A_149 = arith.constant 2 : i32
        %mul3A_150 = arith.muli %mul3A_149, %add3A_148 : i32
        %add3A_151 = arith.constant 0 : i32
        %add3A_152 = arith.addi %mul3A_150, %add3A_151 : i32
        %dma_start3A_153 = arith.constant 0 : i32
        %dma_start3A_154 = arith.constant 0 : i32
        %dma_start3A_155 = arith.constant 0 : i32
        %dma_start3A_156 = tpu.memref_slice %arg8[%dma_start3A_153, %dma_start3A_154, %dma_start3A_155] : memref<2x200x64xf32, #tpu.memory_space<vmem>> -> memref<1x200x64xf32, #tpu.memory_space<vmem>>
        %dma_start3A_157 = tpu.memref_squeeze %dma_start3A_156 : memref<1x200x64xf32, #tpu.memory_space<vmem>> -> memref<200x64xf32, #tpu.memory_space<vmem>>
        %dma_start3A_158 = arith.constant 0 : i32
        %dma_start3A_159 = tpu.memref_slice %arg6[%add3A_152, %dma_start3A_158] : memref<128x200xi32, #tpu.memory_space<vmem>> -> memref<1x200xi32, #tpu.memory_space<vmem>>
        %dma_start3A_160 = tpu.memref_squeeze %dma_start3A_159 : memref<1x200xi32, #tpu.memory_space<vmem>> -> memref<200xi32, #tpu.memory_space<vmem>>
        %dma_start3A_161 = arith.constant 0 : i32
        %dma_start3A_162 = arith.constant 0 : i32
        %dma_start3A_163 = tpu.memref_slice %arg3[%dma_start3A_161, %dma_start3A_162] : memref<1000000x64xf32, #tpu.memory_space<hbm>> -> memref<1000000x64xf32, #tpu.memory_space<hbm>>
        tpu.enqueue_indirect_dma source(%dma_start3A_163 : memref<1000000x64xf32, #tpu.memory_space<hbm>>) target(%dma_start3A_157 : memref<200x64xf32, #tpu.memory_space<vmem>>) offsets(%dma_start3A_160 : memref<200xi32, #tpu.memory_space<vmem>>) semaphore(%arg10 : memref<!tpu.dma_semaphore, #tpu.memory_space<semaphore_mem>>)
        %mul3A_164 = arith.constant 2 : i32
        %mul3A_165 = arith.muli %mul3A_164, %add3A_148 : i32
        %add3A_166 = arith.constant 1 : i32
        %add3A_167 = arith.addi %mul3A_165, %add3A_166 : i32
        %dma_start3A_168 = arith.constant 1 : i32
        %dma_start3A_169 = arith.constant 0 : i32
        %dma_start3A_170 = arith.constant 0 : i32
        %dma_start3A_171 = tpu.memref_slice %arg8[%dma_start3A_168, %dma_start3A_169, %dma_start3A_170] : memref<2x200x64xf32, #tpu.memory_space<vmem>> -> memref<1x200x64xf32, #tpu.memory_space<vmem>>
        %dma_start3A_172 = tpu.memref_squeeze %dma_start3A_171 : memref<1x200x64xf32, #tpu.memory_space<vmem>> -> memref<200x64xf32, #tpu.memory_space<vmem>>
        %dma_start3A_173 = arith.constant 0 : i32
        %dma_start3A_174 = tpu.memref_slice %arg6[%add3A_167, %dma_start3A_173] : memref<128x200xi32, #tpu.memory_space<vmem>> -> memref<1x200xi32, #tpu.memory_space<vmem>>
        %dma_start3A_175 = tpu.memref_squeeze %dma_start3A_174 : memref<1x200xi32, #tpu.memory_space<vmem>> -> memref<200xi32, #tpu.memory_space<vmem>>
        %dma_start3A_176 = arith.constant 0 : i32
        %dma_start3A_177 = arith.constant 0 : i32
        %dma_start3A_178 = tpu.memref_slice %arg3[%dma_start3A_176, %dma_start3A_177] : memref<1000000x64xf32, #tpu.memory_space<hbm>> -> memref<1000000x64xf32, #tpu.memory_space<hbm>>
        tpu.enqueue_indirect_dma source(%dma_start3A_178 : memref<1000000x64xf32, #tpu.memory_space<hbm>>) target(%dma_start3A_172 : memref<200x64xf32, #tpu.memory_space<vmem>>) offsets(%dma_start3A_175 : memref<200xi32, #tpu.memory_space<vmem>>) semaphore(%arg10 : memref<!tpu.dma_semaphore, #tpu.memory_space<semaphore_mem>>)
      } else {
      }
      %add3A_132 = arith.constant 1 : i32
      %add3A_133 = arith.addi %add3A_35, %add3A_132 : i32
      %scan3A_134 = arith.constant 0 : i32
      %scan3A_135 = arith.constant 200 : i32
      %scan3A_136 = arith.addi %scan3A_134, %scan3A_135 : i32
      %scan3A_137 = arith.constant 8 : i32
      scf.for %scan3A_147 = %scan3A_134 to %scan3A_136 step %scan3A_137  : i32 {
        %mul3A_148 = arith.constant 1 : i32
        %mul3A_149 = arith.muli %scan3A_147, %mul3A_148 : i32
        %add3A_150 = arith.constant 0 : i32
        %add3A_151 = arith.addi %add3A_150, %mul3A_149 : i32
        %get3A = arith.constant 0 : i32
        %get3A_152 = arith.index_cast %get3A : i32 to index
        %get3A_153 = arith.index_cast %add3A_151 : i32 to index
        %get3A_154 = arith.constant 0 : index
        %get3A_155 = tpu.vector_load %arg7[%get3A_152, %get3A_153, %get3A_154] {strides = array<i32>} : memref<2x200x64xf32, #tpu.memory_space<vmem>>, vector<1x1x16xf32>,
        %get3A_156 = vector.shape_cast %get3A_155 : vector<1x1x16xf32> to vector<16xf32>
        %swap3A = arith.constant 0 : i32
        %swap3A_157 = arith.index_cast %swap3A : i32 to index
        %swap3A_158 = arith.index_cast %add3A_151 : i32 to index
        %swap3A_159 = arith.constant 0 : index
        %swap3A_160 = tpu.vector_load %arg9[%swap3A_157, %swap3A_158, %swap3A_159] {strides = array<i32>} : memref<2x200x64xf32, #tpu.memory_space<vmem>>, vector<1x1x16xf32>,
        %swap3A_161 = vector.shape_cast %swap3A_160 : vector<1x1x16xf32> to vector<16xf32>
        %swap3A_162 = vector.shape_cast %get3A_156 : vector<16xf32> to vector<1x1x16xf32>
        tpu.vector_store %arg9[%swap3A_157, %swap3A_158, %swap3A_159], %swap3A_162 {add = true, strides = array<i32>} : memref<2x200x64xf32, #tpu.memory_space<vmem>>, vector<1x1x16xf32>,
        %get3A_163 = arith.constant 0 : i32
        %get3A_164 = arith.index_cast %get3A_163 : i32 to index
        %get3A_165 = arith.index_cast %add3A_151 : i32 to index
        %get3A_166 = arith.constant 16 : index
        %get3A_167 = tpu.vector_load %arg7[%get3A_164, %get3A_165, %get3A_166] {strides = array<i32>} : memref<2x200x64xf32, #tpu.memory_space<vmem>>, vector<1x1x16xf32>,
        %get3A_168 = vector.shape_cast %get3A_167 : vector<1x1x16xf32> to vector<16xf32>
        %swap3A_169 = arith.constant 0 : i32
        %swap3A_170 = arith.index_cast %swap3A_169 : i32 to index
        %swap3A_171 = arith.index_cast %add3A_151 : i32 to index
        %swap3A_172 = arith.constant 16 : index
        %swap3A_173 = tpu.vector_load %arg9[%swap3A_170, %swap3A_171, %swap3A_172] {strides = array<i32>} : memref<2x200x64xf32, #tpu.memory_space<vmem>>, vector<1x1x16xf32>,
        %swap3A_174 = vector.shape_cast %swap3A_173 : vector<1x1x16xf32> to vector<16xf32>
        %swap3A_175 = vector.shape_cast %get3A_168 : vector<16xf32> to vector<1x1x16xf32>
        tpu.vector_store %arg9[%swap3A_170, %swap3A_171, %swap3A_172], %swap3A_175 {add = true, strides = array<i32>} : memref<2x200x64xf32, #tpu.memory_space<vmem>>, vector<1x1x16xf32>,
        %get3A_176 = arith.constant 0 : i32
        %get3A_177 = arith.index_cast %get3A_176 : i32 to index
        %get3A_178 = arith.index_cast %add3A_151 : i32 to index
        %get3A_179 = arith.constant 32 : index
        %get3A_180 = tpu.vector_load %arg7[%get3A_177, %get3A_178, %get3A_179] {strides = array<i32>} : memref<2x200x64xf32, #tpu.memory_space<vmem>>, vector<1x1x16xf32>,
        %get3A_181 = vector.shape_cast %get3A_180 : vector<1x1x16xf32> to vector<16xf32>
        %swap3A_182 = arith.constant 0 : i32
        %swap3A_183 = arith.index_cast %swap3A_182 : i32 to index
        %swap3A_184 = arith.index_cast %add3A_151 : i32 to index
        %swap3A_185 = arith.constant 32 : index
        %swap3A_186 = tpu.vector_load %arg9[%swap3A_183, %swap3A_184, %swap3A_185] {strides = array<i32>} : memref<2x200x64xf32, #tpu.memory_space<vmem>>, vector<1x1x16xf32>,
        %swap3A_187 = vector.shape_cast %swap3A_186 : vector<1x1x16xf32> to vector<16xf32>
        %swap3A_188 = vector.shape_cast %get3A_181 : vector<16xf32> to vector<1x1x16xf32>
        tpu.vector_store %arg9[%swap3A_183, %swap3A_184, %swap3A_185], %swap3A_188 {add = true, strides = array<i32>} : memref<2x200x64xf32, #tpu.memory_space<vmem>>, vector<1x1x16xf32>,
        %get3A_189 = arith.constant 0 : i32
        %get3A_190 = arith.index_cast %get3A_189 : i32 to index
        %get3A_191 = arith.index_cast %add3A_151 : i32 to index
        %get3A_192 = arith.constant 48 : index
        %get3A_193 = tpu.vector_load %arg7[%get3A_190, %get3A_191, %get3A_192] {strides = array<i32>} : memref<2x200x64xf32, #tpu.memory_space<vmem>>, vector<1x1x16xf32>,
        %get3A_194 = vector.shape_cast %get3A_193 : vector<1x1x16xf32> to vector<16xf32>
        %swap3A_195 = arith.constant 0 : i32
        %swap3A_196 = arith.index_cast %swap3A_195 : i32 to index
        %swap3A_197 = arith.index_cast %add3A_151 : i32 to index
        %swap3A_198 = arith.constant 48 : index
        %swap3A_199 = tpu.vector_load %arg9[%swap3A_196, %swap3A_197, %swap3A_198] {strides = array<i32>} : memref<2x200x64xf32, #tpu.memory_space<vmem>>, vector<1x1x16xf32>,
        %swap3A_200 = vector.shape_cast %swap3A_199 : vector<1x1x16xf32> to vector<16xf32>
        %swap3A_201 = vector.shape_cast %get3A_194 : vector<16xf32> to vector<1x1x16xf32>
        tpu.vector_store %arg9[%swap3A_196, %swap3A_197, %swap3A_198], %swap3A_201 {add = true, strides = array<i32>} : memref<2x200x64xf32, #tpu.memory_space<vmem>>, vector<1x1x16xf32>,
        %scan3A_202 = arith.constant 1 : i32
        %scan3A_203 = arith.addi %scan3A_147, %scan3A_202 : i32
        %mul3A_204 = arith.constant 1 : i32
        %mul3A_205 = arith.muli %scan3A_203, %mul3A_204 : i32
        %add3A_206 = arith.constant 0 : i32
        %add3A_207 = arith.addi %add3A_206, %mul3A_205 : i32
        %get3A_208 = arith.constant 0 : i32
        %get3A_209 = arith.index_cast %get3A_208 : i32 to index
        %get3A_210 = arith.index_cast %add3A_207 : i32 to index
        %get3A_211 = arith.constant 0 : index
        %get3A_212 = tpu.vector_load %arg7[%get3A_209, %get3A_210, %get3A_211] {strides = array<i32>} : memref<2x200x64xf32, #tpu.memory_space<vmem>>, vector<1x1x16xf32>,
        %get3A_213 = vector.shape_cast %get3A_212 : vector<1x1x16xf32> to vector<16xf32>
        %swap3A_214 = arith.constant 0 : i32
        %swap3A_215 = arith.index_cast %swap3A_214 : i32 to index
        %swap3A_216 = arith.index_cast %add3A_207 : i32 to index
        %swap3A_217 = arith.constant 0 : index
        %swap3A_218 = tpu.vector_load %arg9[%swap3A_215, %swap3A_216, %swap3A_217] {strides = array<i32>} : memref<2x200x64xf32, #tpu.memory_space<vmem>>, vector<1x1x16xf32>,
        %swap3A_219 = vector.shape_cast %swap3A_218 : vector<1x1x16xf32> to vector<16xf32>
        %swap3A_220 = vector.shape_cast %get3A_213 : vector<16xf32> to vector<1x1x16xf32>
        tpu.vector_store %arg9[%swap3A_215, %swap3A_216, %swap3A_217], %swap3A_220 {add = true, strides = array<i32>} : memref<2x200x64xf32, #tpu.memory_space<vmem>>, vector<1x1x16xf32>,
        %get3A_221 = arith.constant 0 : i32
        %get3A_222 = arith.index_cast %get3A_221 : i32 to index
        %get3A_223 = arith.index_cast %add3A_207 : i32 to index
        %get3A_224 = arith.constant 16 : index
        %get3A_225 = tpu.vector_load %arg7[%get3A_222, %get3A_223, %get3A_224] {strides = array<i32>} : memref<2x200x64xf32, #tpu.memory_space<vmem>>, vector<1x1x16xf32>,
        %get3A_226 = vector.shape_cast %get3A_225 : vector<1x1x16xf32> to vector<16xf32>
        %swap3A_227 = arith.constant 0 : i32
        %swap3A_228 = arith.index_cast %swap3A_227 : i32 to index
        %swap3A_229 = arith.index_cast %add3A_207 : i32 to index
        %swap3A_230 = arith.constant 16 : index
        %swap3A_231 = tpu.vector_load %arg9[%swap3A_228, %swap3A_229, %swap3A_230] {strides = array<i32>} : memref<2x200x64xf32, #tpu.memory_space<vmem>>, vector<1x1x16xf32>,
        %swap3A_232 = vector.shape_cast %swap3A_231 : vector<1x1x16xf32> to vector<16xf32>
        %swap3A_233 = vector.shape_cast %get3A_226 : vector<16xf32> to vector<1x1x16xf32>
        tpu.vector_store %arg9[%swap3A_228, %swap3A_229, %swap3A_230], %swap3A_233 {add = true, strides = array<i32>} : memref<2x200x64xf32, #tpu.memory_space<vmem>>, vector<1x1x16xf32>,
        %get3A_234 = arith.constant 0 : i32
        %get3A_235 = arith.index_cast %get3A_234 : i32 to index
        %get3A_236 = arith.index_cast %add3A_207 : i32 to index
        %get3A_237 = arith.constant 32 : index
        %get3A_238 = tpu.vector_load %arg7[%get3A_235, %get3A_236, %get3A_237] {strides = array<i32>} : memref<2x200x64xf32, #tpu.memory_space<vmem>>, vector<1x1x16xf32>,
        %get3A_239 = vector.shape_cast %get3A_238 : vector<1x1x16xf32> to vector<16xf32>
        %swap3A_240 = arith.constant 0 : i32
        %swap3A_241 = arith.index_cast %swap3A_240 : i32 to index
        %swap3A_242 = arith.index_cast %add3A_207 : i32 to index
        %swap3A_243 = arith.constant 32 : index
        %swap3A_244 = tpu.vector_load %arg9[%swap3A_241, %swap3A_242, %swap3A_243] {strides = array<i32>} : memref<2x200x64xf32, #tpu.memory_space<vmem>>, vector<1x1x16xf32>,
        %swap3A_245 = vector.shape_cast %swap3A_244 : vector<1x1x16xf32> to vector<16xf32>
        %swap3A_246 = vector.shape_cast %get3A_239 : vector<16xf32> to vector<1x1x16xf32>
        tpu.vector_store %arg9[%swap3A_241, %swap3A_242, %swap3A_243], %swap3A_246 {add = true, strides = array<i32>} : memref<2x200x64xf32, #tpu.memory_space<vmem>>, vector<1x1x16xf32>,
        %get3A_247 = arith.constant 0 : i32
        %get3A_248 = arith.index_cast %get3A_247 : i32 to index
        %get3A_249 = arith.index_cast %add3A_207 : i32 to index
        %get3A_250 = arith.constant 48 : index
        %get3A_251 = tpu.vector_load %arg7[%get3A_248, %get3A_249, %get3A_250] {strides = array<i32>} : memref<2x200x64xf32, #tpu.memory_space<vmem>>, vector<1x1x16xf32>,
        %get3A_252 = vector.shape_cast %get3A_251 : vector<1x1x16xf32> to vector<16xf32>
        %swap3A_253 = arith.constant 0 : i32
        %swap3A_254 = arith.index_cast %swap3A_253 : i32 to index
        %swap3A_255 = arith.index_cast %add3A_207 : i32 to index
        %swap3A_256 = arith.constant 48 : index
        %swap3A_257 = tpu.vector_load %arg9[%swap3A_254, %swap3A_255, %swap3A_256] {strides = array<i32>} : memref<2x200x64xf32, #tpu.memory_space<vmem>>, vector<1x1x16xf32>,
        %swap3A_258 = vector.shape_cast %swap3A_257 : vector<1x1x16xf32> to vector<16xf32>
        %swap3A_259 = vector.shape_cast %get3A_252 : vector<16xf32> to vector<1x1x16xf32>
        tpu.vector_store %arg9[%swap3A_254, %swap3A_255, %swap3A_256], %swap3A_259 {add = true, strides = array<i32>} : memref<2x200x64xf32, #tpu.memory_space<vmem>>, vector<1x1x16xf32>,
        %scan3A_260 = arith.constant 2 : i32
        %scan3A_261 = arith.addi %scan3A_147, %scan3A_260 : i32
        %mul3A_262 = arith.constant 1 : i32
        %mul3A_263 = arith.muli %scan3A_261, %mul3A_262 : i32
        %add3A_264 = arith.constant 0 : i32
        %add3A_265 = arith.addi %add3A_264, %mul3A_263 : i32
        %get3A_266 = arith.constant 0 : i32
        %get3A_267 = arith.index_cast %get3A_266 : i32 to index
        %get3A_268 = arith.index_cast %add3A_265 : i32 to index
        %get3A_269 = arith.constant 0 : index
        %get3A_270 = tpu.vector_load %arg7[%get3A_267, %get3A_268, %get3A_269] {strides = array<i32>} : memref<2x200x64xf32, #tpu.memory_space<vmem>>, vector<1x1x16xf32>,
        %get3A_271 = vector.shape_cast %get3A_270 : vector<1x1x16xf32> to vector<16xf32>
        %swap3A_272 = arith.constant 0 : i32
        %swap3A_273 = arith.index_cast %swap3A_272 : i32 to index
        %swap3A_274 = arith.index_cast %add3A_265 : i32 to index
        %swap3A_275 = arith.constant 0 : index
        %swap3A_276 = tpu.vector_load %arg9[%swap3A_273, %swap3A_274, %swap3A_275] {strides = array<i32>} : memref<2x200x64xf32, #tpu.memory_space<vmem>>, vector<1x1x16xf32>,
        %swap3A_277 = vector.shape_cast %swap3A_276 : vector<1x1x16xf32> to vector<16xf32>
        %swap3A_278 = vector.shape_cast %get3A_271 : vector<16xf32> to vector<1x1x16xf32>
        tpu.vector_store %arg9[%swap3A_273, %swap3A_274, %swap3A_275], %swap3A_278 {add = true, strides = array<i32>} : memref<2x200x64xf32, #tpu.memory_space<vmem>>, vector<1x1x16xf32>,
        %get3A_279 = arith.constant 0 : i32
        %get3A_280 = arith.index_cast %get3A_279 : i32 to index
        %get3A_281 = arith.index_cast %add3A_265 : i32 to index
        %get3A_282 = arith.constant 16 : index
        %get3A_283 = tpu.vector_load %arg7[%get3A_280, %get3A_281, %get3A_282] {strides = array<i32>} : memref<2x200x64xf32, #tpu.memory_space<vmem>>, vector<1x1x16xf32>,
        %get3A_284 = vector.shape_cast %get3A_283 : vector<1x1x16xf32> to vector<16xf32>
        %swap3A_285 = arith.constant 0 : i32
        %swap3A_286 = arith.index_cast %swap3A_285 : i32 to index
        %swap3A_287 = arith.index_cast %add3A_265 : i32 to index
        %swap3A_288 = arith.constant 16 : index
        %swap3A_289 = tpu.vector_load %arg9[%swap3A_286, %swap3A_287, %swap3A_288] {strides = array<i32>} : memref<2x200x64xf32, #tpu.memory_space<vmem>>, vector<1x1x16xf32>,
        %swap3A_290 = vector.shape_cast %swap3A_289 : vector<1x1x16xf32> to vector<16xf32>
        %swap3A_291 = vector.shape_cast %get3A_284 : vector<16xf32> to vector<1x1x16xf32>
        tpu.vector_store %arg9[%swap3A_286, %swap3A_287, %swap3A_288], %swap3A_291 {add = true, strides = array<i32>} : memref<2x200x64xf32, #tpu.memory_space<vmem>>, vector<1x1x16xf32>,
        %get3A_292 = arith.constant 0 : i32
        %get3A_293 = arith.index_cast %get3A_292 : i32 to index
        %get3A_294 = arith.index_cast %add3A_265 : i32 to index
        %get3A_295 = arith.constant 32 : index
        %get3A_296 = tpu.vector_load %arg7[%get3A_293, %get3A_294, %get3A_295] {strides = array<i32>} : memref<2x200x64xf32, #tpu.memory_space<vmem>>, vector<1x1x16xf32>,
        %get3A_297 = vector.shape_cast %get3A_296 : vector<1x1x16xf32> to vector<16xf32>
        %swap3A_298 = arith.constant 0 : i32
        %swap3A_299 = arith.index_cast %swap3A_298 : i32 to index
        %swap3A_300 = arith.index_cast %add3A_265 : i32 to index
        %swap3A_301 = arith.constant 32 : index
        %swap3A_302 = tpu.vector_load %arg9[%swap3A_299, %swap3A_300, %swap3A_301] {strides = array<i32>} : memref<2x200x64xf32, #tpu.memory_space<vmem>>, vector<1x1x16xf32>,
        %swap3A_303 = vector.shape_cast %swap3A_302 : vector<1x1x16xf32> to vector<16xf32>
        %swap3A_304 = vector.shape_cast %get3A_297 : vector<16xf32> to vector<1x1x16xf32>
        tpu.vector_store %arg9[%swap3A_299, %swap3A_300, %swap3A_301], %swap3A_304 {add = true, strides = array<i32>} : memref<2x200x64xf32, #tpu.memory_space<vmem>>, vector<1x1x16xf32>,
        %get3A_305 = arith.constant 0 : i32
        %get3A_306 = arith.index_cast %get3A_305 : i32 to index
        %get3A_307 = arith.index_cast %add3A_265 : i32 to index
        %get3A_308 = arith.constant 48 : index
        %get3A_309 = tpu.vector_load %arg7[%get3A_306, %get3A_307, %get3A_308] {strides = array<i32>} : memref<2x200x64xf32, #tpu.memory_space<vmem>>, vector<1x1x16xf32>,
        %get3A_310 = vector.shape_cast %get3A_309 : vector<1x1x16xf32> to vector<16xf32>
        %swap3A_311 = arith.constant 0 : i32
        %swap3A_312 = arith.index_cast %swap3A_311 : i32 to index
        %swap3A_313 = arith.index_cast %add3A_265 : i32 to index
        %swap3A_314 = arith.constant 48 : index
        %swap3A_315 = tpu.vector_load %arg9[%swap3A_312, %swap3A_313, %swap3A_314] {strides = array<i32>} : memref<2x200x64xf32, #tpu.memory_space<vmem>>, vector<1x1x16xf32>,
        %swap3A_316 = vector.shape_cast %swap3A_315 : vector<1x1x16xf32> to vector<16xf32>
        %swap3A_317 = vector.shape_cast %get3A_310 : vector<16xf32> to vector<1x1x16xf32>
        tpu.vector_store %arg9[%swap3A_312, %swap3A_313, %swap3A_314], %swap3A_317 {add = true, strides = array<i32>} : memref<2x200x64xf32, #tpu.memory_space<vmem>>, vector<1x1x16xf32>,
        %scan3A_318 = arith.constant 3 : i32
        %scan3A_319 = arith.addi %scan3A_147, %scan3A_318 : i32
        %mul3A_320 = arith.constant 1 : i32
        %mul3A_321 = arith.muli %scan3A_319, %mul3A_320 : i32
        %add3A_322 = arith.constant 0 : i32
        %add3A_323 = arith.addi %add3A_322, %mul3A_321 : i32
        %get3A_324 = arith.constant 0 : i32
        %get3A_325 = arith.index_cast %get3A_324 : i32 to index
        %get3A_326 = arith.index_cast %add3A_323 : i32 to index
        %get3A_327 = arith.constant 0 : index
        %get3A_328 = tpu.vector_load %arg7[%get3A_325, %get3A_326, %get3A_327] {strides = array<i32>} : memref<2x200x64xf32, #tpu.memory_space<vmem>>, vector<1x1x16xf32>,
        %get3A_329 = vector.shape_cast %get3A_328 : vector<1x1x16xf32> to vector<16xf32>
        %swap3A_330 = arith.constant 0 : i32
        %swap3A_331 = arith.index_cast %swap3A_330 : i32 to index
        %swap3A_332 = arith.index_cast %add3A_323 : i32 to index
        %swap3A_333 = arith.constant 0 : index
        %swap3A_334 = tpu.vector_load %arg9[%swap3A_331, %swap3A_332, %swap3A_333] {strides = array<i32>} : memref<2x200x64xf32, #tpu.memory_space<vmem>>, vector<1x1x16xf32>,
        %swap3A_335 = vector.shape_cast %swap3A_334 : vector<1x1x16xf32> to vector<16xf32>
        %swap3A_336 = vector.shape_cast %get3A_329 : vector<16xf32> to vector<1x1x16xf32>
        tpu.vector_store %arg9[%swap3A_331, %swap3A_332, %swap3A_333], %swap3A_336 {add = true, strides = array<i32>} : memref<2x200x64xf32, #tpu.memory_space<vmem>>, vector<1x1x16xf32>,
        %get3A_337 = arith.constant 0 : i32
        %get3A_338 = arith.index_cast %get3A_337 : i32 to index
        %get3A_339 = arith.index_cast %add3A_323 : i32 to index
        %get3A_340 = arith.constant 16 : index
        %get3A_341 = tpu.vector_load %arg7[%get3A_338, %get3A_339, %get3A_340] {strides = array<i32>} : memref<2x200x64xf32, #tpu.memory_space<vmem>>, vector<1x1x16xf32>,
        %get3A_342 = vector.shape_cast %get3A_341 : vector<1x1x16xf32> to vector<16xf32>
        %swap3A_343 = arith.constant 0 : i32
        %swap3A_344 = arith.index_cast %swap3A_343 : i32 to index
        %swap3A_345 = arith.index_cast %add3A_323 : i32 to index
        %swap3A_346 = arith.constant 16 : index
        %swap3A_347 = tpu.vector_load %arg9[%swap3A_344, %swap3A_345, %swap3A_346] {strides = array<i32>} : memref<2x200x64xf32, #tpu.memory_space<vmem>>, vector<1x1x16xf32>,
        %swap3A_348 = vector.shape_cast %swap3A_347 : vector<1x1x16xf32> to vector<16xf32>
        %swap3A_349 = vector.shape_cast %get3A_342 : vector<16xf32> to vector<1x1x16xf32>
        tpu.vector_store %arg9[%swap3A_344, %swap3A_345, %swap3A_346], %swap3A_349 {add = true, strides = array<i32>} : memref<2x200x64xf32, #tpu.memory_space<vmem>>, vector<1x1x16xf32>,
        %get3A_350 = arith.constant 0 : i32
        %get3A_351 = arith.index_cast %get3A_350 : i32 to index
        %get3A_352 = arith.index_cast %add3A_323 : i32 to index
        %get3A_353 = arith.constant 32 : index
        %get3A_354 = tpu.vector_load %arg7[%get3A_351, %get3A_352, %get3A_353] {strides = array<i32>} : memref<2x200x64xf32, #tpu.memory_space<vmem>>, vector<1x1x16xf32>,
        %get3A_355 = vector.shape_cast %get3A_354 : vector<1x1x16xf32> to vector<16xf32>
        %swap3A_356 = arith.constant 0 : i32
        %swap3A_357 = arith.index_cast %swap3A_356 : i32 to index
        %swap3A_358 = arith.index_cast %add3A_323 : i32 to index
        %swap3A_359 = arith.constant 32 : index
        %swap3A_360 = tpu.vector_load %arg9[%swap3A_357, %swap3A_358, %swap3A_359] {strides = array<i32>} : memref<2x200x64xf32, #tpu.memory_space<vmem>>, vector<1x1x16xf32>,
        %swap3A_361 = vector.shape_cast %swap3A_360 : vector<1x1x16xf32> to vector<16xf32>
        %swap3A_362 = vector.shape_cast %get3A_355 : vector<16xf32> to vector<1x1x16xf32>
        tpu.vector_store %arg9[%swap3A_357, %swap3A_358, %swap3A_359], %swap3A_362 {add = true, strides = array<i32>} : memref<2x200x64xf32, #tpu.memory_space<vmem>>, vector<1x1x16xf32>,
        %get3A_363 = arith.constant 0 : i32
        %get3A_364 = arith.index_cast %get3A_363 : i32 to index
        %get3A_365 = arith.index_cast %add3A_323 : i32 to index
        %get3A_366 = arith.constant 48 : index
        %get3A_367 = tpu.vector_load %arg7[%get3A_364, %get3A_365, %get3A_366] {strides = array<i32>} : memref<2x200x64xf32, #tpu.memory_space<vmem>>, vector<1x1x16xf32>,
        %get3A_368 = vector.shape_cast %get3A_367 : vector<1x1x16xf32> to vector<16xf32>
        %swap3A_369 = arith.constant 0 : i32
        %swap3A_370 = arith.index_cast %swap3A_369 : i32 to index
        %swap3A_371 = arith.index_cast %add3A_323 : i32 to index
        %swap3A_372 = arith.constant 48 : index
        %swap3A_373 = tpu.vector_load %arg9[%swap3A_370, %swap3A_371, %swap3A_372] {strides = array<i32>} : memref<2x200x64xf32, #tpu.memory_space<vmem>>, vector<1x1x16xf32>,
        %swap3A_374 = vector.shape_cast %swap3A_373 : vector<1x1x16xf32> to vector<16xf32>
        %swap3A_375 = vector.shape_cast %get3A_368 : vector<16xf32> to vector<1x1x16xf32>
        tpu.vector_store %arg9[%swap3A_370, %swap3A_371, %swap3A_372], %swap3A_375 {add = true, strides = array<i32>} : memref<2x200x64xf32, #tpu.memory_space<vmem>>, vector<1x1x16xf32>,
        %scan3A_376 = arith.constant 4 : i32
        %scan3A_377 = arith.addi %scan3A_147, %scan3A_376 : i32
        %mul3A_378 = arith.constant 1 : i32
        %mul3A_379 = arith.muli %scan3A_377, %mul3A_378 : i32
        %add3A_380 = arith.constant 0 : i32
        %add3A_381 = arith.addi %add3A_380, %mul3A_379 : i32
        %get3A_382 = arith.constant 0 : i32
        %get3A_383 = arith.index_cast %get3A_382 : i32 to index
        %get3A_384 = arith.index_cast %add3A_381 : i32 to index
        %get3A_385 = arith.constant 0 : index
        %get3A_386 = tpu.vector_load %arg7[%get3A_383, %get3A_384, %get3A_385] {strides = array<i32>} : memref<2x200x64xf32, #tpu.memory_space<vmem>>, vector<1x1x16xf32>,
        %get3A_387 = vector.shape_cast %get3A_386 : vector<1x1x16xf32> to vector<16xf32>
        %swap3A_388 = arith.constant 0 : i32
        %swap3A_389 = arith.index_cast %swap3A_388 : i32 to index
        %swap3A_390 = arith.index_cast %add3A_381 : i32 to index
        %swap3A_391 = arith.constant 0 : index
        %swap3A_392 = tpu.vector_load %arg9[%swap3A_389, %swap3A_390, %swap3A_391] {strides = array<i32>} : memref<2x200x64xf32, #tpu.memory_space<vmem>>, vector<1x1x16xf32>,
        %swap3A_393 = vector.shape_cast %swap3A_392 : vector<1x1x16xf32> to vector<16xf32>
        %swap3A_394 = vector.shape_cast %get3A_387 : vector<16xf32> to vector<1x1x16xf32>
        tpu.vector_store %arg9[%swap3A_389, %swap3A_390, %swap3A_391], %swap3A_394 {add = true, strides = array<i32>} : memref<2x200x64xf32, #tpu.memory_space<vmem>>, vector<1x1x16xf32>,
        %get3A_395 = arith.constant 0 : i32
        %get3A_396 = arith.index_cast %get3A_395 : i32 to index
        %get3A_397 = arith.index_cast %add3A_381 : i32 to index
        %get3A_398 = arith.constant 16 : index
        %get3A_399 = tpu.vector_load %arg7[%get3A_396, %get3A_397, %get3A_398] {strides = array<i32>} : memref<2x200x64xf32, #tpu.memory_space<vmem>>, vector<1x1x16xf32>,
        %get3A_400 = vector.shape_cast %get3A_399 : vector<1x1x16xf32> to vector<16xf32>
        %swap3A_401 = arith.constant 0 : i32
        %swap3A_402 = arith.index_cast %swap3A_401 : i32 to index
        %swap3A_403 = arith.index_cast %add3A_381 : i32 to index
        %swap3A_404 = arith.constant 16 : index
        %swap3A_405 = tpu.vector_load %arg9[%swap3A_402, %swap3A_403, %swap3A_404] {strides = array<i32>} : memref<2x200x64xf32, #tpu.memory_space<vmem>>, vector<1x1x16xf32>,
        %swap3A_406 = vector.shape_cast %swap3A_405 : vector<1x1x16xf32> to vector<16xf32>
        %swap3A_407 = vector.shape_cast %get3A_400 : vector<16xf32> to vector<1x1x16xf32>
        tpu.vector_store %arg9[%swap3A_402, %swap3A_403, %swap3A_404], %swap3A_407 {add = true, strides = array<i32>} : memref<2x200x64xf32, #tpu.memory_space<vmem>>, vector<1x1x16xf32>,
        %get3A_408 = arith.constant 0 : i32
        %get3A_409 = arith.index_cast %get3A_408 : i32 to index
        %get3A_410 = arith.index_cast %add3A_381 : i32 to index
        %get3A_411 = arith.constant 32 : index
        %get3A_412 = tpu.vector_load %arg7[%get3A_409, %get3A_410, %get3A_411] {strides = array<i32>} : memref<2x200x64xf32, #tpu.memory_space<vmem>>, vector<1x1x16xf32>,
        %get3A_413 = vector.shape_cast %get3A_412 : vector<1x1x16xf32> to vector<16xf32>
        %swap3A_414 = arith.constant 0 : i32
        %swap3A_415 = arith.index_cast %swap3A_414 : i32 to index
        %swap3A_416 = arith.index_cast %add3A_381 : i32 to index
        %swap3A_417 = arith.constant 32 : index
        %swap3A_418 = tpu.vector_load %arg9[%swap3A_415, %swap3A_416, %swap3A_417] {strides = array<i32>} : memref<2x200x64xf32, #tpu.memory_space<vmem>>, vector<1x1x16xf32>,
        %swap3A_419 = vector.shape_cast %swap3A_418 : vector<1x1x16xf32> to vector<16xf32>
        %swap3A_420 = vector.shape_cast %get3A_413 : vector<16xf32> to vector<1x1x16xf32>
        tpu.vector_store %arg9[%swap3A_415, %swap3A_416, %swap3A_417], %swap3A_420 {add = true, strides = array<i32>} : memref<2x200x64xf32, #tpu.memory_space<vmem>>, vector<1x1x16xf32>,
        %get3A_421 = arith.constant 0 : i32
        %get3A_422 = arith.index_cast %get3A_421 : i32 to index
        %get3A_423 = arith.index_cast %add3A_381 : i32 to index
        %get3A_424 = arith.constant 48 : index
        %get3A_425 = tpu.vector_load %arg7[%get3A_422, %get3A_423, %get3A_424] {strides = array<i32>} : memref<2x200x64xf32, #tpu.memory_space<vmem>>, vector<1x1x16xf32>,
        %get3A_426 = vector.shape_cast %get3A_425 : vector<1x1x16xf32> to vector<16xf32>
        %swap3A_427 = arith.constant 0 : i32
        %swap3A_428 = arith.index_cast %swap3A_427 : i32 to index
        %swap3A_429 = arith.index_cast %add3A_381 : i32 to index
        %swap3A_430 = arith.constant 48 : index
        %swap3A_431 = tpu.vector_load %arg9[%swap3A_428, %swap3A_429, %swap3A_430] {strides = array<i32>} : memref<2x200x64xf32, #tpu.memory_space<vmem>>, vector<1x1x16xf32>,
        %swap3A_432 = vector.shape_cast %swap3A_431 : vector<1x1x16xf32> to vector<16xf32>
        %swap3A_433 = vector.shape_cast %get3A_426 : vector<16xf32> to vector<1x1x16xf32>
        tpu.vector_store %arg9[%swap3A_428, %swap3A_429, %swap3A_430], %swap3A_433 {add = true, strides = array<i32>} : memref<2x200x64xf32, #tpu.memory_space<vmem>>, vector<1x1x16xf32>,
        %scan3A_434 = arith.constant 5 : i32
        %scan3A_435 = arith.addi %scan3A_147, %scan3A_434 : i32
        %mul3A_436 = arith.constant 1 : i32
        %mul3A_437 = arith.muli %scan3A_435, %mul3A_436 : i32
        %add3A_438 = arith.constant 0 : i32
        %add3A_439 = arith.addi %add3A_438, %mul3A_437 : i32
        %get3A_440 = arith.constant 0 : i32
        %get3A_441 = arith.index_cast %get3A_440 : i32 to index
        %get3A_442 = arith.index_cast %add3A_439 : i32 to index
        %get3A_443 = arith.constant 0 : index
        %get3A_444 = tpu.vector_load %arg7[%get3A_441, %get3A_442, %get3A_443] {strides = array<i32>} : memref<2x200x64xf32, #tpu.memory_space<vmem>>, vector<1x1x16xf32>,
        %get3A_445 = vector.shape_cast %get3A_444 : vector<1x1x16xf32> to vector<16xf32>
        %swap3A_446 = arith.constant 0 : i32
        %swap3A_447 = arith.index_cast %swap3A_446 : i32 to index
        %swap3A_448 = arith.index_cast %add3A_439 : i32 to index
        %swap3A_449 = arith.constant 0 : index
        %swap3A_450 = tpu.vector_load %arg9[%swap3A_447, %swap3A_448, %swap3A_449] {strides = array<i32>} : memref<2x200x64xf32, #tpu.memory_space<vmem>>, vector<1x1x16xf32>,
        %swap3A_451 = vector.shape_cast %swap3A_450 : vector<1x1x16xf32> to vector<16xf32>
        %swap3A_452 = vector.shape_cast %get3A_445 : vector<16xf32> to vector<1x1x16xf32>
        tpu.vector_store %arg9[%swap3A_447, %swap3A_448, %swap3A_449], %swap3A_452 {add = true, strides = array<i32>} : memref<2x200x64xf32, #tpu.memory_space<vmem>>, vector<1x1x16xf32>,
        %get3A_453 = arith.constant 0 : i32
        %get3A_454 = arith.index_cast %get3A_453 : i32 to index
        %get3A_455 = arith.index_cast %add3A_439 : i32 to index
        %get3A_456 = arith.constant 16 : index
        %get3A_457 = tpu.vector_load %arg7[%get3A_454, %get3A_455, %get3A_456] {strides = array<i32>} : memref<2x200x64xf32, #tpu.memory_space<vmem>>, vector<1x1x16xf32>,
        %get3A_458 = vector.shape_cast %get3A_457 : vector<1x1x16xf32> to vector<16xf32>
        %swap3A_459 = arith.constant 0 : i32
        %swap3A_460 = arith.index_cast %swap3A_459 : i32 to index
        %swap3A_461 = arith.index_cast %add3A_439 : i32 to index
        %swap3A_462 = arith.constant 16 : index
        %swap3A_463 = tpu.vector_load %arg9[%swap3A_460, %swap3A_461, %swap3A_462] {strides = array<i32>} : memref<2x200x64xf32, #tpu.memory_space<vmem>>, vector<1x1x16xf32>,
        %swap3A_464 = vector.shape_cast %swap3A_463 : vector<1x1x16xf32> to vector<16xf32>
        %swap3A_465 = vector.shape_cast %get3A_458 : vector<16xf32> to vector<1x1x16xf32>
        tpu.vector_store %arg9[%swap3A_460, %swap3A_461, %swap3A_462], %swap3A_465 {add = true, strides = array<i32>} : memref<2x200x64xf32, #tpu.memory_space<vmem>>, vector<1x1x16xf32>,
        %get3A_466 = arith.constant 0 : i32
        %get3A_467 = arith.index_cast %get3A_466 : i32 to index
        %get3A_468 = arith.index_cast %add3A_439 : i32 to index
        %get3A_469 = arith.constant 32 : index
        %get3A_470 = tpu.vector_load %arg7[%get3A_467, %get3A_468, %get3A_469] {strides = array<i32>} : memref<2x200x64xf32, #tpu.memory_space<vmem>>, vector<1x1x16xf32>,
        %get3A_471 = vector.shape_cast %get3A_470 : vector<1x1x16xf32> to vector<16xf32>
        %swap3A_472 = arith.constant 0 : i32
        %swap3A_473 = arith.index_cast %swap3A_472 : i32 to index
        %swap3A_474 = arith.index_cast %add3A_439 : i32 to index
        %swap3A_475 = arith.constant 32 : index
        %swap3A_476 = tpu.vector_load %arg9[%swap3A_473, %swap3A_474, %swap3A_475] {strides = array<i32>} : memref<2x200x64xf32, #tpu.memory_space<vmem>>, vector<1x1x16xf32>,
        %swap3A_477 = vector.shape_cast %swap3A_476 : vector<1x1x16xf32> to vector<16xf32>
        %swap3A_478 = vector.shape_cast %get3A_471 : vector<16xf32> to vector<1x1x16xf32>
        tpu.vector_store %arg9[%swap3A_473, %swap3A_474, %swap3A_475], %swap3A_478 {add = true, strides = array<i32>} : memref<2x200x64xf32, #tpu.memory_space<vmem>>, vector<1x1x16xf32>,
        %get3A_479 = arith.constant 0 : i32
        %get3A_480 = arith.index_cast %get3A_479 : i32 to index
        %get3A_481 = arith.index_cast %add3A_439 : i32 to index
        %get3A_482 = arith.constant 48 : index
        %get3A_483 = tpu.vector_load %arg7[%get3A_480, %get3A_481, %get3A_482] {strides = array<i32>} : memref<2x200x64xf32, #tpu.memory_space<vmem>>, vector<1x1x16xf32>,
        %get3A_484 = vector.shape_cast %get3A_483 : vector<1x1x16xf32> to vector<16xf32>
        %swap3A_485 = arith.constant 0 : i32
        %swap3A_486 = arith.index_cast %swap3A_485 : i32 to index
        %swap3A_487 = arith.index_cast %add3A_439 : i32 to index
        %swap3A_488 = arith.constant 48 : index
        %swap3A_489 = tpu.vector_load %arg9[%swap3A_486, %swap3A_487, %swap3A_488] {strides = array<i32>} : memref<2x200x64xf32, #tpu.memory_space<vmem>>, vector<1x1x16xf32>,
        %swap3A_490 = vector.shape_cast %swap3A_489 : vector<1x1x16xf32> to vector<16xf32>
        %swap3A_491 = vector.shape_cast %get3A_484 : vector<16xf32> to vector<1x1x16xf32>
        tpu.vector_store %arg9[%swap3A_486, %swap3A_487, %swap3A_488], %swap3A_491 {add = true, strides = array<i32>} : memref<2x200x64xf32, #tpu.memory_space<vmem>>, vector<1x1x16xf32>,
        %scan3A_492 = arith.constant 6 : i32
        %scan3A_493 = arith.addi %scan3A_147, %scan3A_492 : i32
        %mul3A_494 = arith.constant 1 : i32
        %mul3A_495 = arith.muli %scan3A_493, %mul3A_494 : i32
        %add3A_496 = arith.constant 0 : i32
        %add3A_497 = arith.addi %add3A_496, %mul3A_495 : i32
        %get3A_498 = arith.constant 0 : i32
        %get3A_499 = arith.index_cast %get3A_498 : i32 to index
        %get3A_500 = arith.index_cast %add3A_497 : i32 to index
        %get3A_501 = arith.constant 0 : index
        %get3A_502 = tpu.vector_load %arg7[%get3A_499, %get3A_500, %get3A_501] {strides = array<i32>} : memref<2x200x64xf32, #tpu.memory_space<vmem>>, vector<1x1x16xf32>,
        %get3A_503 = vector.shape_cast %get3A_502 : vector<1x1x16xf32> to vector<16xf32>
        %swap3A_504 = arith.constant 0 : i32
        %swap3A_505 = arith.index_cast %swap3A_504 : i32 to index
        %swap3A_506 = arith.index_cast %add3A_497 : i32 to index
        %swap3A_507 = arith.constant 0 : index
        %swap3A_508 = tpu.vector_load %arg9[%swap3A_505, %swap3A_506, %swap3A_507] {strides = array<i32>} : memref<2x200x64xf32, #tpu.memory_space<vmem>>, vector<1x1x16xf32>,
        %swap3A_509 = vector.shape_cast %swap3A_508 : vector<1x1x16xf32> to vector<16xf32>
        %swap3A_510 = vector.shape_cast %get3A_503 : vector<16xf32> to vector<1x1x16xf32>
        tpu.vector_store %arg9[%swap3A_505, %swap3A_506, %swap3A_507], %swap3A_510 {add = true, strides = array<i32>} : memref<2x200x64xf32, #tpu.memory_space<vmem>>, vector<1x1x16xf32>,
        %get3A_511 = arith.constant 0 : i32
        %get3A_512 = arith.index_cast %get3A_511 : i32 to index
        %get3A_513 = arith.index_cast %add3A_497 : i32 to index
        %get3A_514 = arith.constant 16 : index
        %get3A_515 = tpu.vector_load %arg7[%get3A_512, %get3A_513, %get3A_514] {strides = array<i32>} : memref<2x200x64xf32, #tpu.memory_space<vmem>>, vector<1x1x16xf32>,
        %get3A_516 = vector.shape_cast %get3A_515 : vector<1x1x16xf32> to vector<16xf32>
        %swap3A_517 = arith.constant 0 : i32
        %swap3A_518 = arith.index_cast %swap3A_517 : i32 to index
        %swap3A_519 = arith.index_cast %add3A_497 : i32 to index
        %swap3A_520 = arith.constant 16 : index
        %swap3A_521 = tpu.vector_load %arg9[%swap3A_518, %swap3A_519, %swap3A_520] {strides = array<i32>} : memref<2x200x64xf32, #tpu.memory_space<vmem>>, vector<1x1x16xf32>,
        %swap3A_522 = vector.shape_cast %swap3A_521 : vector<1x1x16xf32> to vector<16xf32>
        %swap3A_523 = vector.shape_cast %get3A_516 : vector<16xf32> to vector<1x1x16xf32>
        tpu.vector_store %arg9[%swap3A_518, %swap3A_519, %swap3A_520], %swap3A_523 {add = true, strides = array<i32>} : memref<2x200x64xf32, #tpu.memory_space<vmem>>, vector<1x1x16xf32>,
        %get3A_524 = arith.constant 0 : i32
        %get3A_525 = arith.index_cast %get3A_524 : i32 to index
        %get3A_526 = arith.index_cast %add3A_497 : i32 to index
        %get3A_527 = arith.constant 32 : index
        %get3A_528 = tpu.vector_load %arg7[%get3A_525, %get3A_526, %get3A_527] {strides = array<i32>} : memref<2x200x64xf32, #tpu.memory_space<vmem>>, vector<1x1x16xf32>,
        %get3A_529 = vector.shape_cast %get3A_528 : vector<1x1x16xf32> to vector<16xf32>
        %swap3A_530 = arith.constant 0 : i32
        %swap3A_531 = arith.index_cast %swap3A_530 : i32 to index
        %swap3A_532 = arith.index_cast %add3A_497 : i32 to index
        %swap3A_533 = arith.constant 32 : index
        %swap3A_534 = tpu.vector_load %arg9[%swap3A_531, %swap3A_532, %swap3A_533] {strides = array<i32>} : memref<2x200x64xf32, #tpu.memory_space<vmem>>, vector<1x1x16xf32>,
        %swap3A_535 = vector.shape_cast %swap3A_534 : vector<1x1x16xf32> to vector<16xf32>
        %swap3A_536 = vector.shape_cast %get3A_529 : vector<16xf32> to vector<1x1x16xf32>
        tpu.vector_store %arg9[%swap3A_531, %swap3A_532, %swap3A_533], %swap3A_536 {add = true, strides = array<i32>} : memref<2x200x64xf32, #tpu.memory_space<vmem>>, vector<1x1x16xf32>,
        %get3A_537 = arith.constant 0 : i32
        %get3A_538 = arith.index_cast %get3A_537 : i32 to index
        %get3A_539 = arith.index_cast %add3A_497 : i32 to index
        %get3A_540 = arith.constant 48 : index
        %get3A_541 = tpu.vector_load %arg7[%get3A_538, %get3A_539, %get3A_540] {strides = array<i32>} : memref<2x200x64xf32, #tpu.memory_space<vmem>>, vector<1x1x16xf32>,
        %get3A_542 = vector.shape_cast %get3A_541 : vector<1x1x16xf32> to vector<16xf32>
        %swap3A_543 = arith.constant 0 : i32
        %swap3A_544 = arith.index_cast %swap3A_543 : i32 to index
        %swap3A_545 = arith.index_cast %add3A_497 : i32 to index
        %swap3A_546 = arith.constant 48 : index
        %swap3A_547 = tpu.vector_load %arg9[%swap3A_544, %swap3A_545, %swap3A_546] {strides = array<i32>} : memref<2x200x64xf32, #tpu.memory_space<vmem>>, vector<1x1x16xf32>,
        %swap3A_548 = vector.shape_cast %swap3A_547 : vector<1x1x16xf32> to vector<16xf32>
        %swap3A_549 = vector.shape_cast %get3A_542 : vector<16xf32> to vector<1x1x16xf32>
        tpu.vector_store %arg9[%swap3A_544, %swap3A_545, %swap3A_546], %swap3A_549 {add = true, strides = array<i32>} : memref<2x200x64xf32, #tpu.memory_space<vmem>>, vector<1x1x16xf32>,
        %scan3A_550 = arith.constant 7 : i32
        %scan3A_551 = arith.addi %scan3A_147, %scan3A_550 : i32
        %mul3A_552 = arith.constant 1 : i32
        %mul3A_553 = arith.muli %scan3A_551, %mul3A_552 : i32
        %add3A_554 = arith.constant 0 : i32
        %add3A_555 = arith.addi %add3A_554, %mul3A_553 : i32
        %get3A_556 = arith.constant 0 : i32
        %get3A_557 = arith.index_cast %get3A_556 : i32 to index
        %get3A_558 = arith.index_cast %add3A_555 : i32 to index
        %get3A_559 = arith.constant 0 : index
        %get3A_560 = tpu.vector_load %arg7[%get3A_557, %get3A_558, %get3A_559] {strides = array<i32>} : memref<2x200x64xf32, #tpu.memory_space<vmem>>, vector<1x1x16xf32>,
        %get3A_561 = vector.shape_cast %get3A_560 : vector<1x1x16xf32> to vector<16xf32>
        %swap3A_562 = arith.constant 0 : i32
        %swap3A_563 = arith.index_cast %swap3A_562 : i32 to index
        %swap3A_564 = arith.index_cast %add3A_555 : i32 to index
        %swap3A_565 = arith.constant 0 : index
        %swap3A_566 = tpu.vector_load %arg9[%swap3A_563, %swap3A_564, %swap3A_565] {strides = array<i32>} : memref<2x200x64xf32, #tpu.memory_space<vmem>>, vector<1x1x16xf32>,
        %swap3A_567 = vector.shape_cast %swap3A_566 : vector<1x1x16xf32> to vector<16xf32>
        %swap3A_568 = vector.shape_cast %get3A_561 : vector<16xf32> to vector<1x1x16xf32>
        tpu.vector_store %arg9[%swap3A_563, %swap3A_564, %swap3A_565], %swap3A_568 {add = true, strides = array<i32>} : memref<2x200x64xf32, #tpu.memory_space<vmem>>, vector<1x1x16xf32>,
        %get3A_569 = arith.constant 0 : i32
        %get3A_570 = arith.index_cast %get3A_569 : i32 to index
        %get3A_571 = arith.index_cast %add3A_555 : i32 to index
        %get3A_572 = arith.constant 16 : index
        %get3A_573 = tpu.vector_load %arg7[%get3A_570, %get3A_571, %get3A_572] {strides = array<i32>} : memref<2x200x64xf32, #tpu.memory_space<vmem>>, vector<1x1x16xf32>,
        %get3A_574 = vector.shape_cast %get3A_573 : vector<1x1x16xf32> to vector<16xf32>
        %swap3A_575 = arith.constant 0 : i32
        %swap3A_576 = arith.index_cast %swap3A_575 : i32 to index
        %swap3A_577 = arith.index_cast %add3A_555 : i32 to index
        %swap3A_578 = arith.constant 16 : index
        %swap3A_579 = tpu.vector_load %arg9[%swap3A_576, %swap3A_577, %swap3A_578] {strides = array<i32>} : memref<2x200x64xf32, #tpu.memory_space<vmem>>, vector<1x1x16xf32>,
        %swap3A_580 = vector.shape_cast %swap3A_579 : vector<1x1x16xf32> to vector<16xf32>
        %swap3A_581 = vector.shape_cast %get3A_574 : vector<16xf32> to vector<1x1x16xf32>
        tpu.vector_store %arg9[%swap3A_576, %swap3A_577, %swap3A_578], %swap3A_581 {add = true, strides = array<i32>} : memref<2x200x64xf32, #tpu.memory_space<vmem>>, vector<1x1x16xf32>,
        %get3A_582 = arith.constant 0 : i32
        %get3A_583 = arith.index_cast %get3A_582 : i32 to index
        %get3A_584 = arith.index_cast %add3A_555 : i32 to index
        %get3A_585 = arith.constant 32 : index
        %get3A_586 = tpu.vector_load %arg7[%get3A_583, %get3A_584, %get3A_585] {strides = array<i32>} : memref<2x200x64xf32, #tpu.memory_space<vmem>>, vector<1x1x16xf32>,
        %get3A_587 = vector.shape_cast %get3A_586 : vector<1x1x16xf32> to vector<16xf32>
        %swap3A_588 = arith.constant 0 : i32
        %swap3A_589 = arith.index_cast %swap3A_588 : i32 to index
        %swap3A_590 = arith.index_cast %add3A_555 : i32 to index
        %swap3A_591 = arith.constant 32 : index
        %swap3A_592 = tpu.vector_load %arg9[%swap3A_589, %swap3A_590, %swap3A_591] {strides = array<i32>} : memref<2x200x64xf32, #tpu.memory_space<vmem>>, vector<1x1x16xf32>,
        %swap3A_593 = vector.shape_cast %swap3A_592 : vector<1x1x16xf32> to vector<16xf32>
        %swap3A_594 = vector.shape_cast %get3A_587 : vector<16xf32> to vector<1x1x16xf32>
        tpu.vector_store %arg9[%swap3A_589, %swap3A_590, %swap3A_591], %swap3A_594 {add = true, strides = array<i32>} : memref<2x200x64xf32, #tpu.memory_space<vmem>>, vector<1x1x16xf32>,
        %get3A_595 = arith.constant 0 : i32
        %get3A_596 = arith.index_cast %get3A_595 : i32 to index
        %get3A_597 = arith.index_cast %add3A_555 : i32 to index
        %get3A_598 = arith.constant 48 : index
        %get3A_599 = tpu.vector_load %arg7[%get3A_596, %get3A_597, %get3A_598] {strides = array<i32>} : memref<2x200x64xf32, #tpu.memory_space<vmem>>, vector<1x1x16xf32>,
        %get3A_600 = vector.shape_cast %get3A_599 : vector<1x1x16xf32> to vector<16xf32>
        %swap3A_601 = arith.constant 0 : i32
        %swap3A_602 = arith.index_cast %swap3A_601 : i32 to index
        %swap3A_603 = arith.index_cast %add3A_555 : i32 to index
        %swap3A_604 = arith.constant 48 : index
        %swap3A_605 = tpu.vector_load %arg9[%swap3A_602, %swap3A_603, %swap3A_604] {strides = array<i32>} : memref<2x200x64xf32, #tpu.memory_space<vmem>>, vector<1x1x16xf32>,
        %swap3A_606 = vector.shape_cast %swap3A_605 : vector<1x1x16xf32> to vector<16xf32>
        %swap3A_607 = vector.shape_cast %get3A_600 : vector<16xf32> to vector<1x1x16xf32>
        tpu.vector_store %arg9[%swap3A_602, %swap3A_603, %swap3A_604], %swap3A_607 {add = true, strides = array<i32>} : memref<2x200x64xf32, #tpu.memory_space<vmem>>, vector<1x1x16xf32>,
      }
      %scan3A_138 = arith.constant 200 : i32
      %scan3A_139 = arith.constant 0 : i32
      %scan3A_140 = arith.constant 200 : i32
      %scan3A_141 = arith.addi %scan3A_139, %scan3A_140 : i32
      %scan3A_142 = arith.constant 8 : i32
      scf.for %scan3A_147 = %scan3A_139 to %scan3A_141 step %scan3A_142  : i32 {
        %mul3A_148 = arith.constant 1 : i32
        %mul3A_149 = arith.muli %scan3A_147, %mul3A_148 : i32
        %add3A_150 = arith.constant 0 : i32
        %add3A_151 = arith.addi %add3A_150, %mul3A_149 : i32
        %get3A = arith.constant 1 : i32
        %get3A_152 = arith.index_cast %get3A : i32 to index
        %get3A_153 = arith.index_cast %add3A_151 : i32 to index
        %get3A_154 = arith.constant 0 : index
        %get3A_155 = tpu.vector_load %arg7[%get3A_152, %get3A_153, %get3A_154] {strides = array<i32>} : memref<2x200x64xf32, #tpu.memory_space<vmem>>, vector<1x1x16xf32>,
        %get3A_156 = vector.shape_cast %get3A_155 : vector<1x1x16xf32> to vector<16xf32>
        %swap3A = arith.constant 1 : i32
        %swap3A_157 = arith.index_cast %swap3A : i32 to index
        %swap3A_158 = arith.index_cast %add3A_151 : i32 to index
        %swap3A_159 = arith.constant 0 : index
        %swap3A_160 = tpu.vector_load %arg9[%swap3A_157, %swap3A_158, %swap3A_159] {strides = array<i32>} : memref<2x200x64xf32, #tpu.memory_space<vmem>>, vector<1x1x16xf32>,
        %swap3A_161 = vector.shape_cast %swap3A_160 : vector<1x1x16xf32> to vector<16xf32>
        %swap3A_162 = vector.shape_cast %get3A_156 : vector<16xf32> to vector<1x1x16xf32>
        tpu.vector_store %arg9[%swap3A_157, %swap3A_158, %swap3A_159], %swap3A_162 {add = true, strides = array<i32>} : memref<2x200x64xf32, #tpu.memory_space<vmem>>, vector<1x1x16xf32>,
        %get3A_163 = arith.constant 1 : i32
        %get3A_164 = arith.index_cast %get3A_163 : i32 to index
        %get3A_165 = arith.index_cast %add3A_151 : i32 to index
        %get3A_166 = arith.constant 16 : index
        %get3A_167 = tpu.vector_load %arg7[%get3A_164, %get3A_165, %get3A_166] {strides = array<i32>} : memref<2x200x64xf32, #tpu.memory_space<vmem>>, vector<1x1x16xf32>,
        %get3A_168 = vector.shape_cast %get3A_167 : vector<1x1x16xf32> to vector<16xf32>
        %swap3A_169 = arith.constant 1 : i32
        %swap3A_170 = arith.index_cast %swap3A_169 : i32 to index
        %swap3A_171 = arith.index_cast %add3A_151 : i32 to index
        %swap3A_172 = arith.constant 16 : index
        %swap3A_173 = tpu.vector_load %arg9[%swap3A_170, %swap3A_171, %swap3A_172] {strides = array<i32>} : memref<2x200x64xf32, #tpu.memory_space<vmem>>, vector<1x1x16xf32>,
        %swap3A_174 = vector.shape_cast %swap3A_173 : vector<1x1x16xf32> to vector<16xf32>
        %swap3A_175 = vector.shape_cast %get3A_168 : vector<16xf32> to vector<1x1x16xf32>
        tpu.vector_store %arg9[%swap3A_170, %swap3A_171, %swap3A_172], %swap3A_175 {add = true, strides = array<i32>} : memref<2x200x64xf32, #tpu.memory_space<vmem>>, vector<1x1x16xf32>,
        %get3A_176 = arith.constant 1 : i32
        %get3A_177 = arith.index_cast %get3A_176 : i32 to index
        %get3A_178 = arith.index_cast %add3A_151 : i32 to index
        %get3A_179 = arith.constant 32 : index
        %get3A_180 = tpu.vector_load %arg7[%get3A_177, %get3A_178, %get3A_179] {strides = array<i32>} : memref<2x200x64xf32, #tpu.memory_space<vmem>>, vector<1x1x16xf32>,
        %get3A_181 = vector.shape_cast %get3A_180 : vector<1x1x16xf32> to vector<16xf32>
        %swap3A_182 = arith.constant 1 : i32
        %swap3A_183 = arith.index_cast %swap3A_182 : i32 to index
        %swap3A_184 = arith.index_cast %add3A_151 : i32 to index
        %swap3A_185 = arith.constant 32 : index
        %swap3A_186 = tpu.vector_load %arg9[%swap3A_183, %swap3A_184, %swap3A_185] {strides = array<i32>} : memref<2x200x64xf32, #tpu.memory_space<vmem>>, vector<1x1x16xf32>,
        %swap3A_187 = vector.shape_cast %swap3A_186 : vector<1x1x16xf32> to vector<16xf32>
        %swap3A_188 = vector.shape_cast %get3A_181 : vector<16xf32> to vector<1x1x16xf32>
        tpu.vector_store %arg9[%swap3A_183, %swap3A_184, %swap3A_185], %swap3A_188 {add = true, strides = array<i32>} : memref<2x200x64xf32, #tpu.memory_space<vmem>>, vector<1x1x16xf32>,
        %get3A_189 = arith.constant 1 : i32
        %get3A_190 = arith.index_cast %get3A_189 : i32 to index
        %get3A_191 = arith.index_cast %add3A_151 : i32 to index
        %get3A_192 = arith.constant 48 : index
        %get3A_193 = tpu.vector_load %arg7[%get3A_190, %get3A_191, %get3A_192] {strides = array<i32>} : memref<2x200x64xf32, #tpu.memory_space<vmem>>, vector<1x1x16xf32>,
        %get3A_194 = vector.shape_cast %get3A_193 : vector<1x1x16xf32> to vector<16xf32>
        %swap3A_195 = arith.constant 1 : i32
        %swap3A_196 = arith.index_cast %swap3A_195 : i32 to index
        %swap3A_197 = arith.index_cast %add3A_151 : i32 to index
        %swap3A_198 = arith.constant 48 : index
        %swap3A_199 = tpu.vector_load %arg9[%swap3A_196, %swap3A_197, %swap3A_198] {strides = array<i32>} : memref<2x200x64xf32, #tpu.memory_space<vmem>>, vector<1x1x16xf32>,
        %swap3A_200 = vector.shape_cast %swap3A_199 : vector<1x1x16xf32> to vector<16xf32>
        %swap3A_201 = vector.shape_cast %get3A_194 : vector<16xf32> to vector<1x1x16xf32>
        tpu.vector_store %arg9[%swap3A_196, %swap3A_197, %swap3A_198], %swap3A_201 {add = true, strides = array<i32>} : memref<2x200x64xf32, #tpu.memory_space<vmem>>, vector<1x1x16xf32>,
        %scan3A_202 = arith.constant 1 : i32
        %scan3A_203 = arith.addi %scan3A_147, %scan3A_202 : i32
        %mul3A_204 = arith.constant 1 : i32
        %mul3A_205 = arith.muli %scan3A_203, %mul3A_204 : i32
        %add3A_206 = arith.constant 0 : i32
        %add3A_207 = arith.addi %add3A_206, %mul3A_205 : i32
        %get3A_208 = arith.constant 1 : i32
        %get3A_209 = arith.index_cast %get3A_208 : i32 to index
        %get3A_210 = arith.index_cast %add3A_207 : i32 to index
        %get3A_211 = arith.constant 0 : index
        %get3A_212 = tpu.vector_load %arg7[%get3A_209, %get3A_210, %get3A_211] {strides = array<i32>} : memref<2x200x64xf32, #tpu.memory_space<vmem>>, vector<1x1x16xf32>,
        %get3A_213 = vector.shape_cast %get3A_212 : vector<1x1x16xf32> to vector<16xf32>
        %swap3A_214 = arith.constant 1 : i32
        %swap3A_215 = arith.index_cast %swap3A_214 : i32 to index
        %swap3A_216 = arith.index_cast %add3A_207 : i32 to index
        %swap3A_217 = arith.constant 0 : index
        %swap3A_218 = tpu.vector_load %arg9[%swap3A_215, %swap3A_216, %swap3A_217] {strides = array<i32>} : memref<2x200x64xf32, #tpu.memory_space<vmem>>, vector<1x1x16xf32>,
        %swap3A_219 = vector.shape_cast %swap3A_218 : vector<1x1x16xf32> to vector<16xf32>
        %swap3A_220 = vector.shape_cast %get3A_213 : vector<16xf32> to vector<1x1x16xf32>
        tpu.vector_store %arg9[%swap3A_215, %swap3A_216, %swap3A_217], %swap3A_220 {add = true, strides = array<i32>} : memref<2x200x64xf32, #tpu.memory_space<vmem>>, vector<1x1x16xf32>,
        %get3A_221 = arith.constant 1 : i32
        %get3A_222 = arith.index_cast %get3A_221 : i32 to index
        %get3A_223 = arith.index_cast %add3A_207 : i32 to index
        %get3A_224 = arith.constant 16 : index
        %get3A_225 = tpu.vector_load %arg7[%get3A_222, %get3A_223, %get3A_224] {strides = array<i32>} : memref<2x200x64xf32, #tpu.memory_space<vmem>>, vector<1x1x16xf32>,
        %get3A_226 = vector.shape_cast %get3A_225 : vector<1x1x16xf32> to vector<16xf32>
        %swap3A_227 = arith.constant 1 : i32
        %swap3A_228 = arith.index_cast %swap3A_227 : i32 to index
        %swap3A_229 = arith.index_cast %add3A_207 : i32 to index
        %swap3A_230 = arith.constant 16 : index
        %swap3A_231 = tpu.vector_load %arg9[%swap3A_228, %swap3A_229, %swap3A_230] {strides = array<i32>} : memref<2x200x64xf32, #tpu.memory_space<vmem>>, vector<1x1x16xf32>,
        %swap3A_232 = vector.shape_cast %swap3A_231 : vector<1x1x16xf32> to vector<16xf32>
        %swap3A_233 = vector.shape_cast %get3A_226 : vector<16xf32> to vector<1x1x16xf32>
        tpu.vector_store %arg9[%swap3A_228, %swap3A_229, %swap3A_230], %swap3A_233 {add = true, strides = array<i32>} : memref<2x200x64xf32, #tpu.memory_space<vmem>>, vector<1x1x16xf32>,
        %get3A_234 = arith.constant 1 : i32
        %get3A_235 = arith.index_cast %get3A_234 : i32 to index
        %get3A_236 = arith.index_cast %add3A_207 : i32 to index
        %get3A_237 = arith.constant 32 : index
        %get3A_238 = tpu.vector_load %arg7[%get3A_235, %get3A_236, %get3A_237] {strides = array<i32>} : memref<2x200x64xf32, #tpu.memory_space<vmem>>, vector<1x1x16xf32>,
        %get3A_239 = vector.shape_cast %get3A_238 : vector<1x1x16xf32> to vector<16xf32>
        %swap3A_240 = arith.constant 1 : i32
        %swap3A_241 = arith.index_cast %swap3A_240 : i32 to index
        %swap3A_242 = arith.index_cast %add3A_207 : i32 to index
        %swap3A_243 = arith.constant 32 : index
        %swap3A_244 = tpu.vector_load %arg9[%swap3A_241, %swap3A_242, %swap3A_243] {strides = array<i32>} : memref<2x200x64xf32, #tpu.memory_space<vmem>>, vector<1x1x16xf32>,
        %swap3A_245 = vector.shape_cast %swap3A_244 : vector<1x1x16xf32> to vector<16xf32>
        %swap3A_246 = vector.shape_cast %get3A_239 : vector<16xf32> to vector<1x1x16xf32>
        tpu.vector_store %arg9[%swap3A_241, %swap3A_242, %swap3A_243], %swap3A_246 {add = true, strides = array<i32>} : memref<2x200x64xf32, #tpu.memory_space<vmem>>, vector<1x1x16xf32>,
        %get3A_247 = arith.constant 1 : i32
        %get3A_248 = arith.index_cast %get3A_247 : i32 to index
        %get3A_249 = arith.index_cast %add3A_207 : i32 to index
        %get3A_250 = arith.constant 48 : index
        %get3A_251 = tpu.vector_load %arg7[%get3A_248, %get3A_249, %get3A_250] {strides = array<i32>} : memref<2x200x64xf32, #tpu.memory_space<vmem>>, vector<1x1x16xf32>,
        %get3A_252 = vector.shape_cast %get3A_251 : vector<1x1x16xf32> to vector<16xf32>
        %swap3A_253 = arith.constant 1 : i32
        %swap3A_254 = arith.index_cast %swap3A_253 : i32 to index
        %swap3A_255 = arith.index_cast %add3A_207 : i32 to index
        %swap3A_256 = arith.constant 48 : index
        %swap3A_257 = tpu.vector_load %arg9[%swap3A_254, %swap3A_255, %swap3A_256] {strides = array<i32>} : memref<2x200x64xf32, #tpu.memory_space<vmem>>, vector<1x1x16xf32>,
        %swap3A_258 = vector.shape_cast %swap3A_257 : vector<1x1x16xf32> to vector<16xf32>
        %swap3A_259 = vector.shape_cast %get3A_252 : vector<16xf32> to vector<1x1x16xf32>
        tpu.vector_store %arg9[%swap3A_254, %swap3A_255, %swap3A_256], %swap3A_259 {add = true, strides = array<i32>} : memref<2x200x64xf32, #tpu.memory_space<vmem>>, vector<1x1x16xf32>,
        %scan3A_260 = arith.constant 2 : i32
        %scan3A_261 = arith.addi %scan3A_147, %scan3A_260 : i32
        %mul3A_262 = arith.constant 1 : i32
        %mul3A_263 = arith.muli %scan3A_261, %mul3A_262 : i32
        %add3A_264 = arith.constant 0 : i32
        %add3A_265 = arith.addi %add3A_264, %mul3A_263 : i32
        %get3A_266 = arith.constant 1 : i32
        %get3A_267 = arith.index_cast %get3A_266 : i32 to index
        %get3A_268 = arith.index_cast %add3A_265 : i32 to index
        %get3A_269 = arith.constant 0 : index
        %get3A_270 = tpu.vector_load %arg7[%get3A_267, %get3A_268, %get3A_269] {strides = array<i32>} : memref<2x200x64xf32, #tpu.memory_space<vmem>>, vector<1x1x16xf32>,
        %get3A_271 = vector.shape_cast %get3A_270 : vector<1x1x16xf32> to vector<16xf32>
        %swap3A_272 = arith.constant 1 : i32
        %swap3A_273 = arith.index_cast %swap3A_272 : i32 to index
        %swap3A_274 = arith.index_cast %add3A_265 : i32 to index
        %swap3A_275 = arith.constant 0 : index
        %swap3A_276 = tpu.vector_load %arg9[%swap3A_273, %swap3A_274, %swap3A_275] {strides = array<i32>} : memref<2x200x64xf32, #tpu.memory_space<vmem>>, vector<1x1x16xf32>,
        %swap3A_277 = vector.shape_cast %swap3A_276 : vector<1x1x16xf32> to vector<16xf32>
        %swap3A_278 = vector.shape_cast %get3A_271 : vector<16xf32> to vector<1x1x16xf32>
        tpu.vector_store %arg9[%swap3A_273, %swap3A_274, %swap3A_275], %swap3A_278 {add = true, strides = array<i32>} : memref<2x200x64xf32, #tpu.memory_space<vmem>>, vector<1x1x16xf32>,
        %get3A_279 = arith.constant 1 : i32
        %get3A_280 = arith.index_cast %get3A_279 : i32 to index
        %get3A_281 = arith.index_cast %add3A_265 : i32 to index
        %get3A_282 = arith.constant 16 : index
        %get3A_283 = tpu.vector_load %arg7[%get3A_280, %get3A_281, %get3A_282] {strides = array<i32>} : memref<2x200x64xf32, #tpu.memory_space<vmem>>, vector<1x1x16xf32>,
        %get3A_284 = vector.shape_cast %get3A_283 : vector<1x1x16xf32> to vector<16xf32>
        %swap3A_285 = arith.constant 1 : i32
        %swap3A_286 = arith.index_cast %swap3A_285 : i32 to index
        %swap3A_287 = arith.index_cast %add3A_265 : i32 to index
        %swap3A_288 = arith.constant 16 : index
        %swap3A_289 = tpu.vector_load %arg9[%swap3A_286, %swap3A_287, %swap3A_288] {strides = array<i32>} : memref<2x200x64xf32, #tpu.memory_space<vmem>>, vector<1x1x16xf32>,
        %swap3A_290 = vector.shape_cast %swap3A_289 : vector<1x1x16xf32> to vector<16xf32>
        %swap3A_291 = vector.shape_cast %get3A_284 : vector<16xf32> to vector<1x1x16xf32>
        tpu.vector_store %arg9[%swap3A_286, %swap3A_287, %swap3A_288], %swap3A_291 {add = true, strides = array<i32>} : memref<2x200x64xf32, #tpu.memory_space<vmem>>, vector<1x1x16xf32>,
        %get3A_292 = arith.constant 1 : i32
        %get3A_293 = arith.index_cast %get3A_292 : i32 to index
        %get3A_294 = arith.index_cast %add3A_265 : i32 to index
        %get3A_295 = arith.constant 32 : index
        %get3A_296 = tpu.vector_load %arg7[%get3A_293, %get3A_294, %get3A_295] {strides = array<i32>} : memref<2x200x64xf32, #tpu.memory_space<vmem>>, vector<1x1x16xf32>,
        %get3A_297 = vector.shape_cast %get3A_296 : vector<1x1x16xf32> to vector<16xf32>
        %swap3A_298 = arith.constant 1 : i32
        %swap3A_299 = arith.index_cast %swap3A_298 : i32 to index
        %swap3A_300 = arith.index_cast %add3A_265 : i32 to index
        %swap3A_301 = arith.constant 32 : index
        %swap3A_302 = tpu.vector_load %arg9[%swap3A_299, %swap3A_300, %swap3A_301] {strides = array<i32>} : memref<2x200x64xf32, #tpu.memory_space<vmem>>, vector<1x1x16xf32>,
        %swap3A_303 = vector.shape_cast %swap3A_302 : vector<1x1x16xf32> to vector<16xf32>
        %swap3A_304 = vector.shape_cast %get3A_297 : vector<16xf32> to vector<1x1x16xf32>
        tpu.vector_store %arg9[%swap3A_299, %swap3A_300, %swap3A_301], %swap3A_304 {add = true, strides = array<i32>} : memref<2x200x64xf32, #tpu.memory_space<vmem>>, vector<1x1x16xf32>,
        %get3A_305 = arith.constant 1 : i32
        %get3A_306 = arith.index_cast %get3A_305 : i32 to index
        %get3A_307 = arith.index_cast %add3A_265 : i32 to index
        %get3A_308 = arith.constant 48 : index
        %get3A_309 = tpu.vector_load %arg7[%get3A_306, %get3A_307, %get3A_308] {strides = array<i32>} : memref<2x200x64xf32, #tpu.memory_space<vmem>>, vector<1x1x16xf32>,
        %get3A_310 = vector.shape_cast %get3A_309 : vector<1x1x16xf32> to vector<16xf32>
        %swap3A_311 = arith.constant 1 : i32
        %swap3A_312 = arith.index_cast %swap3A_311 : i32 to index
        %swap3A_313 = arith.index_cast %add3A_265 : i32 to index
        %swap3A_314 = arith.constant 48 : index
        %swap3A_315 = tpu.vector_load %arg9[%swap3A_312, %swap3A_313, %swap3A_314] {strides = array<i32>} : memref<2x200x64xf32, #tpu.memory_space<vmem>>, vector<1x1x16xf32>,
        %swap3A_316 = vector.shape_cast %swap3A_315 : vector<1x1x16xf32> to vector<16xf32>
        %swap3A_317 = vector.shape_cast %get3A_310 : vector<16xf32> to vector<1x1x16xf32>
        tpu.vector_store %arg9[%swap3A_312, %swap3A_313, %swap3A_314], %swap3A_317 {add = true, strides = array<i32>} : memref<2x200x64xf32, #tpu.memory_space<vmem>>, vector<1x1x16xf32>,
        %scan3A_318 = arith.constant 3 : i32
        %scan3A_319 = arith.addi %scan3A_147, %scan3A_318 : i32
        %mul3A_320 = arith.constant 1 : i32
        %mul3A_321 = arith.muli %scan3A_319, %mul3A_320 : i32
        %add3A_322 = arith.constant 0 : i32
        %add3A_323 = arith.addi %add3A_322, %mul3A_321 : i32
        %get3A_324 = arith.constant 1 : i32
        %get3A_325 = arith.index_cast %get3A_324 : i32 to index
        %get3A_326 = arith.index_cast %add3A_323 : i32 to index
        %get3A_327 = arith.constant 0 : index
        %get3A_328 = tpu.vector_load %arg7[%get3A_325, %get3A_326, %get3A_327] {strides = array<i32>} : memref<2x200x64xf32, #tpu.memory_space<vmem>>, vector<1x1x16xf32>,
        %get3A_329 = vector.shape_cast %get3A_328 : vector<1x1x16xf32> to vector<16xf32>
        %swap3A_330 = arith.constant 1 : i32
        %swap3A_331 = arith.index_cast %swap3A_330 : i32 to index
        %swap3A_332 = arith.index_cast %add3A_323 : i32 to index
        %swap3A_333 = arith.constant 0 : index
        %swap3A_334 = tpu.vector_load %arg9[%swap3A_331, %swap3A_332, %swap3A_333] {strides = array<i32>} : memref<2x200x64xf32, #tpu.memory_space<vmem>>, vector<1x1x16xf32>,
        %swap3A_335 = vector.shape_cast %swap3A_334 : vector<1x1x16xf32> to vector<16xf32>
        %swap3A_336 = vector.shape_cast %get3A_329 : vector<16xf32> to vector<1x1x16xf32>
        tpu.vector_store %arg9[%swap3A_331, %swap3A_332, %swap3A_333], %swap3A_336 {add = true, strides = array<i32>} : memref<2x200x64xf32, #tpu.memory_space<vmem>>, vector<1x1x16xf32>,
        %get3A_337 = arith.constant 1 : i32
        %get3A_338 = arith.index_cast %get3A_337 : i32 to index
        %get3A_339 = arith.index_cast %add3A_323 : i32 to index
        %get3A_340 = arith.constant 16 : index
        %get3A_341 = tpu.vector_load %arg7[%get3A_338, %get3A_339, %get3A_340] {strides = array<i32>} : memref<2x200x64xf32, #tpu.memory_space<vmem>>, vector<1x1x16xf32>,
        %get3A_342 = vector.shape_cast %get3A_341 : vector<1x1x16xf32> to vector<16xf32>
        %swap3A_343 = arith.constant 1 : i32
        %swap3A_344 = arith.index_cast %swap3A_343 : i32 to index
        %swap3A_345 = arith.index_cast %add3A_323 : i32 to index
        %swap3A_346 = arith.constant 16 : index
        %swap3A_347 = tpu.vector_load %arg9[%swap3A_344, %swap3A_345, %swap3A_346] {strides = array<i32>} : memref<2x200x64xf32, #tpu.memory_space<vmem>>, vector<1x1x16xf32>,
        %swap3A_348 = vector.shape_cast %swap3A_347 : vector<1x1x16xf32> to vector<16xf32>
        %swap3A_349 = vector.shape_cast %get3A_342 : vector<16xf32> to vector<1x1x16xf32>
        tpu.vector_store %arg9[%swap3A_344, %swap3A_345, %swap3A_346], %swap3A_349 {add = true, strides = array<i32>} : memref<2x200x64xf32, #tpu.memory_space<vmem>>, vector<1x1x16xf32>,
        %get3A_350 = arith.constant 1 : i32
        %get3A_351 = arith.index_cast %get3A_350 : i32 to index
        %get3A_352 = arith.index_cast %add3A_323 : i32 to index
        %get3A_353 = arith.constant 32 : index
        %get3A_354 = tpu.vector_load %arg7[%get3A_351, %get3A_352, %get3A_353] {strides = array<i32>} : memref<2x200x64xf32, #tpu.memory_space<vmem>>, vector<1x1x16xf32>,
        %get3A_355 = vector.shape_cast %get3A_354 : vector<1x1x16xf32> to vector<16xf32>
        %swap3A_356 = arith.constant 1 : i32
        %swap3A_357 = arith.index_cast %swap3A_356 : i32 to index
        %swap3A_358 = arith.index_cast %add3A_323 : i32 to index
        %swap3A_359 = arith.constant 32 : index
        %swap3A_360 = tpu.vector_load %arg9[%swap3A_357, %swap3A_358, %swap3A_359] {strides = array<i32>} : memref<2x200x64xf32, #tpu.memory_space<vmem>>, vector<1x1x16xf32>,
        %swap3A_361 = vector.shape_cast %swap3A_360 : vector<1x1x16xf32> to vector<16xf32>
        %swap3A_362 = vector.shape_cast %get3A_355 : vector<16xf32> to vector<1x1x16xf32>
        tpu.vector_store %arg9[%swap3A_357, %swap3A_358, %swap3A_359], %swap3A_362 {add = true, strides = array<i32>} : memref<2x200x64xf32, #tpu.memory_space<vmem>>, vector<1x1x16xf32>,
        %get3A_363 = arith.constant 1 : i32
        %get3A_364 = arith.index_cast %get3A_363 : i32 to index
        %get3A_365 = arith.index_cast %add3A_323 : i32 to index
        %get3A_366 = arith.constant 48 : index
        %get3A_367 = tpu.vector_load %arg7[%get3A_364, %get3A_365, %get3A_366] {strides = array<i32>} : memref<2x200x64xf32, #tpu.memory_space<vmem>>, vector<1x1x16xf32>,
        %get3A_368 = vector.shape_cast %get3A_367 : vector<1x1x16xf32> to vector<16xf32>
        %swap3A_369 = arith.constant 1 : i32
        %swap3A_370 = arith.index_cast %swap3A_369 : i32 to index
        %swap3A_371 = arith.index_cast %add3A_323 : i32 to index
        %swap3A_372 = arith.constant 48 : index
        %swap3A_373 = tpu.vector_load %arg9[%swap3A_370, %swap3A_371, %swap3A_372] {strides = array<i32>} : memref<2x200x64xf32, #tpu.memory_space<vmem>>, vector<1x1x16xf32>,
        %swap3A_374 = vector.shape_cast %swap3A_373 : vector<1x1x16xf32> to vector<16xf32>
        %swap3A_375 = vector.shape_cast %get3A_368 : vector<16xf32> to vector<1x1x16xf32>
        tpu.vector_store %arg9[%swap3A_370, %swap3A_371, %swap3A_372], %swap3A_375 {add = true, strides = array<i32>} : memref<2x200x64xf32, #tpu.memory_space<vmem>>, vector<1x1x16xf32>,
        %scan3A_376 = arith.constant 4 : i32
        %scan3A_377 = arith.addi %scan3A_147, %scan3A_376 : i32
        %mul3A_378 = arith.constant 1 : i32
        %mul3A_379 = arith.muli %scan3A_377, %mul3A_378 : i32
        %add3A_380 = arith.constant 0 : i32
        %add3A_381 = arith.addi %add3A_380, %mul3A_379 : i32
        %get3A_382 = arith.constant 1 : i32
        %get3A_383 = arith.index_cast %get3A_382 : i32 to index
        %get3A_384 = arith.index_cast %add3A_381 : i32 to index
        %get3A_385 = arith.constant 0 : index
        %get3A_386 = tpu.vector_load %arg7[%get3A_383, %get3A_384, %get3A_385] {strides = array<i32>} : memref<2x200x64xf32, #tpu.memory_space<vmem>>, vector<1x1x16xf32>,
        %get3A_387 = vector.shape_cast %get3A_386 : vector<1x1x16xf32> to vector<16xf32>
        %swap3A_388 = arith.constant 1 : i32
        %swap3A_389 = arith.index_cast %swap3A_388 : i32 to index
        %swap3A_390 = arith.index_cast %add3A_381 : i32 to index
        %swap3A_391 = arith.constant 0 : index
        %swap3A_392 = tpu.vector_load %arg9[%swap3A_389, %swap3A_390, %swap3A_391] {strides = array<i32>} : memref<2x200x64xf32, #tpu.memory_space<vmem>>, vector<1x1x16xf32>,
        %swap3A_393 = vector.shape_cast %swap3A_392 : vector<1x1x16xf32> to vector<16xf32>
        %swap3A_394 = vector.shape_cast %get3A_387 : vector<16xf32> to vector<1x1x16xf32>
        tpu.vector_store %arg9[%swap3A_389, %swap3A_390, %swap3A_391], %swap3A_394 {add = true, strides = array<i32>} : memref<2x200x64xf32, #tpu.memory_space<vmem>>, vector<1x1x16xf32>,
        %get3A_395 = arith.constant 1 : i32
        %get3A_396 = arith.index_cast %get3A_395 : i32 to index
        %get3A_397 = arith.index_cast %add3A_381 : i32 to index
        %get3A_398 = arith.constant 16 : index
        %get3A_399 = tpu.vector_load %arg7[%get3A_396, %get3A_397, %get3A_398] {strides = array<i32>} : memref<2x200x64xf32, #tpu.memory_space<vmem>>, vector<1x1x16xf32>,
        %get3A_400 = vector.shape_cast %get3A_399 : vector<1x1x16xf32> to vector<16xf32>
        %swap3A_401 = arith.constant 1 : i32
        %swap3A_402 = arith.index_cast %swap3A_401 : i32 to index
        %swap3A_403 = arith.index_cast %add3A_381 : i32 to index
        %swap3A_404 = arith.constant 16 : index
        %swap3A_405 = tpu.vector_load %arg9[%swap3A_402, %swap3A_403, %swap3A_404] {strides = array<i32>} : memref<2x200x64xf32, #tpu.memory_space<vmem>>, vector<1x1x16xf32>,
        %swap3A_406 = vector.shape_cast %swap3A_405 : vector<1x1x16xf32> to vector<16xf32>
        %swap3A_407 = vector.shape_cast %get3A_400 : vector<16xf32> to vector<1x1x16xf32>
        tpu.vector_store %arg9[%swap3A_402, %swap3A_403, %swap3A_404], %swap3A_407 {add = true, strides = array<i32>} : memref<2x200x64xf32, #tpu.memory_space<vmem>>, vector<1x1x16xf32>,
        %get3A_408 = arith.constant 1 : i32
        %get3A_409 = arith.index_cast %get3A_408 : i32 to index
        %get3A_410 = arith.index_cast %add3A_381 : i32 to index
        %get3A_411 = arith.constant 32 : index
        %get3A_412 = tpu.vector_load %arg7[%get3A_409, %get3A_410, %get3A_411] {strides = array<i32>} : memref<2x200x64xf32, #tpu.memory_space<vmem>>, vector<1x1x16xf32>,
        %get3A_413 = vector.shape_cast %get3A_412 : vector<1x1x16xf32> to vector<16xf32>
        %swap3A_414 = arith.constant 1 : i32
        %swap3A_415 = arith.index_cast %swap3A_414 : i32 to index
        %swap3A_416 = arith.index_cast %add3A_381 : i32 to index
        %swap3A_417 = arith.constant 32 : index
        %swap3A_418 = tpu.vector_load %arg9[%swap3A_415, %swap3A_416, %swap3A_417] {strides = array<i32>} : memref<2x200x64xf32, #tpu.memory_space<vmem>>, vector<1x1x16xf32>,
        %swap3A_419 = vector.shape_cast %swap3A_418 : vector<1x1x16xf32> to vector<16xf32>
        %swap3A_420 = vector.shape_cast %get3A_413 : vector<16xf32> to vector<1x1x16xf32>
        tpu.vector_store %arg9[%swap3A_415, %swap3A_416, %swap3A_417], %swap3A_420 {add = true, strides = array<i32>} : memref<2x200x64xf32, #tpu.memory_space<vmem>>, vector<1x1x16xf32>,
        %get3A_421 = arith.constant 1 : i32
        %get3A_422 = arith.index_cast %get3A_421 : i32 to index
        %get3A_423 = arith.index_cast %add3A_381 : i32 to index
        %get3A_424 = arith.constant 48 : index
        %get3A_425 = tpu.vector_load %arg7[%get3A_422, %get3A_423, %get3A_424] {strides = array<i32>} : memref<2x200x64xf32, #tpu.memory_space<vmem>>, vector<1x1x16xf32>,
        %get3A_426 = vector.shape_cast %get3A_425 : vector<1x1x16xf32> to vector<16xf32>
        %swap3A_427 = arith.constant 1 : i32
        %swap3A_428 = arith.index_cast %swap3A_427 : i32 to index
        %swap3A_429 = arith.index_cast %add3A_381 : i32 to index
        %swap3A_430 = arith.constant 48 : index
        %swap3A_431 = tpu.vector_load %arg9[%swap3A_428, %swap3A_429, %swap3A_430] {strides = array<i32>} : memref<2x200x64xf32, #tpu.memory_space<vmem>>, vector<1x1x16xf32>,
        %swap3A_432 = vector.shape_cast %swap3A_431 : vector<1x1x16xf32> to vector<16xf32>
        %swap3A_433 = vector.shape_cast %get3A_426 : vector<16xf32> to vector<1x1x16xf32>
        tpu.vector_store %arg9[%swap3A_428, %swap3A_429, %swap3A_430], %swap3A_433 {add = true, strides = array<i32>} : memref<2x200x64xf32, #tpu.memory_space<vmem>>, vector<1x1x16xf32>,
        %scan3A_434 = arith.constant 5 : i32
        %scan3A_435 = arith.addi %scan3A_147, %scan3A_434 : i32
        %mul3A_436 = arith.constant 1 : i32
        %mul3A_437 = arith.muli %scan3A_435, %mul3A_436 : i32
        %add3A_438 = arith.constant 0 : i32
        %add3A_439 = arith.addi %add3A_438, %mul3A_437 : i32
        %get3A_440 = arith.constant 1 : i32
        %get3A_441 = arith.index_cast %get3A_440 : i32 to index
        %get3A_442 = arith.index_cast %add3A_439 : i32 to index
        %get3A_443 = arith.constant 0 : index
        %get3A_444 = tpu.vector_load %arg7[%get3A_441, %get3A_442, %get3A_443] {strides = array<i32>} : memref<2x200x64xf32, #tpu.memory_space<vmem>>, vector<1x1x16xf32>,
        %get3A_445 = vector.shape_cast %get3A_444 : vector<1x1x16xf32> to vector<16xf32>
        %swap3A_446 = arith.constant 1 : i32
        %swap3A_447 = arith.index_cast %swap3A_446 : i32 to index
        %swap3A_448 = arith.index_cast %add3A_439 : i32 to index
        %swap3A_449 = arith.constant 0 : index
        %swap3A_450 = tpu.vector_load %arg9[%swap3A_447, %swap3A_448, %swap3A_449] {strides = array<i32>} : memref<2x200x64xf32, #tpu.memory_space<vmem>>, vector<1x1x16xf32>,
        %swap3A_451 = vector.shape_cast %swap3A_450 : vector<1x1x16xf32> to vector<16xf32>
        %swap3A_452 = vector.shape_cast %get3A_445 : vector<16xf32> to vector<1x1x16xf32>
        tpu.vector_store %arg9[%swap3A_447, %swap3A_448, %swap3A_449], %swap3A_452 {add = true, strides = array<i32>} : memref<2x200x64xf32, #tpu.memory_space<vmem>>, vector<1x1x16xf32>,
        %get3A_453 = arith.constant 1 : i32
        %get3A_454 = arith.index_cast %get3A_453 : i32 to index
        %get3A_455 = arith.index_cast %add3A_439 : i32 to index
        %get3A_456 = arith.constant 16 : index
        %get3A_457 = tpu.vector_load %arg7[%get3A_454, %get3A_455, %get3A_456] {strides = array<i32>} : memref<2x200x64xf32, #tpu.memory_space<vmem>>, vector<1x1x16xf32>,
        %get3A_458 = vector.shape_cast %get3A_457 : vector<1x1x16xf32> to vector<16xf32>
        %swap3A_459 = arith.constant 1 : i32
        %swap3A_460 = arith.index_cast %swap3A_459 : i32 to index
        %swap3A_461 = arith.index_cast %add3A_439 : i32 to index
        %swap3A_462 = arith.constant 16 : index
        %swap3A_463 = tpu.vector_load %arg9[%swap3A_460, %swap3A_461, %swap3A_462] {strides = array<i32>} : memref<2x200x64xf32, #tpu.memory_space<vmem>>, vector<1x1x16xf32>,
        %swap3A_464 = vector.shape_cast %swap3A_463 : vector<1x1x16xf32> to vector<16xf32>
        %swap3A_465 = vector.shape_cast %get3A_458 : vector<16xf32> to vector<1x1x16xf32>
        tpu.vector_store %arg9[%swap3A_460, %swap3A_461, %swap3A_462], %swap3A_465 {add = true, strides = array<i32>} : memref<2x200x64xf32, #tpu.memory_space<vmem>>, vector<1x1x16xf32>,
        %get3A_466 = arith.constant 1 : i32
        %get3A_467 = arith.index_cast %get3A_466 : i32 to index
        %get3A_468 = arith.index_cast %add3A_439 : i32 to index
        %get3A_469 = arith.constant 32 : index
        %get3A_470 = tpu.vector_load %arg7[%get3A_467, %get3A_468, %get3A_469] {strides = array<i32>} : memref<2x200x64xf32, #tpu.memory_space<vmem>>, vector<1x1x16xf32>,
        %get3A_471 = vector.shape_cast %get3A_470 : vector<1x1x16xf32> to vector<16xf32>
        %swap3A_472 = arith.constant 1 : i32
        %swap3A_473 = arith.index_cast %swap3A_472 : i32 to index
        %swap3A_474 = arith.index_cast %add3A_439 : i32 to index
        %swap3A_475 = arith.constant 32 : index
        %swap3A_476 = tpu.vector_load %arg9[%swap3A_473, %swap3A_474, %swap3A_475] {strides = array<i32>} : memref<2x200x64xf32, #tpu.memory_space<vmem>>, vector<1x1x16xf32>,
        %swap3A_477 = vector.shape_cast %swap3A_476 : vector<1x1x16xf32> to vector<16xf32>
        %swap3A_478 = vector.shape_cast %get3A_471 : vector<16xf32> to vector<1x1x16xf32>
        tpu.vector_store %arg9[%swap3A_473, %swap3A_474, %swap3A_475], %swap3A_478 {add = true, strides = array<i32>} : memref<2x200x64xf32, #tpu.memory_space<vmem>>, vector<1x1x16xf32>,
        %get3A_479 = arith.constant 1 : i32
        %get3A_480 = arith.index_cast %get3A_479 : i32 to index
        %get3A_481 = arith.index_cast %add3A_439 : i32 to index
        %get3A_482 = arith.constant 48 : index
        %get3A_483 = tpu.vector_load %arg7[%get3A_480, %get3A_481, %get3A_482] {strides = array<i32>} : memref<2x200x64xf32, #tpu.memory_space<vmem>>, vector<1x1x16xf32>,
        %get3A_484 = vector.shape_cast %get3A_483 : vector<1x1x16xf32> to vector<16xf32>
        %swap3A_485 = arith.constant 1 : i32
        %swap3A_486 = arith.index_cast %swap3A_485 : i32 to index
        %swap3A_487 = arith.index_cast %add3A_439 : i32 to index
        %swap3A_488 = arith.constant 48 : index
        %swap3A_489 = tpu.vector_load %arg9[%swap3A_486, %swap3A_487, %swap3A_488] {strides = array<i32>} : memref<2x200x64xf32, #tpu.memory_space<vmem>>, vector<1x1x16xf32>,
        %swap3A_490 = vector.shape_cast %swap3A_489 : vector<1x1x16xf32> to vector<16xf32>
        %swap3A_491 = vector.shape_cast %get3A_484 : vector<16xf32> to vector<1x1x16xf32>
        tpu.vector_store %arg9[%swap3A_486, %swap3A_487, %swap3A_488], %swap3A_491 {add = true, strides = array<i32>} : memref<2x200x64xf32, #tpu.memory_space<vmem>>, vector<1x1x16xf32>,
        %scan3A_492 = arith.constant 6 : i32
        %scan3A_493 = arith.addi %scan3A_147, %scan3A_492 : i32
        %mul3A_494 = arith.constant 1 : i32
        %mul3A_495 = arith.muli %scan3A_493, %mul3A_494 : i32
        %add3A_496 = arith.constant 0 : i32
        %add3A_497 = arith.addi %add3A_496, %mul3A_495 : i32
        %get3A_498 = arith.constant 1 : i32
        %get3A_499 = arith.index_cast %get3A_498 : i32 to index
        %get3A_500 = arith.index_cast %add3A_497 : i32 to index
        %get3A_501 = arith.constant 0 : index
        %get3A_502 = tpu.vector_load %arg7[%get3A_499, %get3A_500, %get3A_501] {strides = array<i32>} : memref<2x200x64xf32, #tpu.memory_space<vmem>>, vector<1x1x16xf32>,
        %get3A_503 = vector.shape_cast %get3A_502 : vector<1x1x16xf32> to vector<16xf32>
        %swap3A_504 = arith.constant 1 : i32
        %swap3A_505 = arith.index_cast %swap3A_504 : i32 to index
        %swap3A_506 = arith.index_cast %add3A_497 : i32 to index
        %swap3A_507 = arith.constant 0 : index
        %swap3A_508 = tpu.vector_load %arg9[%swap3A_505, %swap3A_506, %swap3A_507] {strides = array<i32>} : memref<2x200x64xf32, #tpu.memory_space<vmem>>, vector<1x1x16xf32>,
        %swap3A_509 = vector.shape_cast %swap3A_508 : vector<1x1x16xf32> to vector<16xf32>
        %swap3A_510 = vector.shape_cast %get3A_503 : vector<16xf32> to vector<1x1x16xf32>
        tpu.vector_store %arg9[%swap3A_505, %swap3A_506, %swap3A_507], %swap3A_510 {add = true, strides = array<i32>} : memref<2x200x64xf32, #tpu.memory_space<vmem>>, vector<1x1x16xf32>,
        %get3A_511 = arith.constant 1 : i32
        %get3A_512 = arith.index_cast %get3A_511 : i32 to index
        %get3A_513 = arith.index_cast %add3A_497 : i32 to index
        %get3A_514 = arith.constant 16 : index
        %get3A_515 = tpu.vector_load %arg7[%get3A_512, %get3A_513, %get3A_514] {strides = array<i32>} : memref<2x200x64xf32, #tpu.memory_space<vmem>>, vector<1x1x16xf32>,
        %get3A_516 = vector.shape_cast %get3A_515 : vector<1x1x16xf32> to vector<16xf32>
        %swap3A_517 = arith.constant 1 : i32
        %swap3A_518 = arith.index_cast %swap3A_517 : i32 to index
        %swap3A_519 = arith.index_cast %add3A_497 : i32 to index
        %swap3A_520 = arith.constant 16 : index
        %swap3A_521 = tpu.vector_load %arg9[%swap3A_518, %swap3A_519, %swap3A_520] {strides = array<i32>} : memref<2x200x64xf32, #tpu.memory_space<vmem>>, vector<1x1x16xf32>,
        %swap3A_522 = vector.shape_cast %swap3A_521 : vector<1x1x16xf32> to vector<16xf32>
        %swap3A_523 = vector.shape_cast %get3A_516 : vector<16xf32> to vector<1x1x16xf32>
        tpu.vector_store %arg9[%swap3A_518, %swap3A_519, %swap3A_520], %swap3A_523 {add = true, strides = array<i32>} : memref<2x200x64xf32, #tpu.memory_space<vmem>>, vector<1x1x16xf32>,
        %get3A_524 = arith.constant 1 : i32
        %get3A_525 = arith.index_cast %get3A_524 : i32 to index
        %get3A_526 = arith.index_cast %add3A_497 : i32 to index
        %get3A_527 = arith.constant 32 : index
        %get3A_528 = tpu.vector_load %arg7[%get3A_525, %get3A_526, %get3A_527] {strides = array<i32>} : memref<2x200x64xf32, #tpu.memory_space<vmem>>, vector<1x1x16xf32>,
        %get3A_529 = vector.shape_cast %get3A_528 : vector<1x1x16xf32> to vector<16xf32>
        %swap3A_530 = arith.constant 1 : i32
        %swap3A_531 = arith.index_cast %swap3A_530 : i32 to index
        %swap3A_532 = arith.index_cast %add3A_497 : i32 to index
        %swap3A_533 = arith.constant 32 : index
        %swap3A_534 = tpu.vector_load %arg9[%swap3A_531, %swap3A_532, %swap3A_533] {strides = array<i32>} : memref<2x200x64xf32, #tpu.memory_space<vmem>>, vector<1x1x16xf32>,
        %swap3A_535 = vector.shape_cast %swap3A_534 : vector<1x1x16xf32> to vector<16xf32>
        %swap3A_536 = vector.shape_cast %get3A_529 : vector<16xf32> to vector<1x1x16xf32>
        tpu.vector_store %arg9[%swap3A_531, %swap3A_532, %swap3A_533], %swap3A_536 {add = true, strides = array<i32>} : memref<2x200x64xf32, #tpu.memory_space<vmem>>, vector<1x1x16xf32>,
        %get3A_537 = arith.constant 1 : i32
        %get3A_538 = arith.index_cast %get3A_537 : i32 to index
        %get3A_539 = arith.index_cast %add3A_497 : i32 to index
        %get3A_540 = arith.constant 48 : index
        %get3A_541 = tpu.vector_load %arg7[%get3A_538, %get3A_539, %get3A_540] {strides = array<i32>} : memref<2x200x64xf32, #tpu.memory_space<vmem>>, vector<1x1x16xf32>,
        %get3A_542 = vector.shape_cast %get3A_541 : vector<1x1x16xf32> to vector<16xf32>
        %swap3A_543 = arith.constant 1 : i32
        %swap3A_544 = arith.index_cast %swap3A_543 : i32 to index
        %swap3A_545 = arith.index_cast %add3A_497 : i32 to index
        %swap3A_546 = arith.constant 48 : index
        %swap3A_547 = tpu.vector_load %arg9[%swap3A_544, %swap3A_545, %swap3A_546] {strides = array<i32>} : memref<2x200x64xf32, #tpu.memory_space<vmem>>, vector<1x1x16xf32>,
        %swap3A_548 = vector.shape_cast %swap3A_547 : vector<1x1x16xf32> to vector<16xf32>
        %swap3A_549 = vector.shape_cast %get3A_542 : vector<16xf32> to vector<1x1x16xf32>
        tpu.vector_store %arg9[%swap3A_544, %swap3A_545, %swap3A_546], %swap3A_549 {add = true, strides = array<i32>} : memref<2x200x64xf32, #tpu.memory_space<vmem>>, vector<1x1x16xf32>,
        %scan3A_550 = arith.constant 7 : i32
        %scan3A_551 = arith.addi %scan3A_147, %scan3A_550 : i32
        %mul3A_552 = arith.constant 1 : i32
        %mul3A_553 = arith.muli %scan3A_551, %mul3A_552 : i32
        %add3A_554 = arith.constant 0 : i32
        %add3A_555 = arith.addi %add3A_554, %mul3A_553 : i32
        %get3A_556 = arith.constant 1 : i32
        %get3A_557 = arith.index_cast %get3A_556 : i32 to index
        %get3A_558 = arith.index_cast %add3A_555 : i32 to index
        %get3A_559 = arith.constant 0 : index
        %get3A_560 = tpu.vector_load %arg7[%get3A_557, %get3A_558, %get3A_559] {strides = array<i32>} : memref<2x200x64xf32, #tpu.memory_space<vmem>>, vector<1x1x16xf32>,
        %get3A_561 = vector.shape_cast %get3A_560 : vector<1x1x16xf32> to vector<16xf32>
        %swap3A_562 = arith.constant 1 : i32
        %swap3A_563 = arith.index_cast %swap3A_562 : i32 to index
        %swap3A_564 = arith.index_cast %add3A_555 : i32 to index
        %swap3A_565 = arith.constant 0 : index
        %swap3A_566 = tpu.vector_load %arg9[%swap3A_563, %swap3A_564, %swap3A_565] {strides = array<i32>} : memref<2x200x64xf32, #tpu.memory_space<vmem>>, vector<1x1x16xf32>,
        %swap3A_567 = vector.shape_cast %swap3A_566 : vector<1x1x16xf32> to vector<16xf32>
        %swap3A_568 = vector.shape_cast %get3A_561 : vector<16xf32> to vector<1x1x16xf32>
        tpu.vector_store %arg9[%swap3A_563, %swap3A_564, %swap3A_565], %swap3A_568 {add = true, strides = array<i32>} : memref<2x200x64xf32, #tpu.memory_space<vmem>>, vector<1x1x16xf32>,
        %get3A_569 = arith.constant 1 : i32
        %get3A_570 = arith.index_cast %get3A_569 : i32 to index
        %get3A_571 = arith.index_cast %add3A_555 : i32 to index
        %get3A_572 = arith.constant 16 : index
        %get3A_573 = tpu.vector_load %arg7[%get3A_570, %get3A_571, %get3A_572] {strides = array<i32>} : memref<2x200x64xf32, #tpu.memory_space<vmem>>, vector<1x1x16xf32>,
        %get3A_574 = vector.shape_cast %get3A_573 : vector<1x1x16xf32> to vector<16xf32>
        %swap3A_575 = arith.constant 1 : i32
        %swap3A_576 = arith.index_cast %swap3A_575 : i32 to index
        %swap3A_577 = arith.index_cast %add3A_555 : i32 to index
        %swap3A_578 = arith.constant 16 : index
        %swap3A_579 = tpu.vector_load %arg9[%swap3A_576, %swap3A_577, %swap3A_578] {strides = array<i32>} : memref<2x200x64xf32, #tpu.memory_space<vmem>>, vector<1x1x16xf32>,
        %swap3A_580 = vector.shape_cast %swap3A_579 : vector<1x1x16xf32> to vector<16xf32>
        %swap3A_581 = vector.shape_cast %get3A_574 : vector<16xf32> to vector<1x1x16xf32>
        tpu.vector_store %arg9[%swap3A_576, %swap3A_577, %swap3A_578], %swap3A_581 {add = true, strides = array<i32>} : memref<2x200x64xf32, #tpu.memory_space<vmem>>, vector<1x1x16xf32>,
        %get3A_582 = arith.constant 1 : i32
        %get3A_583 = arith.index_cast %get3A_582 : i32 to index
        %get3A_584 = arith.index_cast %add3A_555 : i32 to index
        %get3A_585 = arith.constant 32 : index
        %get3A_586 = tpu.vector_load %arg7[%get3A_583, %get3A_584, %get3A_585] {strides = array<i32>} : memref<2x200x64xf32, #tpu.memory_space<vmem>>, vector<1x1x16xf32>,
        %get3A_587 = vector.shape_cast %get3A_586 : vector<1x1x16xf32> to vector<16xf32>
        %swap3A_588 = arith.constant 1 : i32
        %swap3A_589 = arith.index_cast %swap3A_588 : i32 to index
        %swap3A_590 = arith.index_cast %add3A_555 : i32 to index
        %swap3A_591 = arith.constant 32 : index
        %swap3A_592 = tpu.vector_load %arg9[%swap3A_589, %swap3A_590, %swap3A_591] {strides = array<i32>} : memref<2x200x64xf32, #tpu.memory_space<vmem>>, vector<1x1x16xf32>,
        %swap3A_593 = vector.shape_cast %swap3A_592 : vector<1x1x16xf32> to vector<16xf32>
        %swap3A_594 = vector.shape_cast %get3A_587 : vector<16xf32> to vector<1x1x16xf32>
        tpu.vector_store %arg9[%swap3A_589, %swap3A_590, %swap3A_591], %swap3A_594 {add = true, strides = array<i32>} : memref<2x200x64xf32, #tpu.memory_space<vmem>>, vector<1x1x16xf32>,
        %get3A_595 = arith.constant 1 : i32
        %get3A_596 = arith.index_cast %get3A_595 : i32 to index
        %get3A_597 = arith.index_cast %add3A_555 : i32 to index
        %get3A_598 = arith.constant 48 : index
        %get3A_599 = tpu.vector_load %arg7[%get3A_596, %get3A_597, %get3A_598] {strides = array<i32>} : memref<2x200x64xf32, #tpu.memory_space<vmem>>, vector<1x1x16xf32>,
        %get3A_600 = vector.shape_cast %get3A_599 : vector<1x1x16xf32> to vector<16xf32>
        %swap3A_601 = arith.constant 1 : i32
        %swap3A_602 = arith.index_cast %swap3A_601 : i32 to index
        %swap3A_603 = arith.index_cast %add3A_555 : i32 to index
        %swap3A_604 = arith.constant 48 : index
        %swap3A_605 = tpu.vector_load %arg9[%swap3A_602, %swap3A_603, %swap3A_604] {strides = array<i32>} : memref<2x200x64xf32, #tpu.memory_space<vmem>>, vector<1x1x16xf32>,
        %swap3A_606 = vector.shape_cast %swap3A_605 : vector<1x1x16xf32> to vector<16xf32>
        %swap3A_607 = vector.shape_cast %get3A_600 : vector<16xf32> to vector<1x1x16xf32>
        tpu.vector_store %arg9[%swap3A_602, %swap3A_603, %swap3A_604], %swap3A_607 {add = true, strides = array<i32>} : memref<2x200x64xf32, #tpu.memory_space<vmem>>, vector<1x1x16xf32>,
      }
      %scan3A_143 = arith.constant 200 : i32
      %mul3A_144 = arith.constant 2 : i32
      %mul3A_145 = arith.muli %mul3A_144, %add3A_133 : i32
      %add3A_146 = arith.addi %mul3A_2, %mul3A_145 : i32
      "tpu.region"() ({
        %run_scoped3A_147 = tpu.sem_alloc : memref<!tpu.dma_semaphore, #tpu.memory_space<semaphore_mem>>
        %dma_start3A_148 = arith.constant 0 : i32
        %dma_start3A_149 = arith.constant 0 : i32
        %dma_start3A_150 = tpu.memref_slice %arg5[%add3A_146, %dma_start3A_148, %dma_start3A_149] : memref<4096x200x64xf32, #tpu.memory_space<hbm>> -> memref<2x200x64xf32, #tpu.memory_space<hbm>>
        %dma_start3A_151 = arith.constant 0 : i32
        %dma_start3A_152 = arith.constant 0 : i32
        %dma_start3A_153 = tpu.memref_slice %arg5[%add3A_146, %dma_start3A_151, %dma_start3A_152] : memref<4096x200x64xf32, #tpu.memory_space<hbm>> -> memref<2x200x64xf32, #tpu.memory_space<hbm>>
        tpu.enqueue_dma source(%arg9 : memref<2x200x64xf32, #tpu.memory_space<vmem>>) target(%dma_start3A_153 : memref<2x200x64xf32, #tpu.memory_space<hbm>>) target_semaphore(%run_scoped3A_147 : memref<!tpu.dma_semaphore, #tpu.memory_space<semaphore_mem>>)
        %dma_wait3A_154 = arith.constant 0 : i32
        %dma_wait3A_155 = arith.constant 0 : i32
        %dma_wait3A_156 = tpu.memref_slice %arg5[%add3A_146, %dma_wait3A_154, %dma_wait3A_155] : memref<4096x200x64xf32, #tpu.memory_space<hbm>> -> memref<2x200x64xf32, #tpu.memory_space<hbm>>
        %dma_wait3A_157 = arith.constant 0 : i32
        %dma_wait3A_158 = arith.constant 0 : i32
        %dma_wait3A_159 = tpu.memref_slice %arg5[%add3A_146, %dma_wait3A_157, %dma_wait3A_158] : memref<4096x200x64xf32, #tpu.memory_space<hbm>> -> memref<2x200x64xf32, #tpu.memory_space<hbm>>
        tpu.wait_dma2 semaphore(%run_scoped3A_147 : memref<!tpu.dma_semaphore, #tpu.memory_space<semaphore_mem>>) src(%arg9 : memref<2x200x64xf32, #tpu.memory_space<vmem>>) dst(%dma_wait3A_159 : memref<2x200x64xf32, #tpu.memory_space<hbm>>)
        tpu.yield
      }) : () -> ()
    }
    %scan3A_30 = arith.constant 32 : i32
    return
  }
}

</mosaic_0001>

<sc_bundles>
// kernel: kernel.3.cloned.1.call-start
scs
__scs_entry_jumppad:
0x0: {  	(pc) =	sbr.rel $0x88, $3  }
0x1: {  	(tag) =	ssettag $0x0;
	lr =	simm.s32 $0x1  }
0x2: {  	[smem:$0x3F9E] =	sst lr;
	_ =	strace $0xD0000000  }
0x3: {  	_ = 	snop  }
0x4: {  	_ = 	snop  }
0x5: {  	_ = 	snop  }
0x6: {  	_ = 	snop  }
0x7: {  	_ = 	snop  }
__scs_overlays_trampoline_lowered:
0x8: {  	[smem:$0x3FAD] =	sst s0  }
0x9: {  	[smem:$0x3FAE] =	sst s1  }
0xa: {  	[smem:$0x3FAF] =	sst s2  }
0xb: {  	[smem:$0x3FB0] =	sst s3  }
0xc: {  	[smem:$0x3FB1] =	sst s4  }
0xd: {  	[smem:$0x3FB2] =	sst s5  }
0xe: {  	[smem:$0x3FB3] =	sst s6  }
0xf: {  	[smem:$0x3FB4] =	sst s7  }
0x10: {  	[smem:$0x3FB5] =	sst s8  }
0x11: {  	[smem:$0x3FB6] =	sst s9;
	s0 =	simm.s32 @!p0 $0x0  }
0x12: {  	s1 =	sld [smem:$0x3F9C];
	s0 =	simm.s32 @p0 $0x1  }
0x13: {  	[smem:$0x3FB7] =	sst s0;
	s0 =	simm.s32 @!p1 $0x0  }
0x14: {  	s2 =	sld [smem:$0x3F9B];
	s0 =	simm.s32 @p1 $0x1  }
0x15: {  	[smem:$0x3FB8] =	sst s0;
	s0 =	simm.s32 @!p2 $0x0  }
0x16: {  	s3 =	sld [smem:$0x3FDB];
	s0 =	simm.s32 @p2 $0x1  }
0x17: {  	s4 =	simm.s32 $0x1BF5;
	[smem:$0x3FBA] =	sst s0  }
0x18: {  	s0 =	sld [smem:$0x3F9D];
	_ =	swait.ge [sflag:s4], $0x0  }
0x19: {  	s7 =	sld [smem:$0x3F9E]  }
0x1a: {  	s8 =	sadd.s32 $0xFFFFE003, lr  }
0x1b: {  	s9 =	sadd.s32 $0xFFFFFEF7, lr;
	s5 =	simm.s32 $0xFFFFFFFF;
	p2 =	slt.u32 s8, $0xFFFFF086  }
0x1c: {  	p1 =	slt.u32 s9, $0xF7A;
	s5 =	simm.s32 @!p2 $0x0  }
0x1d: {  	s5 =	simm.s32 @p1 $0x1;
	p0 =	seq.s32 s7, s2  }
0x1e: {  	s7 =	smul.u32 @!p0 $0xF7A, s2;
	p2 =	seq.s32 @!p0 s5, $0x0  }
0x1f: {  	s9 =	smul.u32 $0xF7A, s1;
	s8 =	simm.s32 @!p0 $0x1BF5;
	p2 =	por !p2, p0  }
0x20: {  	[sflag:s8] =	ssyncset.s32 @!p0 $0xFFFFF086;
	s6 =	sadd.s32 @!p0 s3, s7;
	s7 =	simm.s32 @!p0 $0x108  }
0x21: {  	s3 =	sadd.s32 s3, s9;
	s6 =	sadd.s32 @!p0 $0x88, s6;
	s7 =	simm.s32 @p2 $0x1082  }
0x22: {  	[simem:s7], [sflag:s8] =	dma.local @!p0 [hbm:s6], $0xF7A  }
0x23: {  	s9 =	sor.u32 $0xD0000000, s2;
	s6 =	simm.s32 $0x108;
	_ =	swait.ge @!p0 [sflag:s8], $0x0  }
0x24: {  	s3 =	sadd.s32 $0x88, s3;
	s6 =	simm.s32 @!p1 $0x1082;
	[sflag:s4] =	ssyncset.s32 $0xFFFFF086  }
0x25: {  	[simem:s6], [sflag:s4] =	dma.local [hbm:s3], $0xF7A  }
0x26: {  	[smem:$0x3F9E] =	sst s1;
	(tag) =	ssettag s2;
	_ =	strace s9  }
0x27: {  	s1 =	sld [smem:$0x3FAE]  }
0x28: {  	s2 =	sld [smem:$0x3FAF]  }
0x29: {  	s4 =	sld [smem:$0x3FB1]  }
0x2a: {  	p0 =	seq.s32 s5, $0x0;
	s5 =	sld [smem:$0x3FB2]  }
0x2b: {  	s6 =	sld [smem:$0x3FB3]  }
0x2c: {  	s7 =	sld [smem:$0x3FB4]  }
0x2d: {  	s3 =	simm.s32 $0x108;
	s8 =	sld [smem:$0x3FB5]  }
0x2e: {  	s3 =	simm.s32 @!p0 $0x1082;
	s9 =	sld [smem:$0x3FB6]  }
0x2f: {  	lr =	sadd.s32 s0, s3;
	s0 =	sld [smem:$0x3FAD]  }
0x30: {  	s3 =	sld [smem:$0x3FB0]  }
0x31: {  	[smem:$0x3FB9] =	sst s10  }
0x32: {  	s10 =	sld [smem:$0x3FB7];
	_ =	sdelay $0x3  }
0x33: {  	p0 =	seq.s32 s10, $0x1;
	s10 =	sld [smem:$0x3FB9];
	_ =	sdelay $0x3  }
0x34: {  	[smem:$0x3FB9] =	sst s10  }
0x35: {  	s10 =	sld [smem:$0x3FB8];
	_ =	sdelay $0x3  }
0x36: {  	p1 =	seq.s32 s10, $0x1;
	s10 =	sld [smem:$0x3FB9];
	_ =	sdelay $0x3  }
0x37: {  	[smem:$0x3FB9] =	sst s10  }
0x38: {  	s10 =	sld [smem:$0x3FBA]  }
0x39: {  	_ = 	snop;
	(pc) =	sbr.ind lr, $3  }
0x3a: {  	_ = 	snop  }
0x3b: {  	_ = 	snop  }
0x3c: {  	p2 =	seq.s32 s10, $0x1;
	s10 =	sld [smem:$0x3FB9]  }
0x3d: {  	_ =	shalt  }
0x3e: {  	_ =	shalt  }
0x3f: {  	_ =	shalt  }
0x40: {  	_ =	shalt  }
0x41: {  	_ =	shalt  }
0x42: {  	_ =	shalt  }
0x43: {  	_ =	shalt  }
0x44: {  	_ =	shalt  }
0x45: {  	_ =	shalt  }
0x46: {  	_ =	shalt  }
0x47: {  	_ =	shalt  }
0x48: {  	_ =	shalt  }
0x49: {  	_ =	shalt  }
0x4a: {  	_ =	shalt  }
0x4b: {  	_ =	shalt  }
0x4c: {  	_ =	shalt  }
0x4d: {  	_ =	shalt  }
0x4e: {  	_ =	shalt  }
0x4f: {  	_ =	shalt  }
0x50: {  	_ =	shalt  }
0x51: {  	_ =	shalt  }
0x52: {  	_ =	shalt  }
0x53: {  	_ =	shalt  }
0x54: {  	_ =	shalt  }
0x55: {  	_ =	shalt  }
0x56: {  	_ =	shalt  }
0x57: {  	_ =	shalt  }
0x58: {  	_ =	shalt  }
0x59: {  	_ =	shalt  }
0x5a: {  	_ =	shalt  }
0x5b: {  	_ =	shalt  }
0x5c: {  	_ =	shalt  }
0x5d: {  	_ =	shalt  }
0x5e: {  	_ =	shalt  }
0x5f: {  	_ =	shalt  }
0x60: {  	_ =	shalt  }
0x61: {  	_ =	shalt  }
0x62: {  	_ =	shalt  }
0x63: {  	_ =	shalt  }
0x64: {  	_ =	shalt  }
0x65: {  	_ =	shalt  }
0x66: {  	_ =	shalt  }
0x67: {  	_ =	shalt  }
0x68: {  	_ =	shalt  }
0x69: {  	_ =	shalt  }
0x6a: {  	_ =	shalt  }
0x6b: {  	_ =	shalt  }
0x6c: {  	_ =	shalt  }
0x6d: {  	_ =	shalt  }
0x6e: {  	_ =	shalt  }
0x6f: {  	_ =	shalt  }
0x70: {  	_ =	shalt  }
0x71: {  	_ =	shalt  }
0x72: {  	_ =	shalt  }
0x73: {  	_ =	shalt  }
0x74: {  	_ =	shalt  }
0x75: {  	_ =	shalt  }
0x76: {  	_ =	shalt  }
0x77: {  	_ =	shalt  }
0x78: {  	_ =	shalt  }
0x79: {  	_ =	shalt  }
0x7a: {  	_ =	shalt  }
0x7b: {  	_ =	shalt  }
0x7c: {  	_ =	shalt  }
0x7d: {  	_ =	shalt  }
0x7e: {  	_ =	shalt  }
0x7f: {  	_ =	shalt  }
0x80: {  	_ =	shalt  }
0x81: {  	_ =	shalt  }
0x82: {  	_ =	shalt  }
0x83: {  	_ =	shalt  }
0x84: {  	_ =	shalt  }
0x85: {  	_ =	shalt  }
0x86: {  	_ =	shalt  }
0x87: {  	_ =	shalt  }
.Lfunc_end0:
.L_simem_size_0:
called_computation.1_lowered:
.L_overlay_start_0:
0x88: {  	s2 =	sld [smem:$0x3FD9]  }
0x89: {  	s3 =	sld [smem:$0x3FFE];
	_ =	sdelay $0x1  }
0x8a: {  	s1 =	srdreg.scid  }
0x8b: {  	s0 =	sand.u32 $0x1, s1  }
0x8c: {  	s17 =	sshll.u32 s0, $0xA;
	s2 =	sadd.s32 s3, s2  }
0x8d: {  	s2 =	sadd.s32 s2, s17  }
0x8e: {  	[smem:$0x3FC5] =	sst s2  }
0x8f: {  	_ = 	snop  }
0x90: {  	s2 =	sld [smem:$0x3FD0];
	(tm) =	ssettm $0x1  }
0x91: {  	s18 =	sld [smem:$0x3FFB];
	_ =	sdelay $0x3  }
0x92: {  	_ =	strace s18  }
0x93: {  	s3 =	sld [smem:$0x3FFC];
	_ =	sdelay $0x3  }
0x94: {  	_ =	strace s3  }
0x95: {  	s3 =	sld [smem:$0x3FFD];
	_ =	sdelay $0x3  }
0x96: {  	_ =	strace s3  }
0x97: {  	_ =	strace $0x8FFFFFFF  }
0x98: {  	s19 =	sld [smem:$0x3FDB];
	_ =	sdelay $0x1  }
0x99: {  	s4 =	simm.s32 $_scs_section_size  }
0x9a: {  	s5 =	simm.s32 $_size__tile_overlayer_lowered;
	s6 =	simm.s32 $_tile_overlayer_lowered  }
0x9b: {  	s22 =	simm.s32 $0x1BFF;
	s21 =	sshll.u32 s6, $0x1;
	s3 =	sadd.s32 s4, s19  }
0x9c: {  	s7 =	simm.s32 $0x0;
	s20 =	sshll.u32 s5, $0x1;
	s5 =	sadd.s32 s21, s3  }
0x9d: {  	[timem:s7], [sflag:s22] =	dma.local [hbm:s5], s20  }
0x9e: {  	_ =	swait.ge [sflag:s22], s20  }
0x9f: {  	s4 =	ssub.s32 $0x0, s20;
	[sflag:s22] =	ssyncset.done $0x0  }
0xa0: {  	[sflag:s22] =	ssyncadd.s32 s4;
	_ =	sdelay $0x1  }
0xa1: {  	s23 =	simm.s32 $0x1B8B  }
0xa2: {  	_ =	swait.ge [sflag:s23], $0x1  }
0xa3: {  	[sflag:s23] =	ssyncset.done $0x0  }
0xa4: {  	s25 =	simm.s32 $0x1B8E;
	s24 =	sld [smem:$0x3FFE];
	[sflag:s23] =	ssyncadd.s32 $0xFFFFFFFF  }
0xa5: {  	s26 =	simm.s32 $execute0_lowered;
	[smem:$0x3FD2] =	sst s25  }
0xa6: {  	s5 =	sshll.u32 s26, $0x1;
	_ =	strace $0x80000046;
	[dreg:$0x1] =	wrdreg $0xFFFFFFFF  }
0xa7: {  	s28 =	simm.s32 $_size_execute0_lowered;
	s3 =	sadd.s32 s3, s5;
	[dreg:$0x0] =	wrdreg $0x0  }
0xa8: {  	s5 =	sshll.u32 s28, $0x1;
	[dreg:$0x2] =	wrdreg s3  }
0xa9: {  	[dreg:$0x3] =	wrdreg s5  }
0xaa: {  	[dreg:$0x4] =	wrdreg $0xC0  }
0xab: {  	_ =	task [dreg:s7], $0x5FFFF  }
0xac: {  	[dreg:$0x1] =	wrdreg $0xFFFFFFFF  }
0xad: {  	[dreg:$0x0] =	wrdreg $0x60  }
0xae: {  	[dreg:$0x2] =	wrdreg s24  }
0xaf: {  	[dreg:$0x3] =	wrdreg s2  }
0xb0: {  	[dreg:$0x4] =	wrdreg $0x9  }
0xb1: {  	_ =	task.clear_ibuf [dreg:s7], $0x5FFFF;
	_ =	strace $0x90000046  }
0xb2: {  	s29 =	simm.s32 $0x9;
	_ =	strace $0x80000048  }
0xb3: {  	_ =	swait.ge [sflag:s29], $0x1  }
0xb4: {  	[sflag:s29] =	ssyncadd.s32 $0xFFFFFFFF  }
0xb5: {  	_ =	strace $0x90000048  }
0xb6: {  	_ =	sfence  }
0xb7: {  	s30 =	sld [smem:$0x0];
	_ =	sdelay $0x2  }
0xb8: {  	s31 =	sshll.u32 s1, $0xD;
	s1 =	sshrl.u32 s1, $0x2  }
0xb9: {  	s3 =	sand.u32 $0x4000, s31;
	s1 =	sadd.s32 s1, s30  }
0xba: {  	s0 =	sor.u32 s3, s0;
	s1 =	sshll.u32 s1, $0x11  }
0xbb: {  	s0 =	sor.u32 s1, s0  }
0xbc: {  	s0 =	sadd.s32 $0x8F2B, s0  }
0xbd: {  	[sflag:s0] =	ssyncadd.remote.s32 $0x1  }
0xbe: {  	_ =	sfence.sel $0xFFFF  }
0xbf: {  	[dreg:$0x0] =	wrdreg $0xFFFFFFFF;
	(pc) =	sbr.abs _section_cstart, $3  }
0xc0: {  	[dreg:$0x1] =	wrdreg $0xFFFFFFFF  }
0xc1: {  	_ =	task.clear_ibuf [dreg:s7], $0x2FFFF;
	_ =	strace $0x9FFFFFFF  }
0xc2: {  	(tm) =	ssettm $0x7FFFFFFF  }
0xc3: {  	_ =	shalt  }
tec
execute0_lowered:
.L_overlay_start_1:
0x0: {  	(tag) =	ssettag $0x1  }
0x1: {  	s1 =	srdreg.scid;
	s6 =	rddreg [dreg:$0x0]  }
0x2: {  	s0 =	stileid.u32;
	s2 =	rddreg [dreg:$0x1];
	s3 =	simm.s32 $0x0  }
0x3: {  	s10 =	simm.s32 $0x6400;
	s11 =	simm.s32 $0x9600;
	s12 =	simm.s32 $0xC8  }
0x4: {  	s13 =	simm.s32 $0xC800;
	s14 =	simm.s32 $0xFA00;
	s15 =	simm.s32 $0x1  }
0x5: {  	s16 =	simm.s32 $0x12C00;
	s17 =	simm.s32 $0x15E00;
	s5 =	sand.u32 $0x1, s1  }
0x6: {  	s18 =	simm.s32 $0x2;
	s4 =	sshll.u32 s0, $0x8;
	s7 =	sshll.u32 s5, $0x7  }
0x7: {  	s19 =	simm.s32 $0x0;
	s1 =	rddreg [dreg:$0x2];
	s4 =	sor.u32 s7, s4  }
0x8: {  	[smem:$0x7FF] =	sst s3;
	s8 =	ssub.s32 $0x2, s5;
	s7 =	smul.u32 $0x19, s4  }
0x9: {  	_ =	strace $0x80000047;
	s5 =	sadd.s32 $0xF43000, s6;
	s9 =	sshrl.u32 s8, $0x1  }
0xa: {  	s8 =	ssub.s32 s8, s9;
	s9 =	simm.s32 $0x3;
	s7 =	sadd.s32 s7, s6  }
0xb: {  	s8 =	smax.u32 s8, $0x1;
	s6 =	sadd.s32 $0x19C00, s6;
	s7 =	sadd.s32 $0xC00, s7  }
.LBB2_1:
0xc: {  	[tilespmem:s3], [sflag:$0x3] =	stream.linear.gather [hbm4b:s7+s3], $0x6400, $0x38;
	[tilespmem:$0x19000] =	vst v63  }
0xd: {  	_ =	swait.ge [sflag:s9], $0x6400  }
0xe: {  	[sflag:s9] =	ssyncset.done $0x0  }
0xf: {  	[sflag:s9] =	ssyncadd.s32 $0xFFFF9C00  }
0x10: {  	[tilespmem:s10], [sflag:$0x3] =	stream.linear.gather [hbm4b:s6+s3], $0x3200, $0x38;
	[tilespmem:$0x19000] =	vst v63  }
0x11: {  	_ =	swait.ge [sflag:s9], $0x3200  }
0x12: {  	[sflag:s9] =	ssyncset.done $0x0  }
0x13: {  	[sflag:s9] =	ssyncadd.s32 $0xFFFFCE00  }
0x14: {  	[tilespmem:s11], [sflag:$0x3] =	stream.linear.gather [hbm4b:s6+s3], $0x3200, $0x38;
	[tilespmem:$0x19000] =	vst v63  }
0x15: {  	_ =	swait.ge [sflag:s9], $0x3200  }
0x16: {  	[sflag:s9] =	ssyncset.done $0x0  }
0x17: {  	[sflag:s9] =	ssyncadd.s32 $0xFFFFCE00  }
0x18: {  	[tilespmem:s13], [sflag:$0x1] =	stream.indirect.gather [hbm4b:s5+s12], $0x40, s3, s12, $0xb8;
	[tilespmem:$0x19000] =	vst v63  }
0x19: {  	s20 =	simm.s32 $0x0  }
0x1a: {  	[tilespmem:s14], [sflag:$0x1] =	stream.indirect.gather [hbm4b:s5+s12], $0x40, s12, s12, $0xb8;
	[tilespmem:$0x19000] =	vst v63  }
.LBB2_2:
0x1b: {  	_ =	swait.ge [sflag:s15], $0x3200  }
0x1c: {  	s23 =	sshll.u32 s20, $0x2;
	[sflag:s15] =	ssyncset.done $0x0  }
0x1d: {  	s21 =	sor.u32 $0x2, s23;
	[sflag:s15] =	ssyncadd.s32 $0xFFFFCE00  }
0x1e: {  	s22 =	smul.u32 $0x320, s21;
	_ =	swait.ge [sflag:s15], $0x3200  }
0x1f: {  	[sflag:s15] =	ssyncset.done $0x0  }
0x20: {  	s24 =	smul.u32 $0xC80, s20;
	s22 =	sshra.s32 s22, $0x2;
	[sflag:s15] =	ssyncadd.s32 $0xFFFFCE00  }
0x21: {  	[tilespmem:s16], [sflag:$0x2] =	stream.indirect.gather [hbm4b:s5+s12], $0x40, s22, s12, $0xb8;
	[tilespmem:$0x19000] =	vst v63  }
0x22: {  	s22 =	sshra.s32 s24, $0x2  }
0x23: {  	s24 =	sadd.s32 $0x258, s22  }
0x24: {  	[tilespmem:s17], [sflag:$0x2] =	stream.indirect.gather [hbm4b:s5+s12], $0x40, s24, s12, $0xb8;
	[tilespmem:$0x19000] =	vst v63  }
0x25: {  	s24 =	simm.s32 $0x0  }
0x26: {  	v0 =	vld [tilespmem:s24+$0x65F0]  }
0x27: {  	v1 =	vld [tilespmem:s24+$0x6400]  }
0x28: {  	v2 =	vld [tilespmem:s24+$0x6410]  }
0x29: {  	v3 =	vld [tilespmem:s24+$0x6420]  }
0x2a: {  	v4 =	vld [tilespmem:s24+$0x6430]  }
0x2b: {  	v5 =	vld [tilespmem:s24+$0x6440]  }
0x2c: {  	v6 =	vld [tilespmem:s24+$0x6450]  }
0x2d: {  	v7 =	vld [tilespmem:s24+$0x6460]  }
0x2e: {  	v8 =	vld [tilespmem:s24+$0x6470]  }
0x2f: {  	v9 =	vld [tilespmem:s24+$0x6480]  }
0x30: {  	v10 =	vld [tilespmem:s24+$0x6490]  }
0x31: {  	v11 =	vld [tilespmem:s24+$0x64A0]  }
0x32: {  	v12 =	vld [tilespmem:s24+$0x64B0]  }
0x33: {  	v13 =	vld [tilespmem:s24+$0x64C0]  }
0x34: {  	v14 =	vld [tilespmem:s24+$0x64D0]  }
0x35: {  	v15 =	vld [tilespmem:s24+$0x64E0]  }
0x36: {  	v16 =	vld [tilespmem:s24+$0x64F0]  }
0x37: {  	v17 =	vld [tilespmem:s24+$0x6500]  }
0x38: {  	v18 =	vld [tilespmem:s24+$0x6510]  }
0x39: {  	v19 =	vld [tilespmem:s24+$0x6520]  }
0x3a: {  	v20 =	vld [tilespmem:s24+$0x6530]  }
0x3b: {  	v21 =	vld [tilespmem:s24+$0x6540]  }
0x3c: {  	v22 =	vld [tilespmem:s24+$0x6550]  }
0x3d: {  	v23 =	vld [tilespmem:s24+$0x6560]  }
0x3e: {  	v24 =	vld [tilespmem:s24+$0x6570]  }
0x3f: {  	v25 =	vld [tilespmem:s24+$0x6580]  }
0x40: {  	v26 =	vld [tilespmem:s24+$0x6590]  }
0x41: {  	v27 =	vld [tilespmem:s24+$0x65A0]  }
0x42: {  	v28 =	vld [tilespmem:s24+$0x65B0]  }
0x43: {  	v29 =	vld [tilespmem:s24+$0x65C0]  }
0x44: {  	v30 =	vld [tilespmem:s24+$0x65D0]  }
0x45: {  	[tilespmem:s24+$0xC9F0] =	vst.add.f32.msk $0xffff, v0  }
0x46: {  	v0 =	vld [tilespmem:s24+$0x65E0]  }
0x47: {  	[tilespmem:s24+$0xC800] =	vst.add.f32.msk $0xffff, v1  }
0x48: {  	[tilespmem:s24+$0xC810] =	vst.add.f32.msk $0xffff, v2  }
0x49: {  	[tilespmem:s24+$0xC820] =	vst.add.f32.msk $0xffff, v3  }
0x4a: {  	[tilespmem:s24+$0xC830] =	vst.add.f32.msk $0xffff, v4  }
0x4b: {  	[tilespmem:s24+$0xC840] =	vst.add.f32.msk $0xffff, v5  }
0x4c: {  	[tilespmem:s24+$0xC850] =	vst.add.f32.msk $0xffff, v6  }
0x4d: {  	[tilespmem:s24+$0xC860] =	vst.add.f32.msk $0xffff, v7  }
0x4e: {  	[tilespmem:s24+$0xC870] =	vst.add.f32.msk $0xffff, v8  }
0x4f: {  	[tilespmem:s24+$0xC880] =	vst.add.f32.msk $0xffff, v9  }
0x50: {  	[tilespmem:s24+$0xC890] =	vst.add.f32.msk $0xffff, v10  }
0x51: {  	[tilespmem:s24+$0xC8A0] =	vst.add.f32.msk $0xffff, v11  }
0x52: {  	[tilespmem:s24+$0xC8B0] =	vst.add.f32.msk $0xffff, v12  }
0x53: {  	[tilespmem:s24+$0xC8C0] =	vst.add.f32.msk $0xffff, v13  }
0x54: {  	[tilespmem:s24+$0xC8D0] =	vst.add.f32.msk $0xffff, v14  }
0x55: {  	[tilespmem:s24+$0xC8E0] =	vst.add.f32.msk $0xffff, v15  }
0x56: {  	[tilespmem:s24+$0xC8F0] =	vst.add.f32.msk $0xffff, v16  }
0x57: {  	[tilespmem:s24+$0xC900] =	vst.add.f32.msk $0xffff, v17  }
0x58: {  	[tilespmem:s24+$0xC910] =	vst.add.f32.msk $0xffff, v18  }
0x59: {  	[tilespmem:s24+$0xC920] =	vst.add.f32.msk $0xffff, v19  }
0x5a: {  	[tilespmem:s24+$0xC930] =	vst.add.f32.msk $0xffff, v20  }
0x5b: {  	[tilespmem:s24+$0xC940] =	vst.add.f32.msk $0xffff, v21  }
0x5c: {  	[tilespmem:s24+$0xC950] =	vst.add.f32.msk $0xffff, v22  }
0x5d: {  	[tilespmem:s24+$0xC960] =	vst.add.f32.msk $0xffff, v23  }
0x5e: {  	[tilespmem:s24+$0xC970] =	vst.add.f32.msk $0xffff, v24  }
0x5f: {  	[tilespmem:s24+$0xC980] =	vst.add.f32.msk $0xffff, v25  }
0x60: {  	[tilespmem:s24+$0xC990] =	vst.add.f32.msk $0xffff, v26  }
0x61: {  	[tilespmem:s24+$0xC9A0] =	vst.add.f32.msk $0xffff, v27  }
0x62: {  	[tilespmem:s24+$0xC9B0] =	vst.add.f32.msk $0xffff, v28  }
0x63: {  	[tilespmem:s24+$0xC9C0] =	vst.add.f32.msk $0xffff, v29  }
0x64: {  	s25 =	simm.s32 $0x0;
	s26 =	simm.s32 $0x800;
	[tilespmem:s24+$0xC9D0] =	vst.add.f32.msk $0xffff, v30  }
.LBB2_3:
0x65: {  	s25 =	sadd.s32 $0x8, s25;
	[tilespmem:s24+$0xC9E0] =	vst.add.f32.msk $0xffff, v0;
	s24 =	sshra.s32 s26, $0x2  }
0x66: {  	v0 =	vld [tilespmem:s24+$0x65F0];
	p0 =	slt.u32 s25, $0xC0  }
0x67: {  	v1 =	vld [tilespmem:s24+$0x6400]  }
0x68: {  	v2 =	vld [tilespmem:s24+$0x6410]  }
0x69: {  	v3 =	vld [tilespmem:s24+$0x6420]  }
0x6a: {  	v4 =	vld [tilespmem:s24+$0x6430]  }
0x6b: {  	[tilespmem:s24+$0xC9F0] =	vst.add.f32.msk $0xffff, v0  }
0x6c: {  	v5 =	vld [tilespmem:s24+$0x6440]  }
0x6d: {  	v6 =	vld [tilespmem:s24+$0x6450]  }
0x6e: {  	v7 =	vld [tilespmem:s24+$0x6460]  }
0x6f: {  	v8 =	vld [tilespmem:s24+$0x6470]  }
0x70: {  	v9 =	vld [tilespmem:s24+$0x6480]  }
0x71: {  	v10 =	vld [tilespmem:s24+$0x6490]  }
0x72: {  	v11 =	vld [tilespmem:s24+$0x64A0]  }
0x73: {  	v12 =	vld [tilespmem:s24+$0x64B0]  }
0x74: {  	v13 =	vld [tilespmem:s24+$0x64C0]  }
0x75: {  	v14 =	vld [tilespmem:s24+$0x64D0]  }
0x76: {  	v15 =	vld [tilespmem:s24+$0x64E0]  }
0x77: {  	v16 =	vld [tilespmem:s24+$0x64F0]  }
0x78: {  	v17 =	vld [tilespmem:s24+$0x6500]  }
0x79: {  	v18 =	vld [tilespmem:s24+$0x6510]  }
0x7a: {  	v19 =	vld [tilespmem:s24+$0x6520]  }
0x7b: {  	v20 =	vld [tilespmem:s24+$0x6530]  }
0x7c: {  	v21 =	vld [tilespmem:s24+$0x6540]  }
0x7d: {  	v22 =	vld [tilespmem:s24+$0x6550]  }
0x7e: {  	v23 =	vld [tilespmem:s24+$0x6560]  }
0x7f: {  	v24 =	vld [tilespmem:s24+$0x6570]  }
0x80: {  	v25 =	vld [tilespmem:s24+$0x6580]  }
0x81: {  	v26 =	vld [tilespmem:s24+$0x6590]  }
0x82: {  	v27 =	vld [tilespmem:s24+$0x65A0]  }
0x83: {  	v28 =	vld [tilespmem:s24+$0x65B0]  }
0x84: {  	v29 =	vld [tilespmem:s24+$0x65C0]  }
0x85: {  	v30 =	vld [tilespmem:s24+$0x65D0]  }
0x86: {  	v0 =	vld [tilespmem:s24+$0x65E0]  }
0x87: {  	[tilespmem:s24+$0xC800] =	vst.add.f32.msk $0xffff, v1  }
0x88: {  	[tilespmem:s24+$0xC810] =	vst.add.f32.msk $0xffff, v2  }
0x89: {  	[tilespmem:s24+$0xC820] =	vst.add.f32.msk $0xffff, v3  }
0x8a: {  	[tilespmem:s24+$0xC830] =	vst.add.f32.msk $0xffff, v4  }
0x8b: {  	[tilespmem:s24+$0xC840] =	vst.add.f32.msk $0xffff, v5  }
0x8c: {  	[tilespmem:s24+$0xC850] =	vst.add.f32.msk $0xffff, v6  }
0x8d: {  	[tilespmem:s24+$0xC860] =	vst.add.f32.msk $0xffff, v7  }
0x8e: {  	[tilespmem:s24+$0xC870] =	vst.add.f32.msk $0xffff, v8  }
0x8f: {  	[tilespmem:s24+$0xC880] =	vst.add.f32.msk $0xffff, v9  }
0x90: {  	[tilespmem:s24+$0xC890] =	vst.add.f32.msk $0xffff, v10  }
0x91: {  	[tilespmem:s24+$0xC8A0] =	vst.add.f32.msk $0xffff, v11  }
0x92: {  	[tilespmem:s24+$0xC8B0] =	vst.add.f32.msk $0xffff, v12  }
0x93: {  	[tilespmem:s24+$0xC8C0] =	vst.add.f32.msk $0xffff, v13  }
0x94: {  	[tilespmem:s24+$0xC8D0] =	vst.add.f32.msk $0xffff, v14  }
0x95: {  	[tilespmem:s24+$0xC8E0] =	vst.add.f32.msk $0xffff, v15  }
0x96: {  	[tilespmem:s24+$0xC8F0] =	vst.add.f32.msk $0xffff, v16  }
0x97: {  	[tilespmem:s24+$0xC900] =	vst.add.f32.msk $0xffff, v17  }
0x98: {  	[tilespmem:s24+$0xC910] =	vst.add.f32.msk $0xffff, v18  }
0x99: {  	[tilespmem:s24+$0xC920] =	vst.add.f32.msk $0xffff, v19  }
0x9a: {  	[tilespmem:s24+$0xC930] =	vst.add.f32.msk $0xffff, v20  }
0x9b: {  	[tilespmem:s24+$0xC940] =	vst.add.f32.msk $0xffff, v21  }
0x9c: {  	[tilespmem:s24+$0xC950] =	vst.add.f32.msk $0xffff, v22  }
0x9d: {  	[tilespmem:s24+$0xC960] =	vst.add.f32.msk $0xffff, v23  }
0x9e: {  	[tilespmem:s24+$0xC970] =	vst.add.f32.msk $0xffff, v24  }
0x9f: {  	[tilespmem:s24+$0xC980] =	vst.add.f32.msk $0xffff, v25  }
.Ltmp0:
0xa0: {  	[tilespmem:s24+$0xC990] =	vst.add.f32.msk $0xffff, v26;
	(pc) =	sbr.rel @p0 .LBB2_3-.Ltmp0, $4  }
0xa1: {  	[tilespmem:s24+$0xC9A0] =	vst.add.f32.msk $0xffff, v27  }
0xa2: {  	[tilespmem:s24+$0xC9B0] =	vst.add.f32.msk $0xffff, v28  }
0xa3: {  	[tilespmem:s24+$0xC9C0] =	vst.add.f32.msk $0xffff, v29  }
0xa4: {  	s26 =	sadd.s32 $0x800, s26;
	[tilespmem:s24+$0xC9D0] =	vst.add.f32.msk $0xffff, v30  }
0xa5: {  	[tilespmem:s24+$0xC9E0] =	vst.add.f32.msk $0xffff, v0;
	s24 =	simm.s32 $0x0  }
0xa6: {  	v0 =	vld [tilespmem:s24+$0x97F0]  }
0xa7: {  	v1 =	vld [tilespmem:s24+$0x9600]  }
0xa8: {  	v2 =	vld [tilespmem:s24+$0x9610]  }
0xa9: {  	v3 =	vld [tilespmem:s24+$0x9620]  }
0xaa: {  	v4 =	vld [tilespmem:s24+$0x9630]  }
0xab: {  	v5 =	vld [tilespmem:s24+$0x9640]  }
0xac: {  	v6 =	vld [tilespmem:s24+$0x9650]  }
0xad: {  	v7 =	vld [tilespmem:s24+$0x9660]  }
0xae: {  	v8 =	vld [tilespmem:s24+$0x9670]  }
0xaf: {  	v9 =	vld [tilespmem:s24+$0x9680]  }
0xb0: {  	v10 =	vld [tilespmem:s24+$0x9690]  }
0xb1: {  	v11 =	vld [tilespmem:s24+$0x96A0]  }
0xb2: {  	v12 =	vld [tilespmem:s24+$0x96B0]  }
0xb3: {  	v13 =	vld [tilespmem:s24+$0x96C0]  }
0xb4: {  	v14 =	vld [tilespmem:s24+$0x96D0]  }
0xb5: {  	v15 =	vld [tilespmem:s24+$0x96E0]  }
0xb6: {  	v16 =	vld [tilespmem:s24+$0x96F0]  }
0xb7: {  	v17 =	vld [tilespmem:s24+$0x9700]  }
0xb8: {  	v18 =	vld [tilespmem:s24+$0x9710]  }
0xb9: {  	v19 =	vld [tilespmem:s24+$0x9720]  }
0xba: {  	v20 =	vld [tilespmem:s24+$0x9730]  }
0xbb: {  	v21 =	vld [tilespmem:s24+$0x9740]  }
0xbc: {  	v22 =	vld [tilespmem:s24+$0x9750]  }
0xbd: {  	v23 =	vld [tilespmem:s24+$0x9760]  }
0xbe: {  	v24 =	vld [tilespmem:s24+$0x9770]  }
0xbf: {  	v25 =	vld [tilespmem:s24+$0x9780]  }
0xc0: {  	v26 =	vld [tilespmem:s24+$0x9790]  }
0xc1: {  	v27 =	vld [tilespmem:s24+$0x97A0]  }
0xc2: {  	v28 =	vld [tilespmem:s24+$0x97B0]  }
0xc3: {  	v29 =	vld [tilespmem:s24+$0x97C0]  }
0xc4: {  	v30 =	vld [tilespmem:s24+$0x97D0]  }
0xc5: {  	[tilespmem:s24+$0xFBF0] =	vst.add.f32.msk $0xffff, v0  }
0xc6: {  	v0 =	vld [tilespmem:s24+$0x97E0]  }
0xc7: {  	[tilespmem:s24+$0xFA00] =	vst.add.f32.msk $0xffff, v1  }
0xc8: {  	[tilespmem:s24+$0xFA10] =	vst.add.f32.msk $0xffff, v2  }
0xc9: {  	[tilespmem:s24+$0xFA20] =	vst.add.f32.msk $0xffff, v3  }
0xca: {  	[tilespmem:s24+$0xFA30] =	vst.add.f32.msk $0xffff, v4  }
0xcb: {  	[tilespmem:s24+$0xFA40] =	vst.add.f32.msk $0xffff, v5  }
0xcc: {  	[tilespmem:s24+$0xFA50] =	vst.add.f32.msk $0xffff, v6  }
0xcd: {  	[tilespmem:s24+$0xFA60] =	vst.add.f32.msk $0xffff, v7  }
0xce: {  	[tilespmem:s24+$0xFA70] =	vst.add.f32.msk $0xffff, v8  }
0xcf: {  	[tilespmem:s24+$0xFA80] =	vst.add.f32.msk $0xffff, v9  }
0xd0: {  	[tilespmem:s24+$0xFA90] =	vst.add.f32.msk $0xffff, v10  }
0xd1: {  	[tilespmem:s24+$0xFAA0] =	vst.add.f32.msk $0xffff, v11  }
0xd2: {  	[tilespmem:s24+$0xFAB0] =	vst.add.f32.msk $0xffff, v12  }
0xd3: {  	[tilespmem:s24+$0xFAC0] =	vst.add.f32.msk $0xffff, v13  }
0xd4: {  	[tilespmem:s24+$0xFAD0] =	vst.add.f32.msk $0xffff, v14  }
0xd5: {  	[tilespmem:s24+$0xFAE0] =	vst.add.f32.msk $0xffff, v15  }
0xd6: {  	[tilespmem:s24+$0xFAF0] =	vst.add.f32.msk $0xffff, v16  }
0xd7: {  	[tilespmem:s24+$0xFB00] =	vst.add.f32.msk $0xffff, v17  }
0xd8: {  	[tilespmem:s24+$0xFB10] =	vst.add.f32.msk $0xffff, v18  }
0xd9: {  	[tilespmem:s24+$0xFB20] =	vst.add.f32.msk $0xffff, v19  }
0xda: {  	[tilespmem:s24+$0xFB30] =	vst.add.f32.msk $0xffff, v20  }
0xdb: {  	[tilespmem:s24+$0xFB40] =	vst.add.f32.msk $0xffff, v21  }
0xdc: {  	[tilespmem:s24+$0xFB50] =	vst.add.f32.msk $0xffff, v22  }
0xdd: {  	[tilespmem:s24+$0xFB60] =	vst.add.f32.msk $0xffff, v23  }
0xde: {  	[tilespmem:s24+$0xFB70] =	vst.add.f32.msk $0xffff, v24  }
0xdf: {  	[tilespmem:s24+$0xFB80] =	vst.add.f32.msk $0xffff, v25  }
0xe0: {  	[tilespmem:s24+$0xFB90] =	vst.add.f32.msk $0xffff, v26  }
0xe1: {  	[tilespmem:s24+$0xFBA0] =	vst.add.f32.msk $0xffff, v27  }
0xe2: {  	[tilespmem:s24+$0xFBB0] =	vst.add.f32.msk $0xffff, v28  }
0xe3: {  	[tilespmem:s24+$0xFBC0] =	vst.add.f32.msk $0xffff, v29  }
0xe4: {  	s25 =	simm.s32 $0x0;
	s26 =	simm.s32 $0x800;
	[tilespmem:s24+$0xFBD0] =	vst.add.f32.msk $0xffff, v30  }
.LBB2_5:
0xe5: {  	s25 =	sadd.s32 $0x8, s25;
	[tilespmem:s24+$0xFBE0] =	vst.add.f32.msk $0xffff, v0;
	s24 =	sshra.s32 s26, $0x2  }
0xe6: {  	v0 =	vld [tilespmem:s24+$0x97F0];
	p0 =	slt.u32 s25, $0xC0  }
0xe7: {  	v1 =	vld [tilespmem:s24+$0x9600]  }
0xe8: {  	v2 =	vld [tilespmem:s24+$0x9610]  }
0xe9: {  	v3 =	vld [tilespmem:s24+$0x9620]  }
0xea: {  	v4 =	vld [tilespmem:s24+$0x9630]  }
0xeb: {  	[tilespmem:s24+$0xFBF0] =	vst.add.f32.msk $0xffff, v0  }
0xec: {  	v5 =	vld [tilespmem:s24+$0x9640]  }
0xed: {  	v6 =	vld [tilespmem:s24+$0x9650]  }
0xee: {  	v7 =	vld [tilespmem:s24+$0x9660]  }
0xef: {  	v8 =	vld [tilespmem:s24+$0x9670]  }
0xf0: {  	v9 =	vld [tilespmem:s24+$0x9680]  }
0xf1: {  	v10 =	vld [tilespmem:s24+$0x9690]  }
0xf2: {  	v11 =	vld [tilespmem:s24+$0x96A0]  }
0xf3: {  	v12 =	vld [tilespmem:s24+$0x96B0]  }
0xf4: {  	v13 =	vld [tilespmem:s24+$0x96C0]  }
0xf5: {  	v14 =	vld [tilespmem:s24+$0x96D0]  }
0xf6: {  	v15 =	vld [tilespmem:s24+$0x96E0]  }
0xf7: {  	v16 =	vld [tilespmem:s24+$0x96F0]  }
0xf8: {  	v17 =	vld [tilespmem:s24+$0x9700]  }
0xf9: {  	v18 =	vld [tilespmem:s24+$0x9710]  }
0xfa: {  	v19 =	vld [tilespmem:s24+$0x9720]  }
0xfb: {  	v20 =	vld [tilespmem:s24+$0x9730]  }
0xfc: {  	v21 =	vld [tilespmem:s24+$0x9740]  }
0xfd: {  	v22 =	vld [tilespmem:s24+$0x9750]  }
0xfe: {  	v23 =	vld [tilespmem:s24+$0x9760]  }
0xff: {  	v24 =	vld [tilespmem:s24+$0x9770]  }
0x100: {  	v25 =	vld [tilespmem:s24+$0x9780]  }
0x101: {  	v26 =	vld [tilespmem:s24+$0x9790]  }
0x102: {  	v27 =	vld [tilespmem:s24+$0x97A0]  }
0x103: {  	v28 =	vld [tilespmem:s24+$0x97B0]  }
0x104: {  	v29 =	vld [tilespmem:s24+$0x97C0]  }
0x105: {  	v30 =	vld [tilespmem:s24+$0x97D0]  }
0x106: {  	v0 =	vld [tilespmem:s24+$0x97E0]  }
0x107: {  	[tilespmem:s24+$0xFA00] =	vst.add.f32.msk $0xffff, v1  }
0x108: {  	[tilespmem:s24+$0xFA10] =	vst.add.f32.msk $0xffff, v2  }
0x109: {  	[tilespmem:s24+$0xFA20] =	vst.add.f32.msk $0xffff, v3  }
0x10a: {  	[tilespmem:s24+$0xFA30] =	vst.add.f32.msk $0xffff, v4  }
0x10b: {  	[tilespmem:s24+$0xFA40] =	vst.add.f32.msk $0xffff, v5  }
0x10c: {  	[tilespmem:s24+$0xFA50] =	vst.add.f32.msk $0xffff, v6  }
0x10d: {  	[tilespmem:s24+$0xFA60] =	vst.add.f32.msk $0xffff, v7  }
0x10e: {  	[tilespmem:s24+$0xFA70] =	vst.add.f32.msk $0xffff, v8  }
0x10f: {  	[tilespmem:s24+$0xFA80] =	vst.add.f32.msk $0xffff, v9  }
0x110: {  	[tilespmem:s24+$0xFA90] =	vst.add.f32.msk $0xffff, v10  }
0x111: {  	[tilespmem:s24+$0xFAA0] =	vst.add.f32.msk $0xffff, v11  }
0x112: {  	[tilespmem:s24+$0xFAB0] =	vst.add.f32.msk $0xffff, v12  }
0x113: {  	[tilespmem:s24+$0xFAC0] =	vst.add.f32.msk $0xffff, v13  }
0x114: {  	[tilespmem:s24+$0xFAD0] =	vst.add.f32.msk $0xffff, v14  }
0x115: {  	[tilespmem:s24+$0xFAE0] =	vst.add.f32.msk $0xffff, v15  }
0x116: {  	[tilespmem:s24+$0xFAF0] =	vst.add.f32.msk $0xffff, v16  }
0x117: {  	[tilespmem:s24+$0xFB00] =	vst.add.f32.msk $0xffff, v17  }
0x118: {  	[tilespmem:s24+$0xFB10] =	vst.add.f32.msk $0xffff, v18  }
0x119: {  	[tilespmem:s24+$0xFB20] =	vst.add.f32.msk $0xffff, v19  }
0x11a: {  	[tilespmem:s24+$0xFB30] =	vst.add.f32.msk $0xffff, v20  }
0x11b: {  	[tilespmem:s24+$0xFB40] =	vst.add.f32.msk $0xffff, v21  }
0x11c: {  	[tilespmem:s24+$0xFB50] =	vst.add.f32.msk $0xffff, v22  }
0x11d: {  	[tilespmem:s24+$0xFB60] =	vst.add.f32.msk $0xffff, v23  }
0x11e: {  	[tilespmem:s24+$0xFB70] =	vst.add.f32.msk $0xffff, v24  }
0x11f: {  	[tilespmem:s24+$0xFB80] =	vst.add.f32.msk $0xffff, v25  }
.Ltmp1:
0x120: {  	[tilespmem:s24+$0xFB90] =	vst.add.f32.msk $0xffff, v26;
	(pc) =	sbr.rel @p0 .LBB2_5-.Ltmp1, $4  }
0x121: {  	[tilespmem:s24+$0xFBA0] =	vst.add.f32.msk $0xffff, v27  }
0x122: {  	[tilespmem:s24+$0xFBB0] =	vst.add.f32.msk $0xffff, v28  }
0x123: {  	[tilespmem:s24+$0xFBC0] =	vst.add.f32.msk $0xffff, v29  }
0x124: {  	s26 =	sadd.s32 $0x800, s26;
	[tilespmem:s24+$0xFBD0] =	vst.add.f32.msk $0xffff, v30  }
0x125: {  	s23 =	sadd.s32 s4, s23  }
0x126: {  	s23 =	smul.u32 $0x640, s23;
	_ =	sdelay $0x1  }
0x127: {  	[tilespmem:s24+$0xFBE0] =	vst.add.f32.msk $0xffff, v0;
	s23 =	sadd.s32 s2, s23  }
0x128: {  	[hbm4b:s23+s3] =	stream.linear.scatter [tilespmem:s13], [sflag:$0x3], $0x6400, $0x38;
	[tilespmem:$0x19000] =	vst v63  }
0x129: {  	_ =	swait.ge [sflag:s9], $0x6400  }
0x12a: {  	[sflag:s9] =	ssyncset.done $0x0  }
0x12b: {  	[sflag:s9] =	ssyncadd.s32 $0xFFFF9C00  }
0x12c: {  	_ =	swait.ge [sflag:s18], $0x3200  }
0x12d: {  	[sflag:s18] =	ssyncset.done $0x0  }
0x12e: {  	[sflag:s18] =	ssyncadd.s32 $0xFFFFCE00  }
0x12f: {  	p0 =	seq.s32 s20, $0x1F;
	_ =	swait.ge [sflag:s18], $0x3200  }
0x130: {  	s24 =	simm.s32 @!p0 $0xC8;
	[sflag:s18] =	ssyncset.done $0x0  }
0x131: {  	s25 =	simm.s32 @!p0 $0xC800;
	s23 =	sadd.s32 @!p0 $0x320, s22;
	[sflag:s18] =	ssyncadd.s32 $0xFFFFCE00  }
0x132: {  	[tilespmem:s25], [sflag:$0x1] =	stream.indirect.gather @!p0 [hbm4b:s5+s24], $0x40, s23, s24, $0xb8;
	[tilespmem:$0x19000] =	vst v63  }
0x133: {  	s22 =	sadd.s32 @!p0 $0x3E8, s22;
	s23 =	simm.s32 @!p0 $0xFA00  }
0x134: {  	[tilespmem:s23], [sflag:$0x1] =	stream.indirect.gather @!p0 [hbm4b:s5+s24], $0x40, s22, s24, $0xb8;
	[tilespmem:$0x19000] =	vst v63  }
0x135: {  	s22 =	simm.s32 $0x0  }
0x136: {  	v0 =	vld [tilespmem:s22+$0x65F0]  }
0x137: {  	v1 =	vld [tilespmem:s22+$0x6400]  }
0x138: {  	v2 =	vld [tilespmem:s22+$0x6410]  }
0x139: {  	v3 =	vld [tilespmem:s22+$0x6420]  }
0x13a: {  	v4 =	vld [tilespmem:s22+$0x6430]  }
0x13b: {  	v5 =	vld [tilespmem:s22+$0x6440]  }
0x13c: {  	v6 =	vld [tilespmem:s22+$0x6450]  }
0x13d: {  	v7 =	vld [tilespmem:s22+$0x6460]  }
0x13e: {  	v8 =	vld [tilespmem:s22+$0x6470]  }
0x13f: {  	v9 =	vld [tilespmem:s22+$0x6480]  }
0x140: {  	v10 =	vld [tilespmem:s22+$0x6490]  }
0x141: {  	v11 =	vld [tilespmem:s22+$0x64A0]  }
0x142: {  	v12 =	vld [tilespmem:s22+$0x64B0]  }
0x143: {  	v13 =	vld [tilespmem:s22+$0x64C0]  }
0x144: {  	v14 =	vld [tilespmem:s22+$0x64D0]  }
0x145: {  	v15 =	vld [tilespmem:s22+$0x64E0]  }
0x146: {  	v16 =	vld [tilespmem:s22+$0x64F0]  }
0x147: {  	v17 =	vld [tilespmem:s22+$0x6500]  }
0x148: {  	v18 =	vld [tilespmem:s22+$0x6510]  }
0x149: {  	v19 =	vld [tilespmem:s22+$0x6520]  }
0x14a: {  	v20 =	vld [tilespmem:s22+$0x6530]  }
0x14b: {  	v21 =	vld [tilespmem:s22+$0x6540]  }
0x14c: {  	v22 =	vld [tilespmem:s22+$0x6550]  }
0x14d: {  	v23 =	vld [tilespmem:s22+$0x6560]  }
0x14e: {  	v24 =	vld [tilespmem:s22+$0x6570]  }
0x14f: {  	v25 =	vld [tilespmem:s22+$0x6580]  }
0x150: {  	v26 =	vld [tilespmem:s22+$0x6590]  }
0x151: {  	v27 =	vld [tilespmem:s22+$0x65A0]  }
0x152: {  	v28 =	vld [tilespmem:s22+$0x65B0]  }
0x153: {  	v29 =	vld [tilespmem:s22+$0x65C0]  }
0x154: {  	v30 =	vld [tilespmem:s22+$0x65D0]  }
0x155: {  	[tilespmem:s22+$0x12DF0] =	vst.add.f32.msk $0xffff, v0  }
0x156: {  	v0 =	vld [tilespmem:s22+$0x65E0]  }
0x157: {  	[tilespmem:s22+$0x12C00] =	vst.add.f32.msk $0xffff, v1  }
0x158: {  	[tilespmem:s22+$0x12C10] =	vst.add.f32.msk $0xffff, v2  }
0x159: {  	[tilespmem:s22+$0x12C20] =	vst.add.f32.msk $0xffff, v3  }
0x15a: {  	[tilespmem:s22+$0x12C30] =	vst.add.f32.msk $0xffff, v4  }
0x15b: {  	[tilespmem:s22+$0x12C40] =	vst.add.f32.msk $0xffff, v5  }
0x15c: {  	[tilespmem:s22+$0x12C50] =	vst.add.f32.msk $0xffff, v6  }
0x15d: {  	[tilespmem:s22+$0x12C60] =	vst.add.f32.msk $0xffff, v7  }
0x15e: {  	[tilespmem:s22+$0x12C70] =	vst.add.f32.msk $0xffff, v8  }
0x15f: {  	[tilespmem:s22+$0x12C80] =	vst.add.f32.msk $0xffff, v9  }
0x160: {  	[tilespmem:s22+$0x12C90] =	vst.add.f32.msk $0xffff, v10  }
0x161: {  	[tilespmem:s22+$0x12CA0] =	vst.add.f32.msk $0xffff, v11  }
0x162: {  	[tilespmem:s22+$0x12CB0] =	vst.add.f32.msk $0xffff, v12  }
0x163: {  	[tilespmem:s22+$0x12CC0] =	vst.add.f32.msk $0xffff, v13  }
0x164: {  	[tilespmem:s22+$0x12CD0] =	vst.add.f32.msk $0xffff, v14  }
0x165: {  	[tilespmem:s22+$0x12CE0] =	vst.add.f32.msk $0xffff, v15  }
0x166: {  	[tilespmem:s22+$0x12CF0] =	vst.add.f32.msk $0xffff, v16  }
0x167: {  	[tilespmem:s22+$0x12D00] =	vst.add.f32.msk $0xffff, v17  }
0x168: {  	[tilespmem:s22+$0x12D10] =	vst.add.f32.msk $0xffff, v18  }
0x169: {  	[tilespmem:s22+$0x12D20] =	vst.add.f32.msk $0xffff, v19  }
0x16a: {  	[tilespmem:s22+$0x12D30] =	vst.add.f32.msk $0xffff, v20  }
0x16b: {  	[tilespmem:s22+$0x12D40] =	vst.add.f32.msk $0xffff, v21  }
0x16c: {  	[tilespmem:s22+$0x12D50] =	vst.add.f32.msk $0xffff, v22  }
0x16d: {  	[tilespmem:s22+$0x12D60] =	vst.add.f32.msk $0xffff, v23  }
0x16e: {  	[tilespmem:s22+$0x12D70] =	vst.add.f32.msk $0xffff, v24  }
0x16f: {  	[tilespmem:s22+$0x12D80] =	vst.add.f32.msk $0xffff, v25  }
0x170: {  	[tilespmem:s22+$0x12D90] =	vst.add.f32.msk $0xffff, v26  }
0x171: {  	[tilespmem:s22+$0x12DA0] =	vst.add.f32.msk $0xffff, v27  }
0x172: {  	[tilespmem:s22+$0x12DB0] =	vst.add.f32.msk $0xffff, v28  }
0x173: {  	[tilespmem:s22+$0x12DC0] =	vst.add.f32.msk $0xffff, v29  }
0x174: {  	s23 =	simm.s32 $0x0;
	s24 =	simm.s32 $0x800;
	[tilespmem:s22+$0x12DD0] =	vst.add.f32.msk $0xffff, v30  }
.LBB2_7:
0x175: {  	s23 =	sadd.s32 $0x8, s23;
	[tilespmem:s22+$0x12DE0] =	vst.add.f32.msk $0xffff, v0;
	s22 =	sshra.s32 s24, $0x2  }
0x176: {  	v0 =	vld [tilespmem:s22+$0x65F0];
	p0 =	slt.u32 s23, $0xC0  }
0x177: {  	v1 =	vld [tilespmem:s22+$0x6400]  }
0x178: {  	v2 =	vld [tilespmem:s22+$0x6410]  }
0x179: {  	v3 =	vld [tilespmem:s22+$0x6420]  }
0x17a: {  	v4 =	vld [tilespmem:s22+$0x6430]  }
0x17b: {  	[tilespmem:s22+$0x12DF0] =	vst.add.f32.msk $0xffff, v0  }
0x17c: {  	v5 =	vld [tilespmem:s22+$0x6440]  }
0x17d: {  	v6 =	vld [tilespmem:s22+$0x6450]  }
0x17e: {  	v7 =	vld [tilespmem:s22+$0x6460]  }
0x17f: {  	v8 =	vld [tilespmem:s22+$0x6470]  }
0x180: {  	v9 =	vld [tilespmem:s22+$0x6480]  }
0x181: {  	v10 =	vld [tilespmem:s22+$0x6490]  }
0x182: {  	v11 =	vld [tilespmem:s22+$0x64A0]  }
0x183: {  	v12 =	vld [tilespmem:s22+$0x64B0]  }
0x184: {  	v13 =	vld [tilespmem:s22+$0x64C0]  }
0x185: {  	v14 =	vld [tilespmem:s22+$0x64D0]  }
0x186: {  	v15 =	vld [tilespmem:s22+$0x64E0]  }
0x187: {  	v16 =	vld [tilespmem:s22+$0x64F0]  }
0x188: {  	v17 =	vld [tilespmem:s22+$0x6500]  }
0x189: {  	v18 =	vld [tilespmem:s22+$0x6510]  }
0x18a: {  	v19 =	vld [tilespmem:s22+$0x6520]  }
0x18b: {  	v20 =	vld [tilespmem:s22+$0x6530]  }
0x18c: {  	v21 =	vld [tilespmem:s22+$0x6540]  }
0x18d: {  	v22 =	vld [tilespmem:s22+$0x6550]  }
0x18e: {  	v23 =	vld [tilespmem:s22+$0x6560]  }
0x18f: {  	v24 =	vld [tilespmem:s22+$0x6570]  }
0x190: {  	v25 =	vld [tilespmem:s22+$0x6580]  }
0x191: {  	v26 =	vld [tilespmem:s22+$0x6590]  }
0x192: {  	v27 =	vld [tilespmem:s22+$0x65A0]  }
0x193: {  	v28 =	vld [tilespmem:s22+$0x65B0]  }
0x194: {  	v29 =	vld [tilespmem:s22+$0x65C0]  }
0x195: {  	v30 =	vld [tilespmem:s22+$0x65D0]  }
0x196: {  	v0 =	vld [tilespmem:s22+$0x65E0]  }
0x197: {  	[tilespmem:s22+$0x12C00] =	vst.add.f32.msk $0xffff, v1  }
0x198: {  	[tilespmem:s22+$0x12C10] =	vst.add.f32.msk $0xffff, v2  }
0x199: {  	[tilespmem:s22+$0x12C20] =	vst.add.f32.msk $0xffff, v3  }
0x19a: {  	[tilespmem:s22+$0x12C30] =	vst.add.f32.msk $0xffff, v4  }
0x19b: {  	[tilespmem:s22+$0x12C40] =	vst.add.f32.msk $0xffff, v5  }
0x19c: {  	[tilespmem:s22+$0x12C50] =	vst.add.f32.msk $0xffff, v6  }
0x19d: {  	[tilespmem:s22+$0x12C60] =	vst.add.f32.msk $0xffff, v7  }
0x19e: {  	[tilespmem:s22+$0x12C70] =	vst.add.f32.msk $0xffff, v8  }
0x19f: {  	[tilespmem:s22+$0x12C80] =	vst.add.f32.msk $0xffff, v9  }
0x1a0: {  	[tilespmem:s22+$0x12C90] =	vst.add.f32.msk $0xffff, v10  }
0x1a1: {  	[tilespmem:s22+$0x12CA0] =	vst.add.f32.msk $0xffff, v11  }
0x1a2: {  	[tilespmem:s22+$0x12CB0] =	vst.add.f32.msk $0xffff, v12  }
0x1a3: {  	[tilespmem:s22+$0x12CC0] =	vst.add.f32.msk $0xffff, v13  }
0x1a4: {  	[tilespmem:s22+$0x12CD0] =	vst.add.f32.msk $0xffff, v14  }
0x1a5: {  	[tilespmem:s22+$0x12CE0] =	vst.add.f32.msk $0xffff, v15  }
0x1a6: {  	[tilespmem:s22+$0x12CF0] =	vst.add.f32.msk $0xffff, v16  }
0x1a7: {  	[tilespmem:s22+$0x12D00] =	vst.add.f32.msk $0xffff, v17  }
0x1a8: {  	[tilespmem:s22+$0x12D10] =	vst.add.f32.msk $0xffff, v18  }
0x1a9: {  	[tilespmem:s22+$0x12D20] =	vst.add.f32.msk $0xffff, v19  }
0x1aa: {  	[tilespmem:s22+$0x12D30] =	vst.add.f32.msk $0xffff, v20  }
0x1ab: {  	[tilespmem:s22+$0x12D40] =	vst.add.f32.msk $0xffff, v21  }
0x1ac: {  	[tilespmem:s22+$0x12D50] =	vst.add.f32.msk $0xffff, v22  }
0x1ad: {  	[tilespmem:s22+$0x12D60] =	vst.add.f32.msk $0xffff, v23  }
0x1ae: {  	[tilespmem:s22+$0x12D70] =	vst.add.f32.msk $0xffff, v24  }
0x1af: {  	[tilespmem:s22+$0x12D80] =	vst.add.f32.msk $0xffff, v25  }
.Ltmp2:
0x1b0: {  	[tilespmem:s22+$0x12D90] =	vst.add.f32.msk $0xffff, v26;
	(pc) =	sbr.rel @p0 .LBB2_7-.Ltmp2, $4  }
0x1b1: {  	[tilespmem:s22+$0x12DA0] =	vst.add.f32.msk $0xffff, v27  }
0x1b2: {  	[tilespmem:s22+$0x12DB0] =	vst.add.f32.msk $0xffff, v28  }
0x1b3: {  	[tilespmem:s22+$0x12DC0] =	vst.add.f32.msk $0xffff, v29  }
0x1b4: {  	s24 =	sadd.s32 $0x800, s24;
	[tilespmem:s22+$0x12DD0] =	vst.add.f32.msk $0xffff, v30  }
0x1b5: {  	[tilespmem:s22+$0x12DE0] =	vst.add.f32.msk $0xffff, v0;
	s22 =	simm.s32 $0x0  }
0x1b6: {  	v0 =	vld [tilespmem:s22+$0x97F0]  }
0x1b7: {  	v1 =	vld [tilespmem:s22+$0x9600]  }
0x1b8: {  	v2 =	vld [tilespmem:s22+$0x9610]  }
0x1b9: {  	v3 =	vld [tilespmem:s22+$0x9620]  }
0x1ba: {  	v4 =	vld [tilespmem:s22+$0x9630]  }
0x1bb: {  	v5 =	vld [tilespmem:s22+$0x9640]  }
0x1bc: {  	v6 =	vld [tilespmem:s22+$0x9650]  }
0x1bd: {  	v7 =	vld [tilespmem:s22+$0x9660]  }
0x1be: {  	v8 =	vld [tilespmem:s22+$0x9670]  }
0x1bf: {  	v9 =	vld [tilespmem:s22+$0x9680]  }
0x1c0: {  	v10 =	vld [tilespmem:s22+$0x9690]  }
0x1c1: {  	v11 =	vld [tilespmem:s22+$0x96A0]  }
0x1c2: {  	v12 =	vld [tilespmem:s22+$0x96B0]  }
0x1c3: {  	v13 =	vld [tilespmem:s22+$0x96C0]  }
0x1c4: {  	v14 =	vld [tilespmem:s22+$0x96D0]  }
0x1c5: {  	v15 =	vld [tilespmem:s22+$0x96E0]  }
0x1c6: {  	v16 =	vld [tilespmem:s22+$0x96F0]  }
0x1c7: {  	v17 =	vld [tilespmem:s22+$0x9700]  }
0x1c8: {  	v18 =	vld [tilespmem:s22+$0x9710]  }
0x1c9: {  	v19 =	vld [tilespmem:s22+$0x9720]  }
0x1ca: {  	v20 =	vld [tilespmem:s22+$0x9730]  }
0x1cb: {  	v21 =	vld [tilespmem:s22+$0x9740]  }
0x1cc: {  	v22 =	vld [tilespmem:s22+$0x9750]  }
0x1cd: {  	v23 =	vld [tilespmem:s22+$0x9760]  }
0x1ce: {  	v24 =	vld [tilespmem:s22+$0x9770]  }
0x1cf: {  	v25 =	vld [tilespmem:s22+$0x9780]  }
0x1d0: {  	v26 =	vld [tilespmem:s22+$0x9790]  }
0x1d1: {  	v27 =	vld [tilespmem:s22+$0x97A0]  }
0x1d2: {  	v28 =	vld [tilespmem:s22+$0x97B0]  }
0x1d3: {  	v29 =	vld [tilespmem:s22+$0x97C0]  }
0x1d4: {  	v30 =	vld [tilespmem:s22+$0x97D0]  }
0x1d5: {  	[tilespmem:s22+$0x15FF0] =	vst.add.f32.msk $0xffff, v0  }
0x1d6: {  	v0 =	vld [tilespmem:s22+$0x97E0]  }
0x1d7: {  	[tilespmem:s22+$0x15E00] =	vst.add.f32.msk $0xffff, v1  }
0x1d8: {  	[tilespmem:s22+$0x15E10] =	vst.add.f32.msk $0xffff, v2  }
0x1d9: {  	[tilespmem:s22+$0x15E20] =	vst.add.f32.msk $0xffff, v3  }
0x1da: {  	[tilespmem:s22+$0x15E30] =	vst.add.f32.msk $0xffff, v4  }
0x1db: {  	[tilespmem:s22+$0x15E40] =	vst.add.f32.msk $0xffff, v5  }
0x1dc: {  	[tilespmem:s22+$0x15E50] =	vst.add.f32.msk $0xffff, v6  }
0x1dd: {  	[tilespmem:s22+$0x15E60] =	vst.add.f32.msk $0xffff, v7  }
0x1de: {  	[tilespmem:s22+$0x15E70] =	vst.add.f32.msk $0xffff, v8  }
0x1df: {  	[tilespmem:s22+$0x15E80] =	vst.add.f32.msk $0xffff, v9  }
0x1e0: {  	[tilespmem:s22+$0x15E90] =	vst.add.f32.msk $0xffff, v10  }
0x1e1: {  	[tilespmem:s22+$0x15EA0] =	vst.add.f32.msk $0xffff, v11  }
0x1e2: {  	[tilespmem:s22+$0x15EB0] =	vst.add.f32.msk $0xffff, v12  }
0x1e3: {  	[tilespmem:s22+$0x15EC0] =	vst.add.f32.msk $0xffff, v13  }
0x1e4: {  	[tilespmem:s22+$0x15ED0] =	vst.add.f32.msk $0xffff, v14  }
0x1e5: {  	[tilespmem:s22+$0x15EE0] =	vst.add.f32.msk $0xffff, v15  }
0x1e6: {  	[tilespmem:s22+$0x15EF0] =	vst.add.f32.msk $0xffff, v16  }
0x1e7: {  	[tilespmem:s22+$0x15F00] =	vst.add.f32.msk $0xffff, v17  }
0x1e8: {  	[tilespmem:s22+$0x15F10] =	vst.add.f32.msk $0xffff, v18  }
0x1e9: {  	[tilespmem:s22+$0x15F20] =	vst.add.f32.msk $0xffff, v19  }
0x1ea: {  	[tilespmem:s22+$0x15F30] =	vst.add.f32.msk $0xffff, v20  }
0x1eb: {  	[tilespmem:s22+$0x15F40] =	vst.add.f32.msk $0xffff, v21  }
0x1ec: {  	[tilespmem:s22+$0x15F50] =	vst.add.f32.msk $0xffff, v22  }
0x1ed: {  	[tilespmem:s22+$0x15F60] =	vst.add.f32.msk $0xffff, v23  }
0x1ee: {  	[tilespmem:s22+$0x15F70] =	vst.add.f32.msk $0xffff, v24  }
0x1ef: {  	[tilespmem:s22+$0x15F80] =	vst.add.f32.msk $0xffff, v25  }
0x1f0: {  	[tilespmem:s22+$0x15F90] =	vst.add.f32.msk $0xffff, v26  }
0x1f1: {  	[tilespmem:s22+$0x15FA0] =	vst.add.f32.msk $0xffff, v27  }
0x1f2: {  	[tilespmem:s22+$0x15FB0] =	vst.add.f32.msk $0xffff, v28  }
0x1f3: {  	[tilespmem:s22+$0x15FC0] =	vst.add.f32.msk $0xffff, v29  }
0x1f4: {  	s23 =	simm.s32 $0x0;
	s24 =	simm.s32 $0x800;
	[tilespmem:s22+$0x15FD0] =	vst.add.f32.msk $0xffff, v30  }
.LBB2_9:
0x1f5: {  	s23 =	sadd.s32 $0x8, s23;
	[tilespmem:s22+$0x15FE0] =	vst.add.f32.msk $0xffff, v0;
	s22 =	sshra.s32 s24, $0x2  }
0x1f6: {  	v0 =	vld [tilespmem:s22+$0x97F0];
	p0 =	slt.u32 s23, $0xC0  }
0x1f7: {  	v1 =	vld [tilespmem:s22+$0x9600]  }
0x1f8: {  	v2 =	vld [tilespmem:s22+$0x9610]  }
0x1f9: {  	v3 =	vld [tilespmem:s22+$0x9620]  }
0x1fa: {  	v4 =	vld [tilespmem:s22+$0x9630]  }
0x1fb: {  	[tilespmem:s22+$0x15FF0] =	vst.add.f32.msk $0xffff, v0  }
0x1fc: {  	v5 =	vld [tilespmem:s22+$0x9640]  }
0x1fd: {  	v6 =	vld [tilespmem:s22+$0x9650]  }
0x1fe: {  	v7 =	vld [tilespmem:s22+$0x9660]  }
0x1ff: {  	v8 =	vld [tilespmem:s22+$0x9670]  }
0x200: {  	v9 =	vld [tilespmem:s22+$0x9680]  }
0x201: {  	v10 =	vld [tilespmem:s22+$0x9690]  }
0x202: {  	v11 =	vld [tilespmem:s22+$0x96A0]  }
0x203: {  	v12 =	vld [tilespmem:s22+$0x96B0]  }
0x204: {  	v13 =	vld [tilespmem:s22+$0x96C0]  }
0x205: {  	v14 =	vld [tilespmem:s22+$0x96D0]  }
0x206: {  	v15 =	vld [tilespmem:s22+$0x96E0]  }
0x207: {  	v16 =	vld [tilespmem:s22+$0x96F0]  }
0x208: {  	v17 =	vld [tilespmem:s22+$0x9700]  }
0x209: {  	v18 =	vld [tilespmem:s22+$0x9710]  }
0x20a: {  	v19 =	vld [tilespmem:s22+$0x9720]  }
0x20b: {  	v20 =	vld [tilespmem:s22+$0x9730]  }
0x20c: {  	v21 =	vld [tilespmem:s22+$0x9740]  }
0x20d: {  	v22 =	vld [tilespmem:s22+$0x9750]  }
0x20e: {  	v23 =	vld [tilespmem:s22+$0x9760]  }
0x20f: {  	v24 =	vld [tilespmem:s22+$0x9770]  }
0x210: {  	v25 =	vld [tilespmem:s22+$0x9780]  }
0x211: {  	v26 =	vld [tilespmem:s22+$0x9790]  }
0x212: {  	v27 =	vld [tilespmem:s22+$0x97A0]  }
0x213: {  	v28 =	vld [tilespmem:s22+$0x97B0]  }
0x214: {  	v29 =	vld [tilespmem:s22+$0x97C0]  }
0x215: {  	v30 =	vld [tilespmem:s22+$0x97D0]  }
0x216: {  	v0 =	vld [tilespmem:s22+$0x97E0]  }
0x217: {  	[tilespmem:s22+$0x15E00] =	vst.add.f32.msk $0xffff, v1  }
0x218: {  	[tilespmem:s22+$0x15E10] =	vst.add.f32.msk $0xffff, v2  }
0x219: {  	[tilespmem:s22+$0x15E20] =	vst.add.f32.msk $0xffff, v3  }
0x21a: {  	[tilespmem:s22+$0x15E30] =	vst.add.f32.msk $0xffff, v4  }
0x21b: {  	[tilespmem:s22+$0x15E40] =	vst.add.f32.msk $0xffff, v5  }
0x21c: {  	[tilespmem:s22+$0x15E50] =	vst.add.f32.msk $0xffff, v6  }
0x21d: {  	[tilespmem:s22+$0x15E60] =	vst.add.f32.msk $0xffff, v7  }
0x21e: {  	[tilespmem:s22+$0x15E70] =	vst.add.f32.msk $0xffff, v8  }
0x21f: {  	[tilespmem:s22+$0x15E80] =	vst.add.f32.msk $0xffff, v9  }
0x220: {  	[tilespmem:s22+$0x15E90] =	vst.add.f32.msk $0xffff, v10  }
0x221: {  	[tilespmem:s22+$0x15EA0] =	vst.add.f32.msk $0xffff, v11  }
0x222: {  	[tilespmem:s22+$0x15EB0] =	vst.add.f32.msk $0xffff, v12  }
0x223: {  	[tilespmem:s22+$0x15EC0] =	vst.add.f32.msk $0xffff, v13  }
0x224: {  	[tilespmem:s22+$0x15ED0] =	vst.add.f32.msk $0xffff, v14  }
0x225: {  	[tilespmem:s22+$0x15EE0] =	vst.add.f32.msk $0xffff, v15  }
0x226: {  	[tilespmem:s22+$0x15EF0] =	vst.add.f32.msk $0xffff, v16  }
0x227: {  	[tilespmem:s22+$0x15F00] =	vst.add.f32.msk $0xffff, v17  }
0x228: {  	[tilespmem:s22+$0x15F10] =	vst.add.f32.msk $0xffff, v18  }
0x229: {  	[tilespmem:s22+$0x15F20] =	vst.add.f32.msk $0xffff, v19  }
0x22a: {  	[tilespmem:s22+$0x15F30] =	vst.add.f32.msk $0xffff, v20  }
0x22b: {  	[tilespmem:s22+$0x15F40] =	vst.add.f32.msk $0xffff, v21  }
0x22c: {  	[tilespmem:s22+$0x15F50] =	vst.add.f32.msk $0xffff, v22  }
0x22d: {  	[tilespmem:s22+$0x15F60] =	vst.add.f32.msk $0xffff, v23  }
0x22e: {  	[tilespmem:s22+$0x15F70] =	vst.add.f32.msk $0xffff, v24  }
0x22f: {  	[tilespmem:s22+$0x15F80] =	vst.add.f32.msk $0xffff, v25  }
.Ltmp3:
0x230: {  	[tilespmem:s22+$0x15F90] =	vst.add.f32.msk $0xffff, v26;
	(pc) =	sbr.rel @p0 .LBB2_9-.Ltmp3, $4  }
0x231: {  	[tilespmem:s22+$0x15FA0] =	vst.add.f32.msk $0xffff, v27  }
0x232: {  	[tilespmem:s22+$0x15FB0] =	vst.add.f32.msk $0xffff, v28  }
0x233: {  	[tilespmem:s22+$0x15FC0] =	vst.add.f32.msk $0xffff, v29  }
0x234: {  	s24 =	sadd.s32 $0x800, s24;
	[tilespmem:s22+$0x15FD0] =	vst.add.f32.msk $0xffff, v30  }
0x235: {  	s21 =	sadd.s32 s4, s21  }
0x236: {  	s20 =	sadd.s32 $0x1, s20;
	s21 =	smul.u32 $0x640, s21  }
0x237: {  	p0 =	sne.s32 s20, $0x20  }
.Ltmp4:
0x238: {  	[tilespmem:s22+$0x15FE0] =	vst.add.f32.msk $0xffff, v0;
	s21 =	sadd.s32 s2, s21;
	(pc) =	sbr.rel @p0 .LBB2_2-.Ltmp4, $4  }
0x239: {  	[hbm4b:s21+s3] =	stream.linear.scatter [tilespmem:s16], [sflag:$0x3], $0x6400, $0x38;
	[tilespmem:$0x19000] =	vst v63  }
0x23a: {  	_ =	swait.ge [sflag:s9], $0x6400  }
0x23b: {  	[sflag:s9] =	ssyncset.done $0x0  }
0x23c: {  	[sflag:s9] =	ssyncadd.s32 $0xFFFF9C00  }
0x23d: {  	s19 =	sadd.s32 $0x1, s19  }
0x23e: {  	p0 =	sne.s32 s19, s8  }
.Ltmp5:
0x23f: {  	_ = 	snop;
	(pc) =	sbr.rel @p0 .LBB2_1-.Ltmp5, $1  }
0x240: {  	_ =	sdelay $0x3  }
0x241: {  	_ =	sfence.sel $0x180000  }
0x242: {  	[bflag:$0x0] =	sbarrier.arrive $0xFFFF  }
0x243: {  	p0 =	sne.s32 s0, $0x0;
	_ =	strace $0x90000047  }
0x244: {  	s0 =	sadd.s32 @!p0 $0x100000, s1;
	[bflag:$0x2] =	sbarrier.arrive $0xFFFF  }
0x245: {  	[sflag:s0] =	ssyncadd.tile.s32 @!p0 $0x1;
	_ =	shalt  }
.Lfunc_end2:
_tile_overlayer_lowered:
.L_overlay_start_2:
0x246: {  	(tag) =	ssettag $0x2  }
0x247: {  	s0 =	rddreg [dreg:$0x0];
	s2 =	stileid.u32  }
0x248: {  	s1 =	rddreg [dreg:$0x1];
	p0 =	sne.s32 s2, $0x0  }
0x249: {  	s3 =	rddreg [dreg:$0x2];
	[bflag:$0x3] =	sbarrier.arrive $0xFFFF;
	s2 =	simm.s32 @!p0 $0x1C03  }
0x24a: {  	[timem:s3], [sflag:s2] =	dma.local @!p0 [hbm:s0], s1  }
0x24b: {  	s0 =	simm.s32 @!p0 $0x3  }
0x24c: {  	_ =	swait.ge @!p0 [sflag:s0], s1  }
0x24d: {  	s1 =	ssub.s32 @!p0 $0x0, s1;
	[sflag:s0] =	ssyncset.done @!p0 $0x0  }
0x24e: {  	[sflag:s0] =	ssyncadd.s32 @!p0 s1  }
0x24f: {  	[bflag:$0x3] =	sbarrier.arrive $0xFFFF  }
0x250: {  	_ =	shalt  }

// kernel: sparse-core-data-format-call.cloned.1.call-start
scs
called_computation_lowered:
.L_overlay_start_0:
0x0: {  	s2 =	sld [smem:$0x3FD9]  }
0x1: {  	s3 =	sld [smem:$0x3FFE];
	_ =	sdelay $0x1  }
0x2: {  	s1 =	srdreg.scid  }
0x3: {  	s0 =	sand.u32 $0x1, s1  }
0x4: {  	s18 =	sshll.u32 s0, $0xA;
	s2 =	sadd.s32 s3, s2  }
0x5: {  	s2 =	sadd.s32 s2, s18  }
0x6: {  	[smem:$0x3FC5] =	sst s2  }
0x7: {  	_ = 	snop  }
0x8: {  	s2 =	sld [smem:$0x3FD0];
	(tm) =	ssettm $0x1  }
0x9: {  	s19 =	sld [smem:$0x3FFB];
	_ =	sdelay $0x3  }
0xa: {  	_ =	strace s19  }
0xb: {  	s3 =	sld [smem:$0x3FFC];
	_ =	sdelay $0x3  }
0xc: {  	_ =	strace s3  }
0xd: {  	s3 =	sld [smem:$0x3FFD];
	_ =	sdelay $0x3  }
0xe: {  	_ =	strace s3  }
0xf: {  	_ =	strace $0x8FFFFFFF  }
0x10: {  	s20 =	sld [smem:$0x3FDB];
	_ =	sdelay $0x1  }
0x11: {  	s4 =	simm.s32 $_scs_section_size  }
0x12: {  	s5 =	simm.s32 $_size__tile_overlayer_lowered;
	s6 =	simm.s32 $_tile_overlayer_lowered  }
0x13: {  	s23 =	simm.s32 $0x1BFF;
	s22 =	sshll.u32 s6, $0x1;
	s3 =	sadd.s32 s4, s20  }
0x14: {  	s7 =	simm.s32 $0x0;
	s21 =	sshll.u32 s5, $0x1;
	s5 =	sadd.s32 s22, s3  }
0x15: {  	[timem:s7], [sflag:s23] =	dma.local [hbm:s5], s21  }
0x16: {  	_ =	swait.ge [sflag:s23], s21  }
0x17: {  	s4 =	ssub.s32 $0x0, s21;
	[sflag:s23] =	ssyncset.done $0x0  }
0x18: {  	[sflag:s23] =	ssyncadd.s32 s4;
	_ =	sdelay $0x1  }
0x19: {  	s24 =	simm.s32 $0x1B8B  }
0x1a: {  	_ =	swait.ge [sflag:s24], $0x1  }
0x1b: {  	[sflag:s24] =	ssyncset.done $0x0  }
0x1c: {  	s26 =	simm.s32 $0x1B8E;
	s25 =	sld [smem:$0x3FFE];
	[sflag:s24] =	ssyncadd.s32 $0xFFFFFFFF  }
0x1d: {  	s27 =	simm.s32 $execute0_lowered;
	[smem:$0x3FD2] =	sst s26  }
0x1e: {  	s5 =	sshll.u32 s27, $0x1;
	_ =	strace $0x80000049;
	[dreg:$0x1] =	wrdreg $0xFFFFFFFF  }
0x1f: {  	s28 =	simm.s32 $_size_execute0_lowered;
	s3 =	sadd.s32 s3, s5;
	[dreg:$0x0] =	wrdreg $0x0  }
0x20: {  	s5 =	sshll.u32 s28, $0x1;
	[dreg:$0x2] =	wrdreg s3  }
0x21: {  	[dreg:$0x3] =	wrdreg s5  }
0x22: {  	[dreg:$0x4] =	wrdreg $0xC0  }
0x23: {  	_ =	task [dreg:s7], $0x5FFFF  }
0x24: {  	[dreg:$0x1] =	wrdreg $0xFFFFFFFF  }
0x25: {  	[dreg:$0x0] =	wrdreg $0x60  }
0x26: {  	[dreg:$0x2] =	wrdreg s25  }
0x27: {  	[dreg:$0x3] =	wrdreg s2  }
0x28: {  	[dreg:$0x4] =	wrdreg $0x9  }
0x29: {  	_ =	task.clear_ibuf [dreg:s7], $0x5FFFF;
	_ =	strace $0x90000049  }
0x2a: {  	s29 =	simm.s32 $0x9;
	_ =	strace $0x8000004B  }
0x2b: {  	_ =	swait.ge [sflag:s29], $0x1  }
0x2c: {  	[sflag:s29] =	ssyncadd.s32 $0xFFFFFFFF  }
0x2d: {  	_ =	strace $0x9000004B  }
0x2e: {  	_ =	sfence  }
0x2f: {  	s30 =	sld [smem:$0x0];
	_ =	sdelay $0x2  }
0x30: {  	s31 =	sshll.u32 s1, $0xD;
	s1 =	sshrl.u32 s1, $0x2  }
0x31: {  	s3 =	sand.u32 $0x4000, s31;
	s1 =	sadd.s32 s1, s30  }
0x32: {  	s0 =	sor.u32 s3, s0;
	s1 =	sshll.u32 s1, $0x11  }
0x33: {  	s0 =	sor.u32 s1, s0  }
0x34: {  	s0 =	sadd.s32 $0x8F2B, s0  }
0x35: {  	[sflag:s0] =	ssyncadd.remote.s32 $0x1  }
0x36: {  	_ =	sfence.sel $0xFFFF  }
0x37: {  	[dreg:$0x0] =	wrdreg $0xFFFFFFFF;
	(pc) =	sbr.abs _section_cstart, $3  }
0x38: {  	[dreg:$0x1] =	wrdreg $0xFFFFFFFF  }
0x39: {  	_ =	task.clear_ibuf [dreg:s7], $0x2FFFF;
	_ =	strace $0x9FFFFFFF  }
0x3a: {  	(tm) =	ssettm $0x7FFFFFFF  }
0x3b: {  	_ =	shalt  }
tec
execute0_lowered:
.L_overlay_start_1:
0x0: {  	(tag) =	ssettag $0x1  }
0x1: {  	s0 =	srdreg.scid  }
0x2: {  	s1 =	sshll.u32 s0, $0x4  }
0x3: {  	s0 =	stileid.u32;
	s1 =	sand.u32 $0x10, s1  }
0x4: {  	s1 =	sor.u32 s0, s1  }
0x5: {  	s6 =	rddreg [dreg:$0x0];
	s4 =	simm.s32 $0x1;
	s2 =	sshll.u32 s1, $0x7  }
0x6: {  	s7 =	simm.s32 $0x2;
	s12 =	simm.s32 $0x0;
	s1 =	ssub.s32 $0x1000, s2  }
0x7: {  	s8 =	simm.s32 $0x8000;
	s13 =	simm.s32 $0x0;
	s3 =	sand.u32 $0xF80, s1  }
0x8: {  	s9 =	simm.s32 $0x0;
	s5 =	sshrl.u32 s1, $0xC;
	p0 =	sne.s32 s3, $0x0  }
.Ltmp0:
0x9: {  	s1 =	rddreg [dreg:$0x2];
	s4 =	simm.s32 @!p0 $0x0;
	(pc) =	sbr.rel .LBB1_1-.Ltmp0, $4  }
0xa: {  	s11 =	simm.s32 $0x0;
	s3 =	rddreg [dreg:$0x1];
	s5 =	sadd.s32 s4, s5  }
0xb: {  	_ =	strace $0x8000004A;
	s4 =	simm.s32 $0x1;
	s5 =	smul.u32 $0xC8, s5  }
0xc: {  	s6 =	sadd.s32 $0xC00, s6;
	s10 =	smov.u32 s2;
	[sflag:s4] =	ssyncpa.u1 $0x0  }
0xd: {  	p0 =	por $0x0, $0x0;
	[sflag:s7] =	ssyncpa.u1 $0x0;
	s7 =	sor.u32 $0x1, s5  }
.LBB1_4:
0xe: {  	s16 =	sshll.u32 s13, $0x3;
	s17 =	sand.u32 $0x78, s13  }
0xf: {  	s30 =	sand.u32 $0x7E00, s13;
	s12 =	sshll.u32 s12, $0xF;
	s16 =	sand.u32 $0xC00, s16  }
0x10: {  	[tilespmem:s15+$0x810 ss:$0x81] =	vst.msk $0xffff, v2;
	s31 =	sand.u32 $0x7, s13;
	s16 =	sor.u32 s17, s16;
	s17 =	sadd.s32 s3, s30  }
0x11: {  	[tilespmem:s15+$0x1020 ss:$0x81] =	vst.msk $0xffff, v0;
	s13 =	sshll.u32 s31, $0x12;
	s12 =	sadd.s32 s12, s17;
	s16 =	sshrl.u32 s16, $0x3  }
0x12: {  	[tilespmem:s15+$0x0 ss:$0x81] =	vst.msk $0xffff, v1;
	s13 =	sor.u32 $0x400, s13;
	s12 =	sadd.s32 s16, s12  }
0x13: {  	[hbm4b:s12+s13] =	stream.strided.scatter [tilespmem:s14], [sflag:$0x2], $0x2000, s8, s13, $0x20;
	[tilespmem:$0x8080] =	vst v63  }
.LBB1_5:
0x14: {  	s14 =	sadd.s32 $0x1, s9  }
0x15: {  	s12 =	sadd.s32 $0x1000, s10;
	s16 =	smov.u32 s10;
	p2 =	sgt.s32 s14, $0xC7  }
0x16: {  	s16 =	smov.u32 @p2 s12  }
0x17: {  	s14 =	simm.s32 @p2 $0x0;
	p2 =	sgt.s32 s16, $0xFFF  }
0x18: {  	s16 =	smov.u32 @p2 s2;
	p2 =	sne.s32 s11, s7  }
.Ltmp1:
0x19: {  	p1 =	slt.u32 s11, $0x2;
	(pc) =	sbr.rel @!p2 .LBB1_6-.Ltmp1, $4  }
0x1a: {  	s15 =	simm.s32 @!p1 $0x2  }
0x1b: {  	s13 =	smov.u32 s10;
	p0 =	por !p0, !p0;
	_ =	swait.ge @!p1 [sflag:s15], $0x2000  }
0x1c: {  	s12 =	smov.u32 s9;
	[sflag:s15] =	ssyncset.done @!p1 $0x0;
	s9 =	smov.u32 s14  }
0x1d: {  	s11 =	sadd.s32 $0x1, s11;
	[sflag:s15] =	ssyncadd.s32 @!p1 $0xFFFFE000;
	s10 =	smov.u32 s16  }
.LBB1_1:
0x1e: {  	p1 =	sge.u32 s11, s5  }
0x1f: {  	s14 =	sand.u32 @!p1 $0x1FFFFFF, s9  }
0x20: {  	s15 =	smulhi.u32 @!p1 $0x147AE15, s14;
	_ =	sdelay $0x1  }
0x21: {  	s15 =	smul.u32 @!p1 $0xC8, s15  }
0x22: {  	s16 =	sxor.u32 @!p1 $0xFFFFFFFF, s11;
	s17 =	smul.u32 @!p1 $0xC80, s10  }
0x23: {  	s31 =	sadd.s32 $0xFFFFFFFF, s11;
	s16 =	sshll.u32 @!p1 s16, $0xD;
	s14 =	ssub.s32 @!p1 s14, s15  }
0x24: {  	s15 =	sand.u32 @!p1 $0x2000, s16;
	s16 =	sadd.s32 @!p1 s6, s17;
	s14 =	sshll.u32 @!p1 s14, $0x4  }
0x25: {  	s17 =	simm.s32 @!p1 $0x6400;
	s14 =	sadd.s32 @!p1 s14, s16;
	s16 =	simm.s32 @!p1 $0x40  }
0x26: {  	[tilespmem:s15], [sflag:$0x1] =	stream.strided.gather @!p1 [hbm4b:s14+s16], $0x2000, s17, s16, $0x38;
	[tilespmem:$0x8080] =	vst v63  }
0x27: {  	p1 =	sge.u32 s31, s5  }
.Ltmp2:
0x28: {  	_ = 	snop;
	(pc) =	sbr.rel @p1 .LBB1_5-.Ltmp2, $1  }
0x29: {  	_ =	sdelay $0x3  }
0x2a: {  	s14 =	simm.s32 $0x1  }
0x2b: {  	_ =	swait.ge [sflag:s4], $0x2000;
	s14 =	simm.s32 @!p0 $0x0  }
0x2c: {  	[sflag:s4] =	ssyncset.done $0x0;
	s15 =	sshll.u32 s14, $0xD  }
0x2d: {  	[sflag:s4] =	ssyncadd.s32 $0xFFFFE000;
	s18 =	sor.u32 $0x20, s15  }
0x2e: {  	s14 =	smul.u32 $0x8100, s14;
	v3 =	vld [tilespmem:s18+$0x10]  }
0x2f: {  	s30 =	sand.u32 $0x1, s11;
	v2 =	vld [tilespmem:s18+$0xFFFFFFF0]  }
0x30: {  	s15 =	smul.u32 $0x8100, s30;
	s14 =	sshrl.u32 s14, $0x2;
	v0 =	vld [tilespmem:s18+$0x0]  }
0x31: {  	v1 =	vld [tilespmem:s18+$0xFFFFFFE0];
	s16 =	sor.u32 $0x4000, s14  }
0x32: {  	s31 =	sshrl.u32 s15, $0x2;
	s15 =	sadd.s32 $0x0, s16  }
0x33: {  	s17 =	simm.s32 $0x4;
	s18 =	sadd.s32 $0x40, s18;
	s14 =	sor.u32 $0x4000, s31;
	[tilespmem:s15+$0x1830 ss:$0x81] =	vst.msk $0xffff, v3  }
.LBB1_3:
0x34: {  	v3 =	vld [tilespmem:s18+$0x10];
	p1 =	sne.s32 s17, $0x1FC;
	[tilespmem:s15+$0x810 ss:$0x81] =	vst.msk $0xffff, v2;
	s19 =	smov.u32 s17;
	s17 =	sadd.s32 $0x4, s17  }
.Ltmp3:
0x35: {  	v2 =	vld [tilespmem:s18+$0xFFFFFFF0];
	[tilespmem:s15+$0x1020 ss:$0x81] =	vst.msk $0xffff, v0;
	(pc) =	sbr.rel @p1 .LBB1_3-.Ltmp3, $4  }
0x36: {  	v0 =	vld [tilespmem:s18+$0x0];
	[tilespmem:s15+$0x0 ss:$0x81] =	vst.msk $0xffff, v1  }
0x37: {  	s15 =	sshra.s32 s19, $0x2;
	v1 =	vld [tilespmem:s18+$0xFFFFFFE0]  }
0x38: {  	s15 =	sadd.s32 s15, s16  }
0x39: {  	s18 =	sadd.s32 $0x40, s18;
	[tilespmem:s15+$0x1830 ss:$0x81] =	vst.msk $0xffff, v3  }
.Ltmp4:
0x3a: {  	_ = 	snop;
	(pc) =	sbr.rel .LBB1_4-.Ltmp4, $1  }
0x3b: {  	_ =	sdelay $0x3  }
.LBB1_6:
0x3c: {  	_ =	sfence.sel $0x180000  }
0x3d: {  	s2 =	simm.s32 $0x1;
	[bflag:$0x0] =	sbarrier.arrive $0xFFFF  }
0x3e: {  	s31 =	simm.s32 $0x2;
	[sflag:s2] =	ssyncpa.u1 $0x1  }
0x3f: {  	[sflag:s31] =	ssyncpa.u1 $0x1  }
0x40: {  	p0 =	sne.s32 s0, $0x0;
	_ =	strace $0x9000004A  }
0x41: {  	s0 =	sadd.s32 @!p0 $0x100000, s1;
	[bflag:$0x2] =	sbarrier.arrive $0xFFFF  }
0x42: {  	[sflag:s0] =	ssyncadd.tile.s32 @!p0 $0x1;
	_ =	shalt  }
.Lfunc_end1:
_tile_overlayer_lowered:
.L_overlay_start_2:
0x43: {  	(tag) =	ssettag $0x2  }
0x44: {  	s0 =	rddreg [dreg:$0x0];
	s2 =	stileid.u32  }
0x45: {  	s1 =	rddreg [dreg:$0x1];
	p0 =	sne.s32 s2, $0x0  }
0x46: {  	s3 =	rddreg [dreg:$0x2];
	[bflag:$0x3] =	sbarrier.arrive $0xFFFF;
	s2 =	simm.s32 @!p0 $0x1C01  }
0x47: {  	[timem:s3], [sflag:s2] =	dma.local @!p0 [hbm:s0], s1  }
0x48: {  	s0 =	simm.s32 @!p0 $0x1  }
0x49: {  	_ =	swait.ge @!p0 [sflag:s0], s1  }
0x4a: {  	s1 =	ssub.s32 @!p0 $0x0, s1;
	[sflag:s0] =	ssyncset.done @!p0 $0x0  }
0x4b: {  	[sflag:s0] =	ssyncadd.s32 @!p0 s1  }
0x4c: {  	[bflag:$0x3] =	sbarrier.arrive $0xFFFF  }
0x4d: {  	_ =	shalt  }

</sc_bundles>
